<compile_context>
chip_gen: v7x
topology: tpu7x:2x2x1
jax: 0.10.2.dev20260603
libtpu: 0.0.44.dev20260713+nightly
codegen_flags: <defaults>
</compile_context>

<pallas_src>
import functools

import jax
import jax.numpy as jnp
from jax import lax
from jax.experimental import pallas as pl
from jax.experimental.pallas import tpu as pltpu
from jax.experimental.pallas import tpu_sc as plsc

N = 10000
E = 320000
DF = 128
DH = 256
DC = 64

NC = 2
NS = 16
NW = NC * NS
EPW = E // NW
CHUNK = 125
NCHUNK = EPW // CHUNK
RPT = N // NS
NBUF = 4
DEGW = 8

_sc_mesh = plsc.VectorSubcoreMesh(core_axis_name="c", subcore_axis_name="s")


def _wid(c, s):
    return c * NS + s


def _deg_body(edges_hbm, ones_hbm, zeros_hbm, deg_out, idx_v, ones_v, sem, accum):
    c = lax.axis_index("c")
    s = lax.axis_index("s")
    rows = pl.ds(s * RPT, RPT)
    pltpu.sync_copy(zeros_hbm.at[rows], accum.at[rows])
    pltpu.sync_copy(ones_hbm, ones_v)
    pltpu.sync_copy(edges_hbm.at[1, _wid(c, s)], idx_v)
    plsc.subcore_barrier()

    def body(j, carry):
        pltpu.sync_copy(ones_v, accum.at[idx_v.at[j]], add=True)
        return carry

    lax.fori_loop(0, NCHUNK, body, 0)
    plsc.subcore_barrier()
    pltpu.sync_copy(accum.at[rows], deg_out.at[c, rows])


_deg_kernel = functools.partial(
    pl.kernel,
    out_type=jax.ShapeDtypeStruct((NC, N, DEGW), jnp.float32),
    mesh=_sc_mesh,
    scratch_types=[
        pltpu.VMEM((NCHUNK, CHUNK), jnp.int32),
        pltpu.VMEM((CHUNK, DEGW), jnp.float32),
        pltpu.SemaphoreType.DMA,
        pltpu.VMEM_SHARED((N, DEGW), jnp.float32),
    ],
    compiler_params=pltpu.CompilerParams(use_tc_tiling_on_sc=False),
)(_deg_body)


def _prop_body(table_hbm, edges_hbm, zeros_hbm, part_out,
               src_v, dst_v, bufs, sems, accum):
    c = lax.axis_index("c")
    s = lax.axis_index("s")
    rows = pl.ds(s * RPT, RPT)
    pltpu.sync_copy(zeros_hbm.at[rows], accum.at[rows])
    pltpu.sync_copy(edges_hbm.at[0, _wid(c, s)], src_v)
    pltpu.sync_copy(edges_hbm.at[1, _wid(c, s)], dst_v)
    plsc.subcore_barrier()

    def gather(j, buf, sem):
        pltpu.async_copy(table_hbm.at[src_v.at[j]], buf, sem)

    def gwait(j, buf, sem):
        pltpu.make_async_copy(table_hbm.at[src_v.at[j]], buf, sem).wait()

    for k in range(NBUF):
        gather(k, bufs.at[k], sems.at[k])

    def body(jn, carry):
        j = NBUF * jn
        for k in range(NBUF):
            gwait(j + k, bufs.at[k], sems.at[k])
            gather(jnp.minimum(j + k + NBUF, NCHUNK - 1), bufs.at[k], sems.at[k])
            pltpu.sync_copy(bufs.at[k], accum.at[dst_v.at[j + k]], add=True)
        return carry

    lax.fori_loop(0, NCHUNK // NBUF, body, 0)
    for k in range(NBUF):
        gwait(NCHUNK - 1, bufs.at[k], sems.at[k])
    plsc.subcore_barrier()
    pltpu.sync_copy(accum.at[rows], part_out.at[c, rows])


def _prop_kernel(d):
    return functools.partial(
        pl.kernel,
        out_type=jax.ShapeDtypeStruct((NC, N, d), jnp.float32),
        mesh=_sc_mesh,
        scratch_types=[
            pltpu.VMEM((NCHUNK, CHUNK), jnp.int32),
            pltpu.VMEM((NCHUNK, CHUNK), jnp.int32),
            pltpu.VMEM((NBUF, CHUNK, d), jnp.float32),
            pltpu.SemaphoreType.DMA((NBUF,)),
            pltpu.VMEM_SHARED((N, d), jnp.float32),
        ],
        compiler_params=pltpu.CompilerParams(use_tc_tiling_on_sc=False),
    )(_prop_body)


_prop64 = _prop_kernel(DC)





def _dinv(dp_ref):
    return lax.rsqrt(dp_ref[0] + dp_ref[1] + 1.0)[:, 0:1]


def _prescale_body(dp_ref, x_ref, lo_ref, hi_ref):
    xs = x_ref[...] * _dinv(dp_ref)
    lo_ref[...] = xs[:, :DC]
    hi_ref[...] = xs[:, DC:]


def _mid_body(dp_ref, plo_ref, phi_ref, xlo_ref, xhi_ref, w1_ref, b1_ref, w2_ref, o_ref):
    dinv = _dinv(dp_ref)
    p_lo = plo_ref[0] + plo_ref[1] + xlo_ref[...]
    p_hi = phi_ref[0] + phi_ref[1] + xhi_ref[...]
    p = jnp.concatenate([p_lo, p_hi], axis=1) * dinv
    h = jnp.dot(p, w1_ref[...], preferred_element_type=jnp.float32)
    h = jnp.maximum(h + b1_ref[0:1, :], 0.0)
    q = jnp.dot(h, w2_ref[...], preferred_element_type=jnp.float32)
    o_ref[...] = q * dinv


def _final_body(dp_ref, rp_ref, qs_ref, b2_ref, o_ref):
    o_ref[...] = (rp_ref[0] + rp_ref[1] + qs_ref[...]) * _dinv(dp_ref) + b2_ref[0:1, :]


_BN = 1000


def _dp_spec():
    return pl.BlockSpec((NC, _BN, DEGW), lambda i: (0, i, 0))


def _row_spec(d):
    return pl.BlockSpec((_BN, d), lambda i: (i, 0))


def _part_spec(d):
    return pl.BlockSpec((NC, _BN, d), lambda i: (0, i, 0))


def _full_spec(r, d):
    return pl.BlockSpec((r, d), lambda i: (0, 0))


_prescale = pl.pallas_call(
    _prescale_body,
    grid=(N // _BN,),
    in_specs=[_dp_spec(), _row_spec(DF)],
    out_specs=[_row_spec(DC), _row_spec(DC)],
    out_shape=[jax.ShapeDtypeStruct((N, DC), jnp.float32),
               jax.ShapeDtypeStruct((N, DC), jnp.float32)],
)

_mid = pl.pallas_call(
    _mid_body,
    grid=(N // _BN,),
    in_specs=[_dp_spec(), _part_spec(DC), _part_spec(DC),
              _row_spec(DC), _row_spec(DC),
              _full_spec(DF, DH), _full_spec(8, DH), _full_spec(DH, DC)],
    out_specs=_row_spec(DC),
    out_shape=jax.ShapeDtypeStruct((N, DC), jnp.float32),
)

_final = pl.pallas_call(
    _final_body,
    grid=(N // _BN,),
    in_specs=[_dp_spec(), _part_spec(DC), _row_spec(DC), _full_spec(8, DC)],
    out_specs=_row_spec(DC),
    out_shape=jax.ShapeDtypeStruct((N, DC), jnp.float32),
)


@jax.jit
def kernel(x, edge_index, W1, b1, W2, b2):
    edges = edge_index.astype(jnp.int32).reshape(2, NW, NCHUNK, CHUNK)

    ones_rows = jnp.ones((CHUNK, DEGW), jnp.float32)
    zeros_deg = jnp.zeros((N, DEGW), jnp.float32)
    zeros_c = jnp.zeros((N, DC), jnp.float32)

    deg_part = _deg_kernel(edges, ones_rows, zeros_deg)
    x_lo, x_hi = _prescale(deg_part, x)
    p_lo = _prop64(x_lo, edges, zeros_c)
    p_hi = _prop64(x_hi, edges, zeros_c)
    qs = _mid(deg_part, p_lo, p_hi, x_lo, x_hi, W1,
              jnp.broadcast_to(b1, (8, DH)), W2)
    r_part = _prop64(qs, edges, zeros_c)
    return _final(deg_part, r_part, qs, jnp.broadcast_to(b2, (8, DC)))

# --- scband reference (transcript-rebuilt; emitter-appended) ---
"""Pipeline reference for scband-gcn-68865505624224 (READ-ONLY COPY).

The authoritative reference and input builder live on the scoring server;
editing this copy changes nothing except your own understanding.
"""

import jax, jax.numpy as jnp
import numpy as np

N_NODES = 10000
N_EDGES = 320000
D_FEAT = 128
D_HID = 256
N_CLASSES = 64


def setup_inputs(seed: int = 0) -> dict:
    key = jax.random.key(seed)
    k1, k2, k3, k4, k5, k6 = jax.random.split(key, 6)
    x = jax.random.normal(k1, (N_NODES, D_FEAT), dtype=jnp.float32)
    edge_index = jax.random.randint(k2, (2, N_EDGES), 0, N_NODES, dtype=jnp.int64)
    # GCNConv weights (glorot-style scale) and biases
    W1 = jax.random.normal(k3, (D_FEAT, D_HID), dtype=jnp.float32) * (1.0 / np.sqrt(D_FEAT))
    b1 = jnp.zeros((D_HID,), dtype=jnp.float32)
    W2 = jax.random.normal(k4, (D_HID, N_CLASSES), dtype=jnp.float32) * (1.0 / np.sqrt(D_HID))
    b2 = jnp.zeros((N_CLASSES,), dtype=jnp.float32)
    return {"x": x, "edge_index": edge_index, "W1": W1, "b1": b1, "W2": W2, "b2": b2}


def _gcn_conv(x, src, dst, W, b, n_nodes):
    # x' = D^{-1/2} (A + I) D^{-1/2} (x W) + b, matching PyG GCNConv defaults
    xw = x @ W
    ew = jnp.ones(src.shape[0], dtype=x.dtype)
    deg = jnp.zeros((n_nodes,), dtype=x.dtype).at[dst].add(ew)
    dinv = jnp.where(deg > 0, jax.lax.rsqrt(deg), 0.0)
    norm = dinv[src] * dinv[dst]
    msgs = xw[src] * norm[:, None]
    out = jnp.zeros((n_nodes, W.shape[1]), dtype=x.dtype).at[dst].add(msgs)
    return out + b


def reference(x, edge_index, W1, b1, W2, b2):
    n_nodes = x.shape[0]
    loop = jnp.arange(n_nodes, dtype=edge_index.dtype)
    src = jnp.concatenate([edge_index[0], loop])
    dst = jnp.concatenate([edge_index[1], loop])
    h = _gcn_conv(x, src, dst, W1, b1, n_nodes)
    h = jax.nn.relu(h)
    # dropout(p=0.8) is identity at inference time
    out = _gcn_conv(h, src, dst, W2, b2, n_nodes)
    return out

if __name__ == "__main__":
    import jax
    _d = setup_inputs()
    print(jax.jit(kernel)(*tuple(_d.values())))

</pallas_src>

<mosaic_0001>
#map = affine_map<(d0, d1) -> (0, 0)>
#map1 = affine_map<(d0, d1) -> (0, 0, 0, 0)>
#map2 = affine_map<(d0, d1) -> (0, 0, 0)>
module attributes {stable_mosaic.version = 14 : i64} {
  func.func @_prop_body(%arg0: i32, %arg1: i32, %arg2: memref<10000x64xf32, #tpu.memory_space<hbm>>, %arg3: memref<2x32x80x125xi32, #tpu.memory_space<hbm>>, %arg4: memref<10000x64xf32, #tpu.memory_space<hbm>>, %arg5: memref<2x10000x64xf32, #tpu.memory_space<hbm>>, %arg6: memref<80x125xi32, #tpu.memory_space<vmem>>, %arg7: memref<80x125xi32, #tpu.memory_space<vmem>>, %arg8: memref<4x125x64xf32, #tpu.memory_space<vmem>>, %arg9: memref<4x!tpu.dma_semaphore, #tpu.memory_space<semaphore_mem>>, %arg10: memref<10000x64xf32, #tpu.memory_space<vmem_shared>>) attributes {dimension_semantics = [#tpu.dimension_semantics<core_parallel>, #tpu.dimension_semantics<subcore_parallel>], iteration_bounds = array<i64: 2, 16>, scalar_prefetch = 0 : i64, scratch_operands = 5 : i64, tpu.core_type = #tpu.core_type<sc_vector_subcore>, window_params = [{transform_indices = #map}, {transform_indices = #map1}, {transform_indices = #map}, {transform_indices = #map2}]} {
    %mul3A = arith.constant 625 : i32
    %mul3A_0 = arith.muli %arg1, %mul3A : i32
    "tpu.region"() ({
      %run_scoped3A_131 = tpu.sem_alloc : memref<!tpu.dma_semaphore, #tpu.memory_space<semaphore_mem>>
      %dma_start3A_132 = arith.constant 0 : i32
      %dma_start3A_133 = tpu.memref_slice %arg10[%mul3A_0, %dma_start3A_132] : memref<10000x64xf32, #tpu.memory_space<vmem_shared>> -> memref<625x64xf32, #tpu.memory_space<vmem_shared>>
      %dma_start3A_134 = arith.constant 0 : i32
      %dma_start3A_135 = tpu.memref_slice %arg4[%mul3A_0, %dma_start3A_134] : memref<10000x64xf32, #tpu.memory_space<hbm>> -> memref<625x64xf32, #tpu.memory_space<hbm>>
      tpu.enqueue_dma source(%dma_start3A_135 : memref<625x64xf32, #tpu.memory_space<hbm>>) target(%dma_start3A_133 : memref<625x64xf32, #tpu.memory_space<vmem_shared>>) target_semaphore(%run_scoped3A_131 : memref<!tpu.dma_semaphore, #tpu.memory_space<semaphore_mem>>)
      %dma_wait3A_136 = arith.constant 0 : i32
      %dma_wait3A_137 = tpu.memref_slice %arg10[%mul3A_0, %dma_wait3A_136] : memref<10000x64xf32, #tpu.memory_space<vmem_shared>> -> memref<625x64xf32, #tpu.memory_space<vmem_shared>>
      %dma_wait3A_138 = arith.constant 0 : i32
      %dma_wait3A_139 = tpu.memref_slice %arg4[%mul3A_0, %dma_wait3A_138] : memref<10000x64xf32, #tpu.memory_space<hbm>> -> memref<625x64xf32, #tpu.memory_space<hbm>>
      tpu.wait_dma2 semaphore(%run_scoped3A_131 : memref<!tpu.dma_semaphore, #tpu.memory_space<semaphore_mem>>) src(%dma_wait3A_139 : memref<625x64xf32, #tpu.memory_space<hbm>>) dst(%dma_wait3A_137 : memref<625x64xf32, #tpu.memory_space<vmem_shared>>)
      tpu.yield
    }) : () -> ()
    %mul3A_1 = arith.constant 16 : i32
    %mul3A_2 = arith.muli %arg0, %mul3A_1 : i32
    %add3A = arith.addi %mul3A_2, %arg1 : i32
    %run_scoped3A = arith.constant 0 : i32
    "tpu.region"() ({
      %run_scoped3A_131 = tpu.sem_alloc : memref<!tpu.dma_semaphore, #tpu.memory_space<semaphore_mem>>
      %dma_start3A_132 = arith.constant 0 : i32
      %dma_start3A_133 = arith.constant 0 : i32
      %dma_start3A_134 = tpu.memref_slice %arg3[%run_scoped3A, %add3A, %dma_start3A_132, %dma_start3A_133] : memref<2x32x80x125xi32, #tpu.memory_space<hbm>> -> memref<1x1x80x125xi32, #tpu.memory_space<hbm>>
      %dma_start3A_135 = tpu.memref_squeeze %dma_start3A_134 : memref<1x1x80x125xi32, #tpu.memory_space<hbm>> -> memref<80x125xi32, #tpu.memory_space<hbm>>
      %dma_start3A_136 = arith.constant 0 : i32
      %dma_start3A_137 = arith.constant 0 : i32
      %dma_start3A_138 = tpu.memref_slice %arg3[%run_scoped3A, %add3A, %dma_start3A_136, %dma_start3A_137] : memref<2x32x80x125xi32, #tpu.memory_space<hbm>> -> memref<1x1x80x125xi32, #tpu.memory_space<hbm>>
      %dma_start3A_139 = tpu.memref_squeeze %dma_start3A_138 : memref<1x1x80x125xi32, #tpu.memory_space<hbm>> -> memref<80x125xi32, #tpu.memory_space<hbm>>
      tpu.enqueue_dma source(%dma_start3A_139 : memref<80x125xi32, #tpu.memory_space<hbm>>) target(%arg6 : memref<80x125xi32, #tpu.memory_space<vmem>>) target_semaphore(%run_scoped3A_131 : memref<!tpu.dma_semaphore, #tpu.memory_space<semaphore_mem>>)
      %dma_wait3A_140 = arith.constant 0 : i32
      %dma_wait3A_141 = arith.constant 0 : i32
      %dma_wait3A_142 = tpu.memref_slice %arg3[%run_scoped3A, %add3A, %dma_wait3A_140, %dma_wait3A_141] : memref<2x32x80x125xi32, #tpu.memory_space<hbm>> -> memref<1x1x80x125xi32, #tpu.memory_space<hbm>>
      %dma_wait3A_143 = tpu.memref_squeeze %dma_wait3A_142 : memref<1x1x80x125xi32, #tpu.memory_space<hbm>> -> memref<80x125xi32, #tpu.memory_space<hbm>>
      %dma_wait3A_144 = arith.constant 0 : i32
      %dma_wait3A_145 = arith.constant 0 : i32
      %dma_wait3A_146 = tpu.memref_slice %arg3[%run_scoped3A, %add3A, %dma_wait3A_144, %dma_wait3A_145] : memref<2x32x80x125xi32, #tpu.memory_space<hbm>> -> memref<1x1x80x125xi32, #tpu.memory_space<hbm>>
      %dma_wait3A_147 = tpu.memref_squeeze %dma_wait3A_146 : memref<1x1x80x125xi32, #tpu.memory_space<hbm>> -> memref<80x125xi32, #tpu.memory_space<hbm>>
      tpu.wait_dma2 semaphore(%run_scoped3A_131 : memref<!tpu.dma_semaphore, #tpu.memory_space<semaphore_mem>>) src(%dma_wait3A_147 : memref<80x125xi32, #tpu.memory_space<hbm>>) dst(%arg6 : memref<80x125xi32, #tpu.memory_space<vmem>>)
      tpu.yield
    }) : () -> ()
    %mul3A_3 = arith.constant 16 : i32
    %mul3A_4 = arith.muli %arg0, %mul3A_3 : i32
    %add3A_5 = arith.addi %mul3A_4, %arg1 : i32
    %run_scoped3A_6 = arith.constant 1 : i32
    "tpu.region"() ({
      %run_scoped3A_131 = tpu.sem_alloc : memref<!tpu.dma_semaphore, #tpu.memory_space<semaphore_mem>>
      %dma_start3A_132 = arith.constant 0 : i32
      %dma_start3A_133 = arith.constant 0 : i32
      %dma_start3A_134 = tpu.memref_slice %arg3[%run_scoped3A_6, %add3A_5, %dma_start3A_132, %dma_start3A_133] : memref<2x32x80x125xi32, #tpu.memory_space<hbm>> -> memref<1x1x80x125xi32, #tpu.memory_space<hbm>>
      %dma_start3A_135 = tpu.memref_squeeze %dma_start3A_134 : memref<1x1x80x125xi32, #tpu.memory_space<hbm>> -> memref<80x125xi32, #tpu.memory_space<hbm>>
      %dma_start3A_136 = arith.constant 0 : i32
      %dma_start3A_137 = arith.constant 0 : i32
      %dma_start3A_138 = tpu.memref_slice %arg3[%run_scoped3A_6, %add3A_5, %dma_start3A_136, %dma_start3A_137] : memref<2x32x80x125xi32, #tpu.memory_space<hbm>> -> memref<1x1x80x125xi32, #tpu.memory_space<hbm>>
      %dma_start3A_139 = tpu.memref_squeeze %dma_start3A_138 : memref<1x1x80x125xi32, #tpu.memory_space<hbm>> -> memref<80x125xi32, #tpu.memory_space<hbm>>
      tpu.enqueue_dma source(%dma_start3A_139 : memref<80x125xi32, #tpu.memory_space<hbm>>) target(%arg7 : memref<80x125xi32, #tpu.memory_space<vmem>>) target_semaphore(%run_scoped3A_131 : memref<!tpu.dma_semaphore, #tpu.memory_space<semaphore_mem>>)
      %dma_wait3A_140 = arith.constant 0 : i32
      %dma_wait3A_141 = arith.constant 0 : i32
      %dma_wait3A_142 = tpu.memref_slice %arg3[%run_scoped3A_6, %add3A_5, %dma_wait3A_140, %dma_wait3A_141] : memref<2x32x80x125xi32, #tpu.memory_space<hbm>> -> memref<1x1x80x125xi32, #tpu.memory_space<hbm>>
      %dma_wait3A_143 = tpu.memref_squeeze %dma_wait3A_142 : memref<1x1x80x125xi32, #tpu.memory_space<hbm>> -> memref<80x125xi32, #tpu.memory_space<hbm>>
      %dma_wait3A_144 = arith.constant 0 : i32
      %dma_wait3A_145 = arith.constant 0 : i32
      %dma_wait3A_146 = tpu.memref_slice %arg3[%run_scoped3A_6, %add3A_5, %dma_wait3A_144, %dma_wait3A_145] : memref<2x32x80x125xi32, #tpu.memory_space<hbm>> -> memref<1x1x80x125xi32, #tpu.memory_space<hbm>>
      %dma_wait3A_147 = tpu.memref_squeeze %dma_wait3A_146 : memref<1x1x80x125xi32, #tpu.memory_space<hbm>> -> memref<80x125xi32, #tpu.memory_space<hbm>>
      tpu.wait_dma2 semaphore(%run_scoped3A_131 : memref<!tpu.dma_semaphore, #tpu.memory_space<semaphore_mem>>) src(%dma_wait3A_147 : memref<80x125xi32, #tpu.memory_space<hbm>>) dst(%arg7 : memref<80x125xi32, #tpu.memory_space<vmem>>)
      tpu.yield
    }) : () -> ()
    %barrier3A = arith.constant 0 : index
    tpu.barrier barrier_id(%barrier3A)
    %dma_start3A = arith.constant 0 : i32
    %dma_start3A_7 = arith.constant 0 : i32
    %dma_start3A_8 = arith.constant 0 : i32
    %dma_start3A_9 = arith.constant 0 : i32
    %dma_start3A_10 = arith.constant 0 : i32
    %dma_start3A_11 = tpu.memref_slice %arg8[%dma_start3A_7, %dma_start3A_9, %dma_start3A_10] : memref<4x125x64xf32, #tpu.memory_space<vmem>> -> memref<1x125x64xf32, #tpu.memory_space<vmem>>
    %dma_start3A_12 = tpu.memref_squeeze %dma_start3A_11 : memref<1x125x64xf32, #tpu.memory_space<vmem>> -> memref<125x64xf32, #tpu.memory_space<vmem>>
    %dma_start3A_13 = arith.constant 0 : i32
    %dma_start3A_14 = tpu.memref_slice %arg6[%dma_start3A, %dma_start3A_13] : memref<80x125xi32, #tpu.memory_space<vmem>> -> memref<1x125xi32, #tpu.memory_space<vmem>>
    %dma_start3A_15 = tpu.memref_squeeze %dma_start3A_14 : memref<1x125xi32, #tpu.memory_space<vmem>> -> memref<125xi32, #tpu.memory_space<vmem>>
    %dma_start3A_16 = arith.constant 0 : i32
    %dma_start3A_17 = arith.constant 0 : i32
    %dma_start3A_18 = tpu.memref_slice %arg2[%dma_start3A_16, %dma_start3A_17] : memref<10000x64xf32, #tpu.memory_space<hbm>> -> memref<10000x64xf32, #tpu.memory_space<hbm>>
    %dma_start3A_19 = tpu.memref_slice %arg9[%dma_start3A_8] : memref<4x!tpu.dma_semaphore, #tpu.memory_space<semaphore_mem>> -> memref<1x!tpu.dma_semaphore, #tpu.memory_space<semaphore_mem>>
    %dma_start3A_20 = tpu.memref_squeeze %dma_start3A_19 : memref<1x!tpu.dma_semaphore, #tpu.memory_space<semaphore_mem>> -> memref<!tpu.dma_semaphore, #tpu.memory_space<semaphore_mem>>
    tpu.enqueue_indirect_dma source(%dma_start3A_18 : memref<10000x64xf32, #tpu.memory_space<hbm>>) target(%dma_start3A_12 : memref<125x64xf32, #tpu.memory_space<vmem>>) offsets(%dma_start3A_15 : memref<125xi32, #tpu.memory_space<vmem>>) semaphore(%dma_start3A_20 : memref<!tpu.dma_semaphore, #tpu.memory_space<semaphore_mem>>)
    %dma_start3A_21 = arith.constant 1 : i32
    %dma_start3A_22 = arith.constant 1 : i32
    %dma_start3A_23 = arith.constant 1 : i32
    %dma_start3A_24 = arith.constant 0 : i32
    %dma_start3A_25 = arith.constant 0 : i32
    %dma_start3A_26 = tpu.memref_slice %arg8[%dma_start3A_22, %dma_start3A_24, %dma_start3A_25] : memref<4x125x64xf32, #tpu.memory_space<vmem>> -> memref<1x125x64xf32, #tpu.memory_space<vmem>>
    %dma_start3A_27 = tpu.memref_squeeze %dma_start3A_26 : memref<1x125x64xf32, #tpu.memory_space<vmem>> -> memref<125x64xf32, #tpu.memory_space<vmem>>
    %dma_start3A_28 = arith.constant 0 : i32
    %dma_start3A_29 = tpu.memref_slice %arg6[%dma_start3A_21, %dma_start3A_28] : memref<80x125xi32, #tpu.memory_space<vmem>> -> memref<1x125xi32, #tpu.memory_space<vmem>>
    %dma_start3A_30 = tpu.memref_squeeze %dma_start3A_29 : memref<1x125xi32, #tpu.memory_space<vmem>> -> memref<125xi32, #tpu.memory_space<vmem>>
    %dma_start3A_31 = arith.constant 0 : i32
    %dma_start3A_32 = arith.constant 0 : i32
    %dma_start3A_33 = tpu.memref_slice %arg2[%dma_start3A_31, %dma_start3A_32] : memref<10000x64xf32, #tpu.memory_space<hbm>> -> memref<10000x64xf32, #tpu.memory_space<hbm>>
    %dma_start3A_34 = tpu.memref_slice %arg9[%dma_start3A_23] : memref<4x!tpu.dma_semaphore, #tpu.memory_space<semaphore_mem>> -> memref<1x!tpu.dma_semaphore, #tpu.memory_space<semaphore_mem>>
    %dma_start3A_35 = tpu.memref_squeeze %dma_start3A_34 : memref<1x!tpu.dma_semaphore, #tpu.memory_space<semaphore_mem>> -> memref<!tpu.dma_semaphore, #tpu.memory_space<semaphore_mem>>
    tpu.enqueue_indirect_dma source(%dma_start3A_33 : memref<10000x64xf32, #tpu.memory_space<hbm>>) target(%dma_start3A_27 : memref<125x64xf32, #tpu.memory_space<vmem>>) offsets(%dma_start3A_30 : memref<125xi32, #tpu.memory_space<vmem>>) semaphore(%dma_start3A_35 : memref<!tpu.dma_semaphore, #tpu.memory_space<semaphore_mem>>)
    %dma_start3A_36 = arith.constant 2 : i32
    %dma_start3A_37 = arith.constant 2 : i32
    %dma_start3A_38 = arith.constant 2 : i32
    %dma_start3A_39 = arith.constant 0 : i32
    %dma_start3A_40 = arith.constant 0 : i32
    %dma_start3A_41 = tpu.memref_slice %arg8[%dma_start3A_37, %dma_start3A_39, %dma_start3A_40] : memref<4x125x64xf32, #tpu.memory_space<vmem>> -> memref<1x125x64xf32, #tpu.memory_space<vmem>>
    %dma_start3A_42 = tpu.memref_squeeze %dma_start3A_41 : memref<1x125x64xf32, #tpu.memory_space<vmem>> -> memref<125x64xf32, #tpu.memory_space<vmem>>
    %dma_start3A_43 = arith.constant 0 : i32
    %dma_start3A_44 = tpu.memref_slice %arg6[%dma_start3A_36, %dma_start3A_43] : memref<80x125xi32, #tpu.memory_space<vmem>> -> memref<1x125xi32, #tpu.memory_space<vmem>>
    %dma_start3A_45 = tpu.memref_squeeze %dma_start3A_44 : memref<1x125xi32, #tpu.memory_space<vmem>> -> memref<125xi32, #tpu.memory_space<vmem>>
    %dma_start3A_46 = arith.constant 0 : i32
    %dma_start3A_47 = arith.constant 0 : i32
    %dma_start3A_48 = tpu.memref_slice %arg2[%dma_start3A_46, %dma_start3A_47] : memref<10000x64xf32, #tpu.memory_space<hbm>> -> memref<10000x64xf32, #tpu.memory_space<hbm>>
    %dma_start3A_49 = tpu.memref_slice %arg9[%dma_start3A_38] : memref<4x!tpu.dma_semaphore, #tpu.memory_space<semaphore_mem>> -> memref<1x!tpu.dma_semaphore, #tpu.memory_space<semaphore_mem>>
    %dma_start3A_50 = tpu.memref_squeeze %dma_start3A_49 : memref<1x!tpu.dma_semaphore, #tpu.memory_space<semaphore_mem>> -> memref<!tpu.dma_semaphore, #tpu.memory_space<semaphore_mem>>
    tpu.enqueue_indirect_dma source(%dma_start3A_48 : memref<10000x64xf32, #tpu.memory_space<hbm>>) target(%dma_start3A_42 : memref<125x64xf32, #tpu.memory_space<vmem>>) offsets(%dma_start3A_45 : memref<125xi32, #tpu.memory_space<vmem>>) semaphore(%dma_start3A_50 : memref<!tpu.dma_semaphore, #tpu.memory_space<semaphore_mem>>)
    %dma_start3A_51 = arith.constant 3 : i32
    %dma_start3A_52 = arith.constant 3 : i32
    %dma_start3A_53 = arith.constant 3 : i32
    %dma_start3A_54 = arith.constant 0 : i32
    %dma_start3A_55 = arith.constant 0 : i32
    %dma_start3A_56 = tpu.memref_slice %arg8[%dma_start3A_52, %dma_start3A_54, %dma_start3A_55] : memref<4x125x64xf32, #tpu.memory_space<vmem>> -> memref<1x125x64xf32, #tpu.memory_space<vmem>>
    %dma_start3A_57 = tpu.memref_squeeze %dma_start3A_56 : memref<1x125x64xf32, #tpu.memory_space<vmem>> -> memref<125x64xf32, #tpu.memory_space<vmem>>
    %dma_start3A_58 = arith.constant 0 : i32
    %dma_start3A_59 = tpu.memref_slice %arg6[%dma_start3A_51, %dma_start3A_58] : memref<80x125xi32, #tpu.memory_space<vmem>> -> memref<1x125xi32, #tpu.memory_space<vmem>>
    %dma_start3A_60 = tpu.memref_squeeze %dma_start3A_59 : memref<1x125xi32, #tpu.memory_space<vmem>> -> memref<125xi32, #tpu.memory_space<vmem>>
    %dma_start3A_61 = arith.constant 0 : i32
    %dma_start3A_62 = arith.constant 0 : i32
    %dma_start3A_63 = tpu.memref_slice %arg2[%dma_start3A_61, %dma_start3A_62] : memref<10000x64xf32, #tpu.memory_space<hbm>> -> memref<10000x64xf32, #tpu.memory_space<hbm>>
    %dma_start3A_64 = tpu.memref_slice %arg9[%dma_start3A_53] : memref<4x!tpu.dma_semaphore, #tpu.memory_space<semaphore_mem>> -> memref<1x!tpu.dma_semaphore, #tpu.memory_space<semaphore_mem>>
    %dma_start3A_65 = tpu.memref_squeeze %dma_start3A_64 : memref<1x!tpu.dma_semaphore, #tpu.memory_space<semaphore_mem>> -> memref<!tpu.dma_semaphore, #tpu.memory_space<semaphore_mem>>
    tpu.enqueue_indirect_dma source(%dma_start3A_63 : memref<10000x64xf32, #tpu.memory_space<hbm>>) target(%dma_start3A_57 : memref<125x64xf32, #tpu.memory_space<vmem>>) offsets(%dma_start3A_60 : memref<125xi32, #tpu.memory_space<vmem>>) semaphore(%dma_start3A_65 : memref<!tpu.dma_semaphore, #tpu.memory_space<semaphore_mem>>)
    %scan3A = arith.constant 0 : i32
    %scan3A_66 = arith.constant 0 : i32
    %scan3A_67 = arith.constant 20 : i32
    %scan3A_68 = arith.addi %scan3A_66, %scan3A_67 : i32
    %scan3A_69 = arith.constant 1 : i32
    scf.for %scan3A_131 = %scan3A_66 to %scan3A_68 step %scan3A_69  : i32 {
      %mul3A_132 = arith.constant 4 : i32
      %mul3A_133 = arith.muli %mul3A_132, %scan3A_131 : i32
      %add3A_134 = arith.constant 0 : i32
      %add3A_135 = arith.addi %mul3A_133, %add3A_134 : i32
      %dma_wait3A_136 = arith.constant 0 : i32
      %dma_wait3A_137 = arith.constant 0 : i32
      %dma_wait3A_138 = arith.constant 0 : i32
      %dma_wait3A_139 = arith.constant 0 : i32
      %dma_wait3A_140 = tpu.memref_slice %arg8[%dma_wait3A_136, %dma_wait3A_138, %dma_wait3A_139] : memref<4x125x64xf32, #tpu.memory_space<vmem>> -> memref<1x125x64xf32, #tpu.memory_space<vmem>>
      %dma_wait3A_141 = tpu.memref_squeeze %dma_wait3A_140 : memref<1x125x64xf32, #tpu.memory_space<vmem>> -> memref<125x64xf32, #tpu.memory_space<vmem>>
      %dma_wait3A_142 = arith.constant 0 : i32
      %dma_wait3A_143 = tpu.memref_slice %arg6[%add3A_135, %dma_wait3A_142] : memref<80x125xi32, #tpu.memory_space<vmem>> -> memref<1x125xi32, #tpu.memory_space<vmem>>
      %dma_wait3A_144 = tpu.memref_squeeze %dma_wait3A_143 : memref<1x125xi32, #tpu.memory_space<vmem>> -> memref<125xi32, #tpu.memory_space<vmem>>
      %dma_wait3A_145 = arith.constant 0 : i32
      %dma_wait3A_146 = arith.constant 0 : i32
      %dma_wait3A_147 = tpu.memref_slice %arg2[%dma_wait3A_145, %dma_wait3A_146] : memref<10000x64xf32, #tpu.memory_space<hbm>> -> memref<10000x64xf32, #tpu.memory_space<hbm>>
      %dma_wait3A_148 = tpu.memref_slice %arg9[%dma_wait3A_137] : memref<4x!tpu.dma_semaphore, #tpu.memory_space<semaphore_mem>> -> memref<1x!tpu.dma_semaphore, #tpu.memory_space<semaphore_mem>>
      %dma_wait3A_149 = tpu.memref_squeeze %dma_wait3A_148 : memref<1x!tpu.dma_semaphore, #tpu.memory_space<semaphore_mem>> -> memref<!tpu.dma_semaphore, #tpu.memory_space<semaphore_mem>>
      tpu.wait_indirect_dma semaphore(%dma_wait3A_149 : memref<!tpu.dma_semaphore, #tpu.memory_space<semaphore_mem>>) src(%dma_wait3A_147 : memref<10000x64xf32, #tpu.memory_space<hbm>>) dst(%dma_wait3A_141 : memref<125x64xf32, #tpu.memory_space<vmem>>)
      %add3A_150 = arith.constant 0 : i32
      %add3A_151 = arith.addi %mul3A_133, %add3A_150 : i32
      %add3A_152 = arith.constant 4 : i32
      %add3A_153 = arith.addi %add3A_151, %add3A_152 : i32
      %min3A = arith.constant 79 : i32
      %min3A_154 = arith.minsi %add3A_153, %min3A : i32
      %dma_start3A_155 = arith.constant 0 : i32
      %dma_start3A_156 = arith.constant 0 : i32
      %dma_start3A_157 = arith.constant 0 : i32
      %dma_start3A_158 = arith.constant 0 : i32
      %dma_start3A_159 = tpu.memref_slice %arg8[%dma_start3A_155, %dma_start3A_157, %dma_start3A_158] : memref<4x125x64xf32, #tpu.memory_space<vmem>> -> memref<1x125x64xf32, #tpu.memory_space<vmem>>
      %dma_start3A_160 = tpu.memref_squeeze %dma_start3A_159 : memref<1x125x64xf32, #tpu.memory_space<vmem>> -> memref<125x64xf32, #tpu.memory_space<vmem>>
      %dma_start3A_161 = arith.constant 0 : i32
      %dma_start3A_162 = tpu.memref_slice %arg6[%min3A_154, %dma_start3A_161] : memref<80x125xi32, #tpu.memory_space<vmem>> -> memref<1x125xi32, #tpu.memory_space<vmem>>
      %dma_start3A_163 = tpu.memref_squeeze %dma_start3A_162 : memref<1x125xi32, #tpu.memory_space<vmem>> -> memref<125xi32, #tpu.memory_space<vmem>>
      %dma_start3A_164 = arith.constant 0 : i32
      %dma_start3A_165 = arith.constant 0 : i32
      %dma_start3A_166 = tpu.memref_slice %arg2[%dma_start3A_164, %dma_start3A_165] : memref<10000x64xf32, #tpu.memory_space<hbm>> -> memref<10000x64xf32, #tpu.memory_space<hbm>>
      %dma_start3A_167 = tpu.memref_slice %arg9[%dma_start3A_156] : memref<4x!tpu.dma_semaphore, #tpu.memory_space<semaphore_mem>> -> memref<1x!tpu.dma_semaphore, #tpu.memory_space<semaphore_mem>>
      %dma_start3A_168 = tpu.memref_squeeze %dma_start3A_167 : memref<1x!tpu.dma_semaphore, #tpu.memory_space<semaphore_mem>> -> memref<!tpu.dma_semaphore, #tpu.memory_space<semaphore_mem>>
      tpu.enqueue_indirect_dma source(%dma_start3A_166 : memref<10000x64xf32, #tpu.memory_space<hbm>>) target(%dma_start3A_160 : memref<125x64xf32, #tpu.memory_space<vmem>>) offsets(%dma_start3A_163 : memref<125xi32, #tpu.memory_space<vmem>>) semaphore(%dma_start3A_168 : memref<!tpu.dma_semaphore, #tpu.memory_space<semaphore_mem>>)
      %add3A_169 = arith.constant 0 : i32
      %add3A_170 = arith.addi %mul3A_133, %add3A_169 : i32
      %run_scoped3A_171 = arith.constant 0 : i32
      "tpu.region"() ({
        %run_scoped3A_289 = tpu.sem_alloc : memref<!tpu.dma_semaphore, #tpu.memory_space<semaphore_mem>>
        %dma_start3A_290 = arith.constant 0 : i32
        %dma_start3A_291 = arith.constant 0 : i32
        %dma_start3A_292 = tpu.memref_slice %arg8[%run_scoped3A_171, %dma_start3A_290, %dma_start3A_291] : memref<4x125x64xf32, #tpu.memory_space<vmem>> -> memref<1x125x64xf32, #tpu.memory_space<vmem>>
        %dma_start3A_293 = tpu.memref_squeeze %dma_start3A_292 : memref<1x125x64xf32, #tpu.memory_space<vmem>> -> memref<125x64xf32, #tpu.memory_space<vmem>>
        %dma_start3A_294 = arith.constant 0 : i32
        %dma_start3A_295 = tpu.memref_slice %arg7[%add3A_170, %dma_start3A_294] : memref<80x125xi32, #tpu.memory_space<vmem>> -> memref<1x125xi32, #tpu.memory_space<vmem>>
        %dma_start3A_296 = tpu.memref_squeeze %dma_start3A_295 : memref<1x125xi32, #tpu.memory_space<vmem>> -> memref<125xi32, #tpu.memory_space<vmem>>
        %dma_start3A_297 = arith.constant 0 : i32
        %dma_start3A_298 = arith.constant 0 : i32
        %dma_start3A_299 = tpu.memref_slice %arg10[%dma_start3A_297, %dma_start3A_298] : memref<10000x64xf32, #tpu.memory_space<vmem_shared>> -> memref<10000x64xf32, #tpu.memory_space<vmem_shared>>
        tpu.enqueue_indirect_dma source(%dma_start3A_293 : memref<125x64xf32, #tpu.memory_space<vmem>>) target(%dma_start3A_299 : memref<10000x64xf32, #tpu.memory_space<vmem_shared>>) offsets(%dma_start3A_296 : memref<125xi32, #tpu.memory_space<vmem>>) semaphore(%run_scoped3A_289 : memref<!tpu.dma_semaphore, #tpu.memory_space<semaphore_mem>>) {add = true}
        %dma_wait3A_300 = arith.constant 0 : i32
        %dma_wait3A_301 = arith.constant 0 : i32
        %dma_wait3A_302 = tpu.memref_slice %arg8[%run_scoped3A_171, %dma_wait3A_300, %dma_wait3A_301] : memref<4x125x64xf32, #tpu.memory_space<vmem>> -> memref<1x125x64xf32, #tpu.memory_space<vmem>>
        %dma_wait3A_303 = tpu.memref_squeeze %dma_wait3A_302 : memref<1x125x64xf32, #tpu.memory_space<vmem>> -> memref<125x64xf32, #tpu.memory_space<vmem>>
        %dma_wait3A_304 = arith.constant 0 : i32
        %dma_wait3A_305 = tpu.memref_slice %arg7[%add3A_170, %dma_wait3A_304] : memref<80x125xi32, #tpu.memory_space<vmem>> -> memref<1x125xi32, #tpu.memory_space<vmem>>
        %dma_wait3A_306 = tpu.memref_squeeze %dma_wait3A_305 : memref<1x125xi32, #tpu.memory_space<vmem>> -> memref<125xi32, #tpu.memory_space<vmem>>
        %dma_wait3A_307 = arith.constant 0 : i32
        %dma_wait3A_308 = arith.constant 0 : i32
        %dma_wait3A_309 = tpu.memref_slice %arg10[%dma_wait3A_307, %dma_wait3A_308] : memref<10000x64xf32, #tpu.memory_space<vmem_shared>> -> memref<10000x64xf32, #tpu.memory_space<vmem_shared>>
        tpu.wait_indirect_dma semaphore(%run_scoped3A_289 : memref<!tpu.dma_semaphore, #tpu.memory_space<semaphore_mem>>) src(%dma_wait3A_303 : memref<125x64xf32, #tpu.memory_space<vmem>>) dst(%dma_wait3A_309 : memref<10000x64xf32, #tpu.memory_space<vmem_shared>>)
        tpu.yield
      }) : () -> ()
      %add3A_172 = arith.constant 1 : i32
      %add3A_173 = arith.addi %mul3A_133, %add3A_172 : i32
      %dma_wait3A_174 = arith.constant 1 : i32
      %dma_wait3A_175 = arith.constant 1 : i32
      %dma_wait3A_176 = arith.constant 0 : i32
      %dma_wait3A_177 = arith.constant 0 : i32
      %dma_wait3A_178 = tpu.memref_slice %arg8[%dma_wait3A_174, %dma_wait3A_176, %dma_wait3A_177] : memref<4x125x64xf32, #tpu.memory_space<vmem>> -> memref<1x125x64xf32, #tpu.memory_space<vmem>>
      %dma_wait3A_179 = tpu.memref_squeeze %dma_wait3A_178 : memref<1x125x64xf32, #tpu.memory_space<vmem>> -> memref<125x64xf32, #tpu.memory_space<vmem>>
      %dma_wait3A_180 = arith.constant 0 : i32
      %dma_wait3A_181 = tpu.memref_slice %arg6[%add3A_173, %dma_wait3A_180] : memref<80x125xi32, #tpu.memory_space<vmem>> -> memref<1x125xi32, #tpu.memory_space<vmem>>
      %dma_wait3A_182 = tpu.memref_squeeze %dma_wait3A_181 : memref<1x125xi32, #tpu.memory_space<vmem>> -> memref<125xi32, #tpu.memory_space<vmem>>
      %dma_wait3A_183 = arith.constant 0 : i32
      %dma_wait3A_184 = arith.constant 0 : i32
      %dma_wait3A_185 = tpu.memref_slice %arg2[%dma_wait3A_183, %dma_wait3A_184] : memref<10000x64xf32, #tpu.memory_space<hbm>> -> memref<10000x64xf32, #tpu.memory_space<hbm>>
      %dma_wait3A_186 = tpu.memref_slice %arg9[%dma_wait3A_175] : memref<4x!tpu.dma_semaphore, #tpu.memory_space<semaphore_mem>> -> memref<1x!tpu.dma_semaphore, #tpu.memory_space<semaphore_mem>>
      %dma_wait3A_187 = tpu.memref_squeeze %dma_wait3A_186 : memref<1x!tpu.dma_semaphore, #tpu.memory_space<semaphore_mem>> -> memref<!tpu.dma_semaphore, #tpu.memory_space<semaphore_mem>>
      tpu.wait_indirect_dma semaphore(%dma_wait3A_187 : memref<!tpu.dma_semaphore, #tpu.memory_space<semaphore_mem>>) src(%dma_wait3A_185 : memref<10000x64xf32, #tpu.memory_space<hbm>>) dst(%dma_wait3A_179 : memref<125x64xf32, #tpu.memory_space<vmem>>)
      %add3A_188 = arith.constant 1 : i32
      %add3A_189 = arith.addi %mul3A_133, %add3A_188 : i32
      %add3A_190 = arith.constant 4 : i32
      %add3A_191 = arith.addi %add3A_189, %add3A_190 : i32
      %min3A_192 = arith.constant 79 : i32
      %min3A_193 = arith.minsi %add3A_191, %min3A_192 : i32
      %dma_start3A_194 = arith.constant 1 : i32
      %dma_start3A_195 = arith.constant 1 : i32
      %dma_start3A_196 = arith.constant 0 : i32
      %dma_start3A_197 = arith.constant 0 : i32
      %dma_start3A_198 = tpu.memref_slice %arg8[%dma_start3A_194, %dma_start3A_196, %dma_start3A_197] : memref<4x125x64xf32, #tpu.memory_space<vmem>> -> memref<1x125x64xf32, #tpu.memory_space<vmem>>
      %dma_start3A_199 = tpu.memref_squeeze %dma_start3A_198 : memref<1x125x64xf32, #tpu.memory_space<vmem>> -> memref<125x64xf32, #tpu.memory_space<vmem>>
      %dma_start3A_200 = arith.constant 0 : i32
      %dma_start3A_201 = tpu.memref_slice %arg6[%min3A_193, %dma_start3A_200] : memref<80x125xi32, #tpu.memory_space<vmem>> -> memref<1x125xi32, #tpu.memory_space<vmem>>
      %dma_start3A_202 = tpu.memref_squeeze %dma_start3A_201 : memref<1x125xi32, #tpu.memory_space<vmem>> -> memref<125xi32, #tpu.memory_space<vmem>>
      %dma_start3A_203 = arith.constant 0 : i32
      %dma_start3A_204 = arith.constant 0 : i32
      %dma_start3A_205 = tpu.memref_slice %arg2[%dma_start3A_203, %dma_start3A_204] : memref<10000x64xf32, #tpu.memory_space<hbm>> -> memref<10000x64xf32, #tpu.memory_space<hbm>>
      %dma_start3A_206 = tpu.memref_slice %arg9[%dma_start3A_195] : memref<4x!tpu.dma_semaphore, #tpu.memory_space<semaphore_mem>> -> memref<1x!tpu.dma_semaphore, #tpu.memory_space<semaphore_mem>>
      %dma_start3A_207 = tpu.memref_squeeze %dma_start3A_206 : memref<1x!tpu.dma_semaphore, #tpu.memory_space<semaphore_mem>> -> memref<!tpu.dma_semaphore, #tpu.memory_space<semaphore_mem>>
      tpu.enqueue_indirect_dma source(%dma_start3A_205 : memref<10000x64xf32, #tpu.memory_space<hbm>>) target(%dma_start3A_199 : memref<125x64xf32, #tpu.memory_space<vmem>>) offsets(%dma_start3A_202 : memref<125xi32, #tpu.memory_space<vmem>>) semaphore(%dma_start3A_207 : memref<!tpu.dma_semaphore, #tpu.memory_space<semaphore_mem>>)
      %add3A_208 = arith.constant 1 : i32
      %add3A_209 = arith.addi %mul3A_133, %add3A_208 : i32
      %run_scoped3A_210 = arith.constant 1 : i32
      "tpu.region"() ({
        %run_scoped3A_289 = tpu.sem_alloc : memref<!tpu.dma_semaphore, #tpu.memory_space<semaphore_mem>>
        %dma_start3A_290 = arith.constant 0 : i32
        %dma_start3A_291 = arith.constant 0 : i32
        %dma_start3A_292 = tpu.memref_slice %arg8[%run_scoped3A_210, %dma_start3A_290, %dma_start3A_291] : memref<4x125x64xf32, #tpu.memory_space<vmem>> -> memref<1x125x64xf32, #tpu.memory_space<vmem>>
        %dma_start3A_293 = tpu.memref_squeeze %dma_start3A_292 : memref<1x125x64xf32, #tpu.memory_space<vmem>> -> memref<125x64xf32, #tpu.memory_space<vmem>>
        %dma_start3A_294 = arith.constant 0 : i32
        %dma_start3A_295 = tpu.memref_slice %arg7[%add3A_209, %dma_start3A_294] : memref<80x125xi32, #tpu.memory_space<vmem>> -> memref<1x125xi32, #tpu.memory_space<vmem>>
        %dma_start3A_296 = tpu.memref_squeeze %dma_start3A_295 : memref<1x125xi32, #tpu.memory_space<vmem>> -> memref<125xi32, #tpu.memory_space<vmem>>
        %dma_start3A_297 = arith.constant 0 : i32
        %dma_start3A_298 = arith.constant 0 : i32
        %dma_start3A_299 = tpu.memref_slice %arg10[%dma_start3A_297, %dma_start3A_298] : memref<10000x64xf32, #tpu.memory_space<vmem_shared>> -> memref<10000x64xf32, #tpu.memory_space<vmem_shared>>
        tpu.enqueue_indirect_dma source(%dma_start3A_293 : memref<125x64xf32, #tpu.memory_space<vmem>>) target(%dma_start3A_299 : memref<10000x64xf32, #tpu.memory_space<vmem_shared>>) offsets(%dma_start3A_296 : memref<125xi32, #tpu.memory_space<vmem>>) semaphore(%run_scoped3A_289 : memref<!tpu.dma_semaphore, #tpu.memory_space<semaphore_mem>>) {add = true}
        %dma_wait3A_300 = arith.constant 0 : i32
        %dma_wait3A_301 = arith.constant 0 : i32
        %dma_wait3A_302 = tpu.memref_slice %arg8[%run_scoped3A_210, %dma_wait3A_300, %dma_wait3A_301] : memref<4x125x64xf32, #tpu.memory_space<vmem>> -> memref<1x125x64xf32, #tpu.memory_space<vmem>>
        %dma_wait3A_303 = tpu.memref_squeeze %dma_wait3A_302 : memref<1x125x64xf32, #tpu.memory_space<vmem>> -> memref<125x64xf32, #tpu.memory_space<vmem>>
        %dma_wait3A_304 = arith.constant 0 : i32
        %dma_wait3A_305 = tpu.memref_slice %arg7[%add3A_209, %dma_wait3A_304] : memref<80x125xi32, #tpu.memory_space<vmem>> -> memref<1x125xi32, #tpu.memory_space<vmem>>
        %dma_wait3A_306 = tpu.memref_squeeze %dma_wait3A_305 : memref<1x125xi32, #tpu.memory_space<vmem>> -> memref<125xi32, #tpu.memory_space<vmem>>
        %dma_wait3A_307 = arith.constant 0 : i32
        %dma_wait3A_308 = arith.constant 0 : i32
        %dma_wait3A_309 = tpu.memref_slice %arg10[%dma_wait3A_307, %dma_wait3A_308] : memref<10000x64xf32, #tpu.memory_space<vmem_shared>> -> memref<10000x64xf32, #tpu.memory_space<vmem_shared>>
        tpu.wait_indirect_dma semaphore(%run_scoped3A_289 : memref<!tpu.dma_semaphore, #tpu.memory_space<semaphore_mem>>) src(%dma_wait3A_303 : memref<125x64xf32, #tpu.memory_space<vmem>>) dst(%dma_wait3A_309 : memref<10000x64xf32, #tpu.memory_space<vmem_shared>>)
        tpu.yield
      }) : () -> ()
      %add3A_211 = arith.constant 2 : i32
      %add3A_212 = arith.addi %mul3A_133, %add3A_211 : i32
      %dma_wait3A_213 = arith.constant 2 : i32
      %dma_wait3A_214 = arith.constant 2 : i32
      %dma_wait3A_215 = arith.constant 0 : i32
      %dma_wait3A_216 = arith.constant 0 : i32
      %dma_wait3A_217 = tpu.memref_slice %arg8[%dma_wait3A_213, %dma_wait3A_215, %dma_wait3A_216] : memref<4x125x64xf32, #tpu.memory_space<vmem>> -> memref<1x125x64xf32, #tpu.memory_space<vmem>>
      %dma_wait3A_218 = tpu.memref_squeeze %dma_wait3A_217 : memref<1x125x64xf32, #tpu.memory_space<vmem>> -> memref<125x64xf32, #tpu.memory_space<vmem>>
      %dma_wait3A_219 = arith.constant 0 : i32
      %dma_wait3A_220 = tpu.memref_slice %arg6[%add3A_212, %dma_wait3A_219] : memref<80x125xi32, #tpu.memory_space<vmem>> -> memref<1x125xi32, #tpu.memory_space<vmem>>
      %dma_wait3A_221 = tpu.memref_squeeze %dma_wait3A_220 : memref<1x125xi32, #tpu.memory_space<vmem>> -> memref<125xi32, #tpu.memory_space<vmem>>
      %dma_wait3A_222 = arith.constant 0 : i32
      %dma_wait3A_223 = arith.constant 0 : i32
      %dma_wait3A_224 = tpu.memref_slice %arg2[%dma_wait3A_222, %dma_wait3A_223] : memref<10000x64xf32, #tpu.memory_space<hbm>> -> memref<10000x64xf32, #tpu.memory_space<hbm>>
      %dma_wait3A_225 = tpu.memref_slice %arg9[%dma_wait3A_214] : memref<4x!tpu.dma_semaphore, #tpu.memory_space<semaphore_mem>> -> memref<1x!tpu.dma_semaphore, #tpu.memory_space<semaphore_mem>>
      %dma_wait3A_226 = tpu.memref_squeeze %dma_wait3A_225 : memref<1x!tpu.dma_semaphore, #tpu.memory_space<semaphore_mem>> -> memref<!tpu.dma_semaphore, #tpu.memory_space<semaphore_mem>>
      tpu.wait_indirect_dma semaphore(%dma_wait3A_226 : memref<!tpu.dma_semaphore, #tpu.memory_space<semaphore_mem>>) src(%dma_wait3A_224 : memref<10000x64xf32, #tpu.memory_space<hbm>>) dst(%dma_wait3A_218 : memref<125x64xf32, #tpu.memory_space<vmem>>)
      %add3A_227 = arith.constant 2 : i32
      %add3A_228 = arith.addi %mul3A_133, %add3A_227 : i32
      %add3A_229 = arith.constant 4 : i32
      %add3A_230 = arith.addi %add3A_228, %add3A_229 : i32
      %min3A_231 = arith.constant 79 : i32
      %min3A_232 = arith.minsi %add3A_230, %min3A_231 : i32
      %dma_start3A_233 = arith.constant 2 : i32
      %dma_start3A_234 = arith.constant 2 : i32
      %dma_start3A_235 = arith.constant 0 : i32
      %dma_start3A_236 = arith.constant 0 : i32
      %dma_start3A_237 = tpu.memref_slice %arg8[%dma_start3A_233, %dma_start3A_235, %dma_start3A_236] : memref<4x125x64xf32, #tpu.memory_space<vmem>> -> memref<1x125x64xf32, #tpu.memory_space<vmem>>
      %dma_start3A_238 = tpu.memref_squeeze %dma_start3A_237 : memref<1x125x64xf32, #tpu.memory_space<vmem>> -> memref<125x64xf32, #tpu.memory_space<vmem>>
      %dma_start3A_239 = arith.constant 0 : i32
      %dma_start3A_240 = tpu.memref_slice %arg6[%min3A_232, %dma_start3A_239] : memref<80x125xi32, #tpu.memory_space<vmem>> -> memref<1x125xi32, #tpu.memory_space<vmem>>
      %dma_start3A_241 = tpu.memref_squeeze %dma_start3A_240 : memref<1x125xi32, #tpu.memory_space<vmem>> -> memref<125xi32, #tpu.memory_space<vmem>>
      %dma_start3A_242 = arith.constant 0 : i32
      %dma_start3A_243 = arith.constant 0 : i32
      %dma_start3A_244 = tpu.memref_slice %arg2[%dma_start3A_242, %dma_start3A_243] : memref<10000x64xf32, #tpu.memory_space<hbm>> -> memref<10000x64xf32, #tpu.memory_space<hbm>>
      %dma_start3A_245 = tpu.memref_slice %arg9[%dma_start3A_234] : memref<4x!tpu.dma_semaphore, #tpu.memory_space<semaphore_mem>> -> memref<1x!tpu.dma_semaphore, #tpu.memory_space<semaphore_mem>>
      %dma_start3A_246 = tpu.memref_squeeze %dma_start3A_245 : memref<1x!tpu.dma_semaphore, #tpu.memory_space<semaphore_mem>> -> memref<!tpu.dma_semaphore, #tpu.memory_space<semaphore_mem>>
      tpu.enqueue_indirect_dma source(%dma_start3A_244 : memref<10000x64xf32, #tpu.memory_space<hbm>>) target(%dma_start3A_238 : memref<125x64xf32, #tpu.memory_space<vmem>>) offsets(%dma_start3A_241 : memref<125xi32, #tpu.memory_space<vmem>>) semaphore(%dma_start3A_246 : memref<!tpu.dma_semaphore, #tpu.memory_space<semaphore_mem>>)
      %add3A_247 = arith.constant 2 : i32
      %add3A_248 = arith.addi %mul3A_133, %add3A_247 : i32
      %run_scoped3A_249 = arith.constant 2 : i32
      "tpu.region"() ({
        %run_scoped3A_289 = tpu.sem_alloc : memref<!tpu.dma_semaphore, #tpu.memory_space<semaphore_mem>>
        %dma_start3A_290 = arith.constant 0 : i32
        %dma_start3A_291 = arith.constant 0 : i32
        %dma_start3A_292 = tpu.memref_slice %arg8[%run_scoped3A_249, %dma_start3A_290, %dma_start3A_291] : memref<4x125x64xf32, #tpu.memory_space<vmem>> -> memref<1x125x64xf32, #tpu.memory_space<vmem>>
        %dma_start3A_293 = tpu.memref_squeeze %dma_start3A_292 : memref<1x125x64xf32, #tpu.memory_space<vmem>> -> memref<125x64xf32, #tpu.memory_space<vmem>>
        %dma_start3A_294 = arith.constant 0 : i32
        %dma_start3A_295 = tpu.memref_slice %arg7[%add3A_248, %dma_start3A_294] : memref<80x125xi32, #tpu.memory_space<vmem>> -> memref<1x125xi32, #tpu.memory_space<vmem>>
        %dma_start3A_296 = tpu.memref_squeeze %dma_start3A_295 : memref<1x125xi32, #tpu.memory_space<vmem>> -> memref<125xi32, #tpu.memory_space<vmem>>
        %dma_start3A_297 = arith.constant 0 : i32
        %dma_start3A_298 = arith.constant 0 : i32
        %dma_start3A_299 = tpu.memref_slice %arg10[%dma_start3A_297, %dma_start3A_298] : memref<10000x64xf32, #tpu.memory_space<vmem_shared>> -> memref<10000x64xf32, #tpu.memory_space<vmem_shared>>
        tpu.enqueue_indirect_dma source(%dma_start3A_293 : memref<125x64xf32, #tpu.memory_space<vmem>>) target(%dma_start3A_299 : memref<10000x64xf32, #tpu.memory_space<vmem_shared>>) offsets(%dma_start3A_296 : memref<125xi32, #tpu.memory_space<vmem>>) semaphore(%run_scoped3A_289 : memref<!tpu.dma_semaphore, #tpu.memory_space<semaphore_mem>>) {add = true}
        %dma_wait3A_300 = arith.constant 0 : i32
        %dma_wait3A_301 = arith.constant 0 : i32
        %dma_wait3A_302 = tpu.memref_slice %arg8[%run_scoped3A_249, %dma_wait3A_300, %dma_wait3A_301] : memref<4x125x64xf32, #tpu.memory_space<vmem>> -> memref<1x125x64xf32, #tpu.memory_space<vmem>>
        %dma_wait3A_303 = tpu.memref_squeeze %dma_wait3A_302 : memref<1x125x64xf32, #tpu.memory_space<vmem>> -> memref<125x64xf32, #tpu.memory_space<vmem>>
        %dma_wait3A_304 = arith.constant 0 : i32
        %dma_wait3A_305 = tpu.memref_slice %arg7[%add3A_248, %dma_wait3A_304] : memref<80x125xi32, #tpu.memory_space<vmem>> -> memref<1x125xi32, #tpu.memory_space<vmem>>
        %dma_wait3A_306 = tpu.memref_squeeze %dma_wait3A_305 : memref<1x125xi32, #tpu.memory_space<vmem>> -> memref<125xi32, #tpu.memory_space<vmem>>
        %dma_wait3A_307 = arith.constant 0 : i32
        %dma_wait3A_308 = arith.constant 0 : i32
        %dma_wait3A_309 = tpu.memref_slice %arg10[%dma_wait3A_307, %dma_wait3A_308] : memref<10000x64xf32, #tpu.memory_space<vmem_shared>> -> memref<10000x64xf32, #tpu.memory_space<vmem_shared>>
        tpu.wait_indirect_dma semaphore(%run_scoped3A_289 : memref<!tpu.dma_semaphore, #tpu.memory_space<semaphore_mem>>) src(%dma_wait3A_303 : memref<125x64xf32, #tpu.memory_space<vmem>>) dst(%dma_wait3A_309 : memref<10000x64xf32, #tpu.memory_space<vmem_shared>>)
        tpu.yield
      }) : () -> ()
      %add3A_250 = arith.constant 3 : i32
      %add3A_251 = arith.addi %mul3A_133, %add3A_250 : i32
      %dma_wait3A_252 = arith.constant 3 : i32
      %dma_wait3A_253 = arith.constant 3 : i32
      %dma_wait3A_254 = arith.constant 0 : i32
      %dma_wait3A_255 = arith.constant 0 : i32
      %dma_wait3A_256 = tpu.memref_slice %arg8[%dma_wait3A_252, %dma_wait3A_254, %dma_wait3A_255] : memref<4x125x64xf32, #tpu.memory_space<vmem>> -> memref<1x125x64xf32, #tpu.memory_space<vmem>>
      %dma_wait3A_257 = tpu.memref_squeeze %dma_wait3A_256 : memref<1x125x64xf32, #tpu.memory_space<vmem>> -> memref<125x64xf32, #tpu.memory_space<vmem>>
      %dma_wait3A_258 = arith.constant 0 : i32
      %dma_wait3A_259 = tpu.memref_slice %arg6[%add3A_251, %dma_wait3A_258] : memref<80x125xi32, #tpu.memory_space<vmem>> -> memref<1x125xi32, #tpu.memory_space<vmem>>
      %dma_wait3A_260 = tpu.memref_squeeze %dma_wait3A_259 : memref<1x125xi32, #tpu.memory_space<vmem>> -> memref<125xi32, #tpu.memory_space<vmem>>
      %dma_wait3A_261 = arith.constant 0 : i32
      %dma_wait3A_262 = arith.constant 0 : i32
      %dma_wait3A_263 = tpu.memref_slice %arg2[%dma_wait3A_261, %dma_wait3A_262] : memref<10000x64xf32, #tpu.memory_space<hbm>> -> memref<10000x64xf32, #tpu.memory_space<hbm>>
      %dma_wait3A_264 = tpu.memref_slice %arg9[%dma_wait3A_253] : memref<4x!tpu.dma_semaphore, #tpu.memory_space<semaphore_mem>> -> memref<1x!tpu.dma_semaphore, #tpu.memory_space<semaphore_mem>>
      %dma_wait3A_265 = tpu.memref_squeeze %dma_wait3A_264 : memref<1x!tpu.dma_semaphore, #tpu.memory_space<semaphore_mem>> -> memref<!tpu.dma_semaphore, #tpu.memory_space<semaphore_mem>>
      tpu.wait_indirect_dma semaphore(%dma_wait3A_265 : memref<!tpu.dma_semaphore, #tpu.memory_space<semaphore_mem>>) src(%dma_wait3A_263 : memref<10000x64xf32, #tpu.memory_space<hbm>>) dst(%dma_wait3A_257 : memref<125x64xf32, #tpu.memory_space<vmem>>)
      %add3A_266 = arith.constant 3 : i32
      %add3A_267 = arith.addi %mul3A_133, %add3A_266 : i32
      %add3A_268 = arith.constant 4 : i32
      %add3A_269 = arith.addi %add3A_267, %add3A_268 : i32
      %min3A_270 = arith.constant 79 : i32
      %min3A_271 = arith.minsi %add3A_269, %min3A_270 : i32
      %dma_start3A_272 = arith.constant 3 : i32
      %dma_start3A_273 = arith.constant 3 : i32
      %dma_start3A_274 = arith.constant 0 : i32
      %dma_start3A_275 = arith.constant 0 : i32
      %dma_start3A_276 = tpu.memref_slice %arg8[%dma_start3A_272, %dma_start3A_274, %dma_start3A_275] : memref<4x125x64xf32, #tpu.memory_space<vmem>> -> memref<1x125x64xf32, #tpu.memory_space<vmem>>
      %dma_start3A_277 = tpu.memref_squeeze %dma_start3A_276 : memref<1x125x64xf32, #tpu.memory_space<vmem>> -> memref<125x64xf32, #tpu.memory_space<vmem>>
      %dma_start3A_278 = arith.constant 0 : i32
      %dma_start3A_279 = tpu.memref_slice %arg6[%min3A_271, %dma_start3A_278] : memref<80x125xi32, #tpu.memory_space<vmem>> -> memref<1x125xi32, #tpu.memory_space<vmem>>
      %dma_start3A_280 = tpu.memref_squeeze %dma_start3A_279 : memref<1x125xi32, #tpu.memory_space<vmem>> -> memref<125xi32, #tpu.memory_space<vmem>>
      %dma_start3A_281 = arith.constant 0 : i32
      %dma_start3A_282 = arith.constant 0 : i32
      %dma_start3A_283 = tpu.memref_slice %arg2[%dma_start3A_281, %dma_start3A_282] : memref<10000x64xf32, #tpu.memory_space<hbm>> -> memref<10000x64xf32, #tpu.memory_space<hbm>>
      %dma_start3A_284 = tpu.memref_slice %arg9[%dma_start3A_273] : memref<4x!tpu.dma_semaphore, #tpu.memory_space<semaphore_mem>> -> memref<1x!tpu.dma_semaphore, #tpu.memory_space<semaphore_mem>>
      %dma_start3A_285 = tpu.memref_squeeze %dma_start3A_284 : memref<1x!tpu.dma_semaphore, #tpu.memory_space<semaphore_mem>> -> memref<!tpu.dma_semaphore, #tpu.memory_space<semaphore_mem>>
      tpu.enqueue_indirect_dma source(%dma_start3A_283 : memref<10000x64xf32, #tpu.memory_space<hbm>>) target(%dma_start3A_277 : memref<125x64xf32, #tpu.memory_space<vmem>>) offsets(%dma_start3A_280 : memref<125xi32, #tpu.memory_space<vmem>>) semaphore(%dma_start3A_285 : memref<!tpu.dma_semaphore, #tpu.memory_space<semaphore_mem>>)
      %add3A_286 = arith.constant 3 : i32
      %add3A_287 = arith.addi %mul3A_133, %add3A_286 : i32
      %run_scoped3A_288 = arith.constant 3 : i32
      "tpu.region"() ({
        %run_scoped3A_289 = tpu.sem_alloc : memref<!tpu.dma_semaphore, #tpu.memory_space<semaphore_mem>>
        %dma_start3A_290 = arith.constant 0 : i32
        %dma_start3A_291 = arith.constant 0 : i32
        %dma_start3A_292 = tpu.memref_slice %arg8[%run_scoped3A_288, %dma_start3A_290, %dma_start3A_291] : memref<4x125x64xf32, #tpu.memory_space<vmem>> -> memref<1x125x64xf32, #tpu.memory_space<vmem>>
        %dma_start3A_293 = tpu.memref_squeeze %dma_start3A_292 : memref<1x125x64xf32, #tpu.memory_space<vmem>> -> memref<125x64xf32, #tpu.memory_space<vmem>>
        %dma_start3A_294 = arith.constant 0 : i32
        %dma_start3A_295 = tpu.memref_slice %arg7[%add3A_287, %dma_start3A_294] : memref<80x125xi32, #tpu.memory_space<vmem>> -> memref<1x125xi32, #tpu.memory_space<vmem>>
        %dma_start3A_296 = tpu.memref_squeeze %dma_start3A_295 : memref<1x125xi32, #tpu.memory_space<vmem>> -> memref<125xi32, #tpu.memory_space<vmem>>
        %dma_start3A_297 = arith.constant 0 : i32
        %dma_start3A_298 = arith.constant 0 : i32
        %dma_start3A_299 = tpu.memref_slice %arg10[%dma_start3A_297, %dma_start3A_298] : memref<10000x64xf32, #tpu.memory_space<vmem_shared>> -> memref<10000x64xf32, #tpu.memory_space<vmem_shared>>
        tpu.enqueue_indirect_dma source(%dma_start3A_293 : memref<125x64xf32, #tpu.memory_space<vmem>>) target(%dma_start3A_299 : memref<10000x64xf32, #tpu.memory_space<vmem_shared>>) offsets(%dma_start3A_296 : memref<125xi32, #tpu.memory_space<vmem>>) semaphore(%run_scoped3A_289 : memref<!tpu.dma_semaphore, #tpu.memory_space<semaphore_mem>>) {add = true}
        %dma_wait3A_300 = arith.constant 0 : i32
        %dma_wait3A_301 = arith.constant 0 : i32
        %dma_wait3A_302 = tpu.memref_slice %arg8[%run_scoped3A_288, %dma_wait3A_300, %dma_wait3A_301] : memref<4x125x64xf32, #tpu.memory_space<vmem>> -> memref<1x125x64xf32, #tpu.memory_space<vmem>>
        %dma_wait3A_303 = tpu.memref_squeeze %dma_wait3A_302 : memref<1x125x64xf32, #tpu.memory_space<vmem>> -> memref<125x64xf32, #tpu.memory_space<vmem>>
        %dma_wait3A_304 = arith.constant 0 : i32
        %dma_wait3A_305 = tpu.memref_slice %arg7[%add3A_287, %dma_wait3A_304] : memref<80x125xi32, #tpu.memory_space<vmem>> -> memref<1x125xi32, #tpu.memory_space<vmem>>
        %dma_wait3A_306 = tpu.memref_squeeze %dma_wait3A_305 : memref<1x125xi32, #tpu.memory_space<vmem>> -> memref<125xi32, #tpu.memory_space<vmem>>
        %dma_wait3A_307 = arith.constant 0 : i32
        %dma_wait3A_308 = arith.constant 0 : i32
        %dma_wait3A_309 = tpu.memref_slice %arg10[%dma_wait3A_307, %dma_wait3A_308] : memref<10000x64xf32, #tpu.memory_space<vmem_shared>> -> memref<10000x64xf32, #tpu.memory_space<vmem_shared>>
        tpu.wait_indirect_dma semaphore(%run_scoped3A_289 : memref<!tpu.dma_semaphore, #tpu.memory_space<semaphore_mem>>) src(%dma_wait3A_303 : memref<125x64xf32, #tpu.memory_space<vmem>>) dst(%dma_wait3A_309 : memref<10000x64xf32, #tpu.memory_space<vmem_shared>>)
        tpu.yield
      }) : () -> ()
    }
    %scan3A_70 = arith.constant 20 : i32
    %dma_wait3A = arith.constant 79 : i32
    %dma_wait3A_71 = arith.constant 0 : i32
    %dma_wait3A_72 = arith.constant 0 : i32
    %dma_wait3A_73 = arith.constant 0 : i32
    %dma_wait3A_74 = arith.constant 0 : i32
    %dma_wait3A_75 = tpu.memref_slice %arg8[%dma_wait3A_71, %dma_wait3A_73, %dma_wait3A_74] : memref<4x125x64xf32, #tpu.memory_space<vmem>> -> memref<1x125x64xf32, #tpu.memory_space<vmem>>
    %dma_wait3A_76 = tpu.memref_squeeze %dma_wait3A_75 : memref<1x125x64xf32, #tpu.memory_space<vmem>> -> memref<125x64xf32, #tpu.memory_space<vmem>>
    %dma_wait3A_77 = arith.constant 0 : i32
    %dma_wait3A_78 = tpu.memref_slice %arg6[%dma_wait3A, %dma_wait3A_77] : memref<80x125xi32, #tpu.memory_space<vmem>> -> memref<1x125xi32, #tpu.memory_space<vmem>>
    %dma_wait3A_79 = tpu.memref_squeeze %dma_wait3A_78 : memref<1x125xi32, #tpu.memory_space<vmem>> -> memref<125xi32, #tpu.memory_space<vmem>>
    %dma_wait3A_80 = arith.constant 0 : i32
    %dma_wait3A_81 = arith.constant 0 : i32
    %dma_wait3A_82 = tpu.memref_slice %arg2[%dma_wait3A_80, %dma_wait3A_81] : memref<10000x64xf32, #tpu.memory_space<hbm>> -> memref<10000x64xf32, #tpu.memory_space<hbm>>
    %dma_wait3A_83 = tpu.memref_slice %arg9[%dma_wait3A_72] : memref<4x!tpu.dma_semaphore, #tpu.memory_space<semaphore_mem>> -> memref<1x!tpu.dma_semaphore, #tpu.memory_space<semaphore_mem>>
    %dma_wait3A_84 = tpu.memref_squeeze %dma_wait3A_83 : memref<1x!tpu.dma_semaphore, #tpu.memory_space<semaphore_mem>> -> memref<!tpu.dma_semaphore, #tpu.memory_space<semaphore_mem>>
    tpu.wait_indirect_dma semaphore(%dma_wait3A_84 : memref<!tpu.dma_semaphore, #tpu.memory_space<semaphore_mem>>) src(%dma_wait3A_82 : memref<10000x64xf32, #tpu.memory_space<hbm>>) dst(%dma_wait3A_76 : memref<125x64xf32, #tpu.memory_space<vmem>>)
    %dma_wait3A_85 = arith.constant 79 : i32
    %dma_wait3A_86 = arith.constant 1 : i32
    %dma_wait3A_87 = arith.constant 1 : i32
    %dma_wait3A_88 = arith.constant 0 : i32
    %dma_wait3A_89 = arith.constant 0 : i32
    %dma_wait3A_90 = tpu.memref_slice %arg8[%dma_wait3A_86, %dma_wait3A_88, %dma_wait3A_89] : memref<4x125x64xf32, #tpu.memory_space<vmem>> -> memref<1x125x64xf32, #tpu.memory_space<vmem>>
    %dma_wait3A_91 = tpu.memref_squeeze %dma_wait3A_90 : memref<1x125x64xf32, #tpu.memory_space<vmem>> -> memref<125x64xf32, #tpu.memory_space<vmem>>
    %dma_wait3A_92 = arith.constant 0 : i32
    %dma_wait3A_93 = tpu.memref_slice %arg6[%dma_wait3A_85, %dma_wait3A_92] : memref<80x125xi32, #tpu.memory_space<vmem>> -> memref<1x125xi32, #tpu.memory_space<vmem>>
    %dma_wait3A_94 = tpu.memref_squeeze %dma_wait3A_93 : memref<1x125xi32, #tpu.memory_space<vmem>> -> memref<125xi32, #tpu.memory_space<vmem>>
    %dma_wait3A_95 = arith.constant 0 : i32
    %dma_wait3A_96 = arith.constant 0 : i32
    %dma_wait3A_97 = tpu.memref_slice %arg2[%dma_wait3A_95, %dma_wait3A_96] : memref<10000x64xf32, #tpu.memory_space<hbm>> -> memref<10000x64xf32, #tpu.memory_space<hbm>>
    %dma_wait3A_98 = tpu.memref_slice %arg9[%dma_wait3A_87] : memref<4x!tpu.dma_semaphore, #tpu.memory_space<semaphore_mem>> -> memref<1x!tpu.dma_semaphore, #tpu.memory_space<semaphore_mem>>
    %dma_wait3A_99 = tpu.memref_squeeze %dma_wait3A_98 : memref<1x!tpu.dma_semaphore, #tpu.memory_space<semaphore_mem>> -> memref<!tpu.dma_semaphore, #tpu.memory_space<semaphore_mem>>
    tpu.wait_indirect_dma semaphore(%dma_wait3A_99 : memref<!tpu.dma_semaphore, #tpu.memory_space<semaphore_mem>>) src(%dma_wait3A_97 : memref<10000x64xf32, #tpu.memory_space<hbm>>) dst(%dma_wait3A_91 : memref<125x64xf32, #tpu.memory_space<vmem>>)
    %dma_wait3A_100 = arith.constant 79 : i32
    %dma_wait3A_101 = arith.constant 2 : i32
    %dma_wait3A_102 = arith.constant 2 : i32
    %dma_wait3A_103 = arith.constant 0 : i32
    %dma_wait3A_104 = arith.constant 0 : i32
    %dma_wait3A_105 = tpu.memref_slice %arg8[%dma_wait3A_101, %dma_wait3A_103, %dma_wait3A_104] : memref<4x125x64xf32, #tpu.memory_space<vmem>> -> memref<1x125x64xf32, #tpu.memory_space<vmem>>
    %dma_wait3A_106 = tpu.memref_squeeze %dma_wait3A_105 : memref<1x125x64xf32, #tpu.memory_space<vmem>> -> memref<125x64xf32, #tpu.memory_space<vmem>>
    %dma_wait3A_107 = arith.constant 0 : i32
    %dma_wait3A_108 = tpu.memref_slice %arg6[%dma_wait3A_100, %dma_wait3A_107] : memref<80x125xi32, #tpu.memory_space<vmem>> -> memref<1x125xi32, #tpu.memory_space<vmem>>
    %dma_wait3A_109 = tpu.memref_squeeze %dma_wait3A_108 : memref<1x125xi32, #tpu.memory_space<vmem>> -> memref<125xi32, #tpu.memory_space<vmem>>
    %dma_wait3A_110 = arith.constant 0 : i32
    %dma_wait3A_111 = arith.constant 0 : i32
    %dma_wait3A_112 = tpu.memref_slice %arg2[%dma_wait3A_110, %dma_wait3A_111] : memref<10000x64xf32, #tpu.memory_space<hbm>> -> memref<10000x64xf32, #tpu.memory_space<hbm>>
    %dma_wait3A_113 = tpu.memref_slice %arg9[%dma_wait3A_102] : memref<4x!tpu.dma_semaphore, #tpu.memory_space<semaphore_mem>> -> memref<1x!tpu.dma_semaphore, #tpu.memory_space<semaphore_mem>>
    %dma_wait3A_114 = tpu.memref_squeeze %dma_wait3A_113 : memref<1x!tpu.dma_semaphore, #tpu.memory_space<semaphore_mem>> -> memref<!tpu.dma_semaphore, #tpu.memory_space<semaphore_mem>>
    tpu.wait_indirect_dma semaphore(%dma_wait3A_114 : memref<!tpu.dma_semaphore, #tpu.memory_space<semaphore_mem>>) src(%dma_wait3A_112 : memref<10000x64xf32, #tpu.memory_space<hbm>>) dst(%dma_wait3A_106 : memref<125x64xf32, #tpu.memory_space<vmem>>)
    %dma_wait3A_115 = arith.constant 79 : i32
    %dma_wait3A_116 = arith.constant 3 : i32
    %dma_wait3A_117 = arith.constant 3 : i32
    %dma_wait3A_118 = arith.constant 0 : i32
    %dma_wait3A_119 = arith.constant 0 : i32
    %dma_wait3A_120 = tpu.memref_slice %arg8[%dma_wait3A_116, %dma_wait3A_118, %dma_wait3A_119] : memref<4x125x64xf32, #tpu.memory_space<vmem>> -> memref<1x125x64xf32, #tpu.memory_space<vmem>>
    %dma_wait3A_121 = tpu.memref_squeeze %dma_wait3A_120 : memref<1x125x64xf32, #tpu.memory_space<vmem>> -> memref<125x64xf32, #tpu.memory_space<vmem>>
    %dma_wait3A_122 = arith.constant 0 : i32
    %dma_wait3A_123 = tpu.memref_slice %arg6[%dma_wait3A_115, %dma_wait3A_122] : memref<80x125xi32, #tpu.memory_space<vmem>> -> memref<1x125xi32, #tpu.memory_space<vmem>>
    %dma_wait3A_124 = tpu.memref_squeeze %dma_wait3A_123 : memref<1x125xi32, #tpu.memory_space<vmem>> -> memref<125xi32, #tpu.memory_space<vmem>>
    %dma_wait3A_125 = arith.constant 0 : i32
    %dma_wait3A_126 = arith.constant 0 : i32
    %dma_wait3A_127 = tpu.memref_slice %arg2[%dma_wait3A_125, %dma_wait3A_126] : memref<10000x64xf32, #tpu.memory_space<hbm>> -> memref<10000x64xf32, #tpu.memory_space<hbm>>
    %dma_wait3A_128 = tpu.memref_slice %arg9[%dma_wait3A_117] : memref<4x!tpu.dma_semaphore, #tpu.memory_space<semaphore_mem>> -> memref<1x!tpu.dma_semaphore, #tpu.memory_space<semaphore_mem>>
    %dma_wait3A_129 = tpu.memref_squeeze %dma_wait3A_128 : memref<1x!tpu.dma_semaphore, #tpu.memory_space<semaphore_mem>> -> memref<!tpu.dma_semaphore, #tpu.memory_space<semaphore_mem>>
    tpu.wait_indirect_dma semaphore(%dma_wait3A_129 : memref<!tpu.dma_semaphore, #tpu.memory_space<semaphore_mem>>) src(%dma_wait3A_127 : memref<10000x64xf32, #tpu.memory_space<hbm>>) dst(%dma_wait3A_121 : memref<125x64xf32, #tpu.memory_space<vmem>>)
    %barrier3A_130 = arith.constant 0 : index
    tpu.barrier barrier_id(%barrier3A_130)
    "tpu.region"() ({
      %run_scoped3A_131 = tpu.sem_alloc : memref<!tpu.dma_semaphore, #tpu.memory_space<semaphore_mem>>
      %dma_start3A_132 = arith.constant 0 : i32
      %dma_start3A_133 = tpu.memref_slice %arg5[%arg0, %mul3A_0, %dma_start3A_132] : memref<2x10000x64xf32, #tpu.memory_space<hbm>> -> memref<1x625x64xf32, #tpu.memory_space<hbm>>
      %dma_start3A_134 = tpu.memref_squeeze %dma_start3A_133 : memref<1x625x64xf32, #tpu.memory_space<hbm>> -> memref<625x64xf32, #tpu.memory_space<hbm>>
      %dma_start3A_135 = arith.constant 0 : i32
      %dma_start3A_136 = tpu.memref_slice %arg10[%mul3A_0, %dma_start3A_135] : memref<10000x64xf32, #tpu.memory_space<vmem_shared>> -> memref<625x64xf32, #tpu.memory_space<vmem_shared>>
      tpu.enqueue_dma source(%dma_start3A_136 : memref<625x64xf32, #tpu.memory_space<vmem_shared>>) target(%dma_start3A_134 : memref<625x64xf32, #tpu.memory_space<hbm>>) target_semaphore(%run_scoped3A_131 : memref<!tpu.dma_semaphore, #tpu.memory_space<semaphore_mem>>)
      %dma_wait3A_137 = arith.constant 0 : i32
      %dma_wait3A_138 = tpu.memref_slice %arg5[%arg0, %mul3A_0, %dma_wait3A_137] : memref<2x10000x64xf32, #tpu.memory_space<hbm>> -> memref<1x625x64xf32, #tpu.memory_space<hbm>>
      %dma_wait3A_139 = tpu.memref_squeeze %dma_wait3A_138 : memref<1x625x64xf32, #tpu.memory_space<hbm>> -> memref<625x64xf32, #tpu.memory_space<hbm>>
      %dma_wait3A_140 = arith.constant 0 : i32
      %dma_wait3A_141 = tpu.memref_slice %arg10[%mul3A_0, %dma_wait3A_140] : memref<10000x64xf32, #tpu.memory_space<vmem_shared>> -> memref<625x64xf32, #tpu.memory_space<vmem_shared>>
      tpu.wait_dma2 semaphore(%run_scoped3A_131 : memref<!tpu.dma_semaphore, #tpu.memory_space<semaphore_mem>>) src(%dma_wait3A_141 : memref<625x64xf32, #tpu.memory_space<vmem_shared>>) dst(%dma_wait3A_139 : memref<625x64xf32, #tpu.memory_space<hbm>>)
      tpu.yield
    }) : () -> ()
    return
  }
}

#map = affine_map<(d0, d1) -> (0, 0)>
#map1 = affine_map<(d0, d1) -> (0, 0, 0, 0)>
#map2 = affine_map<(d0, d1) -> (0, 0, 0)>
module attributes {stable_mosaic.version = 14 : i64} {
  func.func @_prop_body(%arg0: i32, %arg1: i32, %arg2: memref<10000x64xf32, #tpu.memory_space<hbm>>, %arg3: memref<2x32x80x125xi32, #tpu.memory_space<hbm>>, %arg4: memref<10000x64xf32, #tpu.memory_space<hbm>>, %arg5: memref<2x10000x64xf32, #tpu.memory_space<hbm>>, %arg6: memref<80x125xi32, #tpu.memory_space<vmem>>, %arg7: memref<80x125xi32, #tpu.memory_space<vmem>>, %arg8: memref<4x125x64xf32, #tpu.memory_space<vmem>>, %arg9: memref<4x!tpu.dma_semaphore, #tpu.memory_space<semaphore_mem>>, %arg10: memref<10000x64xf32, #tpu.memory_space<vmem_shared>>) attributes {dimension_semantics = [#tpu.dimension_semantics<core_parallel>, #tpu.dimension_semantics<subcore_parallel>], iteration_bounds = array<i64: 2, 16>, scalar_prefetch = 0 : i64, scratch_operands = 5 : i64, tpu.core_type = #tpu.core_type<sc_vector_subcore>, window_params = [{transform_indices = #map}, {transform_indices = #map1}, {transform_indices = #map}, {transform_indices = #map2}]} {
    %mul3A = arith.constant 625 : i32
    %mul3A_0 = arith.muli %arg1, %mul3A : i32
    "tpu.region"() ({
      %run_scoped3A_131 = tpu.sem_alloc : memref<!tpu.dma_semaphore, #tpu.memory_space<semaphore_mem>>
      %dma_start3A_132 = arith.constant 0 : i32
      %dma_start3A_133 = tpu.memref_slice %arg10[%mul3A_0, %dma_start3A_132] : memref<10000x64xf32, #tpu.memory_space<vmem_shared>> -> memref<625x64xf32, #tpu.memory_space<vmem_shared>>
      %dma_start3A_134 = arith.constant 0 : i32
      %dma_start3A_135 = tpu.memref_slice %arg4[%mul3A_0, %dma_start3A_134] : memref<10000x64xf32, #tpu.memory_space<hbm>> -> memref<625x64xf32, #tpu.memory_space<hbm>>
      tpu.enqueue_dma source(%dma_start3A_135 : memref<625x64xf32, #tpu.memory_space<hbm>>) target(%dma_start3A_133 : memref<625x64xf32, #tpu.memory_space<vmem_shared>>) target_semaphore(%run_scoped3A_131 : memref<!tpu.dma_semaphore, #tpu.memory_space<semaphore_mem>>)
      %dma_wait3A_136 = arith.constant 0 : i32
      %dma_wait3A_137 = tpu.memref_slice %arg10[%mul3A_0, %dma_wait3A_136] : memref<10000x64xf32, #tpu.memory_space<vmem_shared>> -> memref<625x64xf32, #tpu.memory_space<vmem_shared>>
      %dma_wait3A_138 = arith.constant 0 : i32
      %dma_wait3A_139 = tpu.memref_slice %arg4[%mul3A_0, %dma_wait3A_138] : memref<10000x64xf32, #tpu.memory_space<hbm>> -> memref<625x64xf32, #tpu.memory_space<hbm>>
      tpu.wait_dma2 semaphore(%run_scoped3A_131 : memref<!tpu.dma_semaphore, #tpu.memory_space<semaphore_mem>>) src(%dma_wait3A_139 : memref<625x64xf32, #tpu.memory_space<hbm>>) dst(%dma_wait3A_137 : memref<625x64xf32, #tpu.memory_space<vmem_shared>>)
      tpu.yield
    }) : () -> ()
    %mul3A_1 = arith.constant 16 : i32
    %mul3A_2 = arith.muli %arg0, %mul3A_1 : i32
    %add3A = arith.addi %mul3A_2, %arg1 : i32
    %run_scoped3A = arith.constant 0 : i32
    "tpu.region"() ({
      %run_scoped3A_131 = tpu.sem_alloc : memref<!tpu.dma_semaphore, #tpu.memory_space<semaphore_mem>>
      %dma_start3A_132 = arith.constant 0 : i32
      %dma_start3A_133 = arith.constant 0 : i32
      %dma_start3A_134 = tpu.memref_slice %arg3[%run_scoped3A, %add3A, %dma_start3A_132, %dma_start3A_133] : memref<2x32x80x125xi32, #tpu.memory_space<hbm>> -> memref<1x1x80x125xi32, #tpu.memory_space<hbm>>
      %dma_start3A_135 = tpu.memref_squeeze %dma_start3A_134 : memref<1x1x80x125xi32, #tpu.memory_space<hbm>> -> memref<80x125xi32, #tpu.memory_space<hbm>>
      %dma_start3A_136 = arith.constant 0 : i32
      %dma_start3A_137 = arith.constant 0 : i32
      %dma_start3A_138 = tpu.memref_slice %arg3[%run_scoped3A, %add3A, %dma_start3A_136, %dma_start3A_137] : memref<2x32x80x125xi32, #tpu.memory_space<hbm>> -> memref<1x1x80x125xi32, #tpu.memory_space<hbm>>
      %dma_start3A_139 = tpu.memref_squeeze %dma_start3A_138 : memref<1x1x80x125xi32, #tpu.memory_space<hbm>> -> memref<80x125xi32, #tpu.memory_space<hbm>>
      tpu.enqueue_dma source(%dma_start3A_139 : memref<80x125xi32, #tpu.memory_space<hbm>>) target(%arg6 : memref<80x125xi32, #tpu.memory_space<vmem>>) target_semaphore(%run_scoped3A_131 : memref<!tpu.dma_semaphore, #tpu.memory_space<semaphore_mem>>)
      %dma_wait3A_140 = arith.constant 0 : i32
      %dma_wait3A_141 = arith.constant 0 : i32
      %dma_wait3A_142 = tpu.memref_slice %arg3[%run_scoped3A, %add3A, %dma_wait3A_140, %dma_wait3A_141] : memref<2x32x80x125xi32, #tpu.memory_space<hbm>> -> memref<1x1x80x125xi32, #tpu.memory_space<hbm>>
      %dma_wait3A_143 = tpu.memref_squeeze %dma_wait3A_142 : memref<1x1x80x125xi32, #tpu.memory_space<hbm>> -> memref<80x125xi32, #tpu.memory_space<hbm>>
      %dma_wait3A_144 = arith.constant 0 : i32
      %dma_wait3A_145 = arith.constant 0 : i32
      %dma_wait3A_146 = tpu.memref_slice %arg3[%run_scoped3A, %add3A, %dma_wait3A_144, %dma_wait3A_145] : memref<2x32x80x125xi32, #tpu.memory_space<hbm>> -> memref<1x1x80x125xi32, #tpu.memory_space<hbm>>
      %dma_wait3A_147 = tpu.memref_squeeze %dma_wait3A_146 : memref<1x1x80x125xi32, #tpu.memory_space<hbm>> -> memref<80x125xi32, #tpu.memory_space<hbm>>
      tpu.wait_dma2 semaphore(%run_scoped3A_131 : memref<!tpu.dma_semaphore, #tpu.memory_space<semaphore_mem>>) src(%dma_wait3A_147 : memref<80x125xi32, #tpu.memory_space<hbm>>) dst(%arg6 : memref<80x125xi32, #tpu.memory_space<vmem>>)
      tpu.yield
    }) : () -> ()
    %mul3A_3 = arith.constant 16 : i32
    %mul3A_4 = arith.muli %arg0, %mul3A_3 : i32
    %add3A_5 = arith.addi %mul3A_4, %arg1 : i32
    %run_scoped3A_6 = arith.constant 1 : i32
    "tpu.region"() ({
      %run_scoped3A_131 = tpu.sem_alloc : memref<!tpu.dma_semaphore, #tpu.memory_space<semaphore_mem>>
      %dma_start3A_132 = arith.constant 0 : i32
      %dma_start3A_133 = arith.constant 0 : i32
      %dma_start3A_134 = tpu.memref_slice %arg3[%run_scoped3A_6, %add3A_5, %dma_start3A_132, %dma_start3A_133] : memref<2x32x80x125xi32, #tpu.memory_space<hbm>> -> memref<1x1x80x125xi32, #tpu.memory_space<hbm>>
      %dma_start3A_135 = tpu.memref_squeeze %dma_start3A_134 : memref<1x1x80x125xi32, #tpu.memory_space<hbm>> -> memref<80x125xi32, #tpu.memory_space<hbm>>
      %dma_start3A_136 = arith.constant 0 : i32
      %dma_start3A_137 = arith.constant 0 : i32
      %dma_start3A_138 = tpu.memref_slice %arg3[%run_scoped3A_6, %add3A_5, %dma_start3A_136, %dma_start3A_137] : memref<2x32x80x125xi32, #tpu.memory_space<hbm>> -> memref<1x1x80x125xi32, #tpu.memory_space<hbm>>
      %dma_start3A_139 = tpu.memref_squeeze %dma_start3A_138 : memref<1x1x80x125xi32, #tpu.memory_space<hbm>> -> memref<80x125xi32, #tpu.memory_space<hbm>>
      tpu.enqueue_dma source(%dma_start3A_139 : memref<80x125xi32, #tpu.memory_space<hbm>>) target(%arg7 : memref<80x125xi32, #tpu.memory_space<vmem>>) target_semaphore(%run_scoped3A_131 : memref<!tpu.dma_semaphore, #tpu.memory_space<semaphore_mem>>)
      %dma_wait3A_140 = arith.constant 0 : i32
      %dma_wait3A_141 = arith.constant 0 : i32
      %dma_wait3A_142 = tpu.memref_slice %arg3[%run_scoped3A_6, %add3A_5, %dma_wait3A_140, %dma_wait3A_141] : memref<2x32x80x125xi32, #tpu.memory_space<hbm>> -> memref<1x1x80x125xi32, #tpu.memory_space<hbm>>
      %dma_wait3A_143 = tpu.memref_squeeze %dma_wait3A_142 : memref<1x1x80x125xi32, #tpu.memory_space<hbm>> -> memref<80x125xi32, #tpu.memory_space<hbm>>
      %dma_wait3A_144 = arith.constant 0 : i32
      %dma_wait3A_145 = arith.constant 0 : i32
      %dma_wait3A_146 = tpu.memref_slice %arg3[%run_scoped3A_6, %add3A_5, %dma_wait3A_144, %dma_wait3A_145] : memref<2x32x80x125xi32, #tpu.memory_space<hbm>> -> memref<1x1x80x125xi32, #tpu.memory_space<hbm>>
      %dma_wait3A_147 = tpu.memref_squeeze %dma_wait3A_146 : memref<1x1x80x125xi32, #tpu.memory_space<hbm>> -> memref<80x125xi32, #tpu.memory_space<hbm>>
      tpu.wait_dma2 semaphore(%run_scoped3A_131 : memref<!tpu.dma_semaphore, #tpu.memory_space<semaphore_mem>>) src(%dma_wait3A_147 : memref<80x125xi32, #tpu.memory_space<hbm>>) dst(%arg7 : memref<80x125xi32, #tpu.memory_space<vmem>>)
      tpu.yield
    }) : () -> ()
    %barrier3A = arith.constant 0 : index
    tpu.barrier barrier_id(%barrier3A)
    %dma_start3A = arith.constant 0 : i32
    %dma_start3A_7 = arith.constant 0 : i32
    %dma_start3A_8 = arith.constant 0 : i32
    %dma_start3A_9 = arith.constant 0 : i32
    %dma_start3A_10 = arith.constant 0 : i32
    %dma_start3A_11 = tpu.memref_slice %arg8[%dma_start3A_7, %dma_start3A_9, %dma_start3A_10] : memref<4x125x64xf32, #tpu.memory_space<vmem>> -> memref<1x125x64xf32, #tpu.memory_space<vmem>>
    %dma_start3A_12 = tpu.memref_squeeze %dma_start3A_11 : memref<1x125x64xf32, #tpu.memory_space<vmem>> -> memref<125x64xf32, #tpu.memory_space<vmem>>
    %dma_start3A_13 = arith.constant 0 : i32
    %dma_start3A_14 = tpu.memref_slice %arg6[%dma_start3A, %dma_start3A_13] : memref<80x125xi32, #tpu.memory_space<vmem>> -> memref<1x125xi32, #tpu.memory_space<vmem>>
    %dma_start3A_15 = tpu.memref_squeeze %dma_start3A_14 : memref<1x125xi32, #tpu.memory_space<vmem>> -> memref<125xi32, #tpu.memory_space<vmem>>
    %dma_start3A_16 = arith.constant 0 : i32
    %dma_start3A_17 = arith.constant 0 : i32
    %dma_start3A_18 = tpu.memref_slice %arg2[%dma_start3A_16, %dma_start3A_17] : memref<10000x64xf32, #tpu.memory_space<hbm>> -> memref<10000x64xf32, #tpu.memory_space<hbm>>
    %dma_start3A_19 = tpu.memref_slice %arg9[%dma_start3A_8] : memref<4x!tpu.dma_semaphore, #tpu.memory_space<semaphore_mem>> -> memref<1x!tpu.dma_semaphore, #tpu.memory_space<semaphore_mem>>
    %dma_start3A_20 = tpu.memref_squeeze %dma_start3A_19 : memref<1x!tpu.dma_semaphore, #tpu.memory_space<semaphore_mem>> -> memref<!tpu.dma_semaphore, #tpu.memory_space<semaphore_mem>>
    tpu.enqueue_indirect_dma source(%dma_start3A_18 : memref<10000x64xf32, #tpu.memory_space<hbm>>) target(%dma_start3A_12 : memref<125x64xf32, #tpu.memory_space<vmem>>) offsets(%dma_start3A_15 : memref<125xi32, #tpu.memory_space<vmem>>) semaphore(%dma_start3A_20 : memref<!tpu.dma_semaphore, #tpu.memory_space<semaphore_mem>>)
    %dma_start3A_21 = arith.constant 1 : i32
    %dma_start3A_22 = arith.constant 1 : i32
    %dma_start3A_23 = arith.constant 1 : i32
    %dma_start3A_24 = arith.constant 0 : i32
    %dma_start3A_25 = arith.constant 0 : i32
    %dma_start3A_26 = tpu.memref_slice %arg8[%dma_start3A_22, %dma_start3A_24, %dma_start3A_25] : memref<4x125x64xf32, #tpu.memory_space<vmem>> -> memref<1x125x64xf32, #tpu.memory_space<vmem>>
    %dma_start3A_27 = tpu.memref_squeeze %dma_start3A_26 : memref<1x125x64xf32, #tpu.memory_space<vmem>> -> memref<125x64xf32, #tpu.memory_space<vmem>>
    %dma_start3A_28 = arith.constant 0 : i32
    %dma_start3A_29 = tpu.memref_slice %arg6[%dma_start3A_21, %dma_start3A_28] : memref<80x125xi32, #tpu.memory_space<vmem>> -> memref<1x125xi32, #tpu.memory_space<vmem>>
    %dma_start3A_30 = tpu.memref_squeeze %dma_start3A_29 : memref<1x125xi32, #tpu.memory_space<vmem>> -> memref<125xi32, #tpu.memory_space<vmem>>
    %dma_start3A_31 = arith.constant 0 : i32
    %dma_start3A_32 = arith.constant 0 : i32
    %dma_start3A_33 = tpu.memref_slice %arg2[%dma_start3A_31, %dma_start3A_32] : memref<10000x64xf32, #tpu.memory_space<hbm>> -> memref<10000x64xf32, #tpu.memory_space<hbm>>
    %dma_start3A_34 = tpu.memref_slice %arg9[%dma_start3A_23] : memref<4x!tpu.dma_semaphore, #tpu.memory_space<semaphore_mem>> -> memref<1x!tpu.dma_semaphore, #tpu.memory_space<semaphore_mem>>
    %dma_start3A_35 = tpu.memref_squeeze %dma_start3A_34 : memref<1x!tpu.dma_semaphore, #tpu.memory_space<semaphore_mem>> -> memref<!tpu.dma_semaphore, #tpu.memory_space<semaphore_mem>>
    tpu.enqueue_indirect_dma source(%dma_start3A_33 : memref<10000x64xf32, #tpu.memory_space<hbm>>) target(%dma_start3A_27 : memref<125x64xf32, #tpu.memory_space<vmem>>) offsets(%dma_start3A_30 : memref<125xi32, #tpu.memory_space<vmem>>) semaphore(%dma_start3A_35 : memref<!tpu.dma_semaphore, #tpu.memory_space<semaphore_mem>>)
    %dma_start3A_36 = arith.constant 2 : i32
    %dma_start3A_37 = arith.constant 2 : i32
    %dma_start3A_38 = arith.constant 2 : i32
    %dma_start3A_39 = arith.constant 0 : i32
    %dma_start3A_40 = arith.constant 0 : i32
    %dma_start3A_41 = tpu.memref_slice %arg8[%dma_start3A_37, %dma_start3A_39, %dma_start3A_40] : memref<4x125x64xf32, #tpu.memory_space<vmem>> -> memref<1x125x64xf32, #tpu.memory_space<vmem>>
    %dma_start3A_42 = tpu.memref_squeeze %dma_start3A_41 : memref<1x125x64xf32, #tpu.memory_space<vmem>> -> memref<125x64xf32, #tpu.memory_space<vmem>>
    %dma_start3A_43 = arith.constant 0 : i32
    %dma_start3A_44 = tpu.memref_slice %arg6[%dma_start3A_36, %dma_start3A_43] : memref<80x125xi32, #tpu.memory_space<vmem>> -> memref<1x125xi32, #tpu.memory_space<vmem>>
    %dma_start3A_45 = tpu.memref_squeeze %dma_start3A_44 : memref<1x125xi32, #tpu.memory_space<vmem>> -> memref<125xi32, #tpu.memory_space<vmem>>
    %dma_start3A_46 = arith.constant 0 : i32
    %dma_start3A_47 = arith.constant 0 : i32
    %dma_start3A_48 = tpu.memref_slice %arg2[%dma_start3A_46, %dma_start3A_47] : memref<10000x64xf32, #tpu.memory_space<hbm>> -> memref<10000x64xf32, #tpu.memory_space<hbm>>
    %dma_start3A_49 = tpu.memref_slice %arg9[%dma_start3A_38] : memref<4x!tpu.dma_semaphore, #tpu.memory_space<semaphore_mem>> -> memref<1x!tpu.dma_semaphore, #tpu.memory_space<semaphore_mem>>
    %dma_start3A_50 = tpu.memref_squeeze %dma_start3A_49 : memref<1x!tpu.dma_semaphore, #tpu.memory_space<semaphore_mem>> -> memref<!tpu.dma_semaphore, #tpu.memory_space<semaphore_mem>>
    tpu.enqueue_indirect_dma source(%dma_start3A_48 : memref<10000x64xf32, #tpu.memory_space<hbm>>) target(%dma_start3A_42 : memref<125x64xf32, #tpu.memory_space<vmem>>) offsets(%dma_start3A_45 : memref<125xi32, #tpu.memory_space<vmem>>) semaphore(%dma_start3A_50 : memref<!tpu.dma_semaphore, #tpu.memory_space<semaphore_mem>>)
    %dma_start3A_51 = arith.constant 3 : i32
    %dma_start3A_52 = arith.constant 3 : i32
    %dma_start3A_53 = arith.constant 3 : i32
    %dma_start3A_54 = arith.constant 0 : i32
    %dma_start3A_55 = arith.constant 0 : i32
    %dma_start3A_56 = tpu.memref_slice %arg8[%dma_start3A_52, %dma_start3A_54, %dma_start3A_55] : memref<4x125x64xf32, #tpu.memory_space<vmem>> -> memref<1x125x64xf32, #tpu.memory_space<vmem>>
    %dma_start3A_57 = tpu.memref_squeeze %dma_start3A_56 : memref<1x125x64xf32, #tpu.memory_space<vmem>> -> memref<125x64xf32, #tpu.memory_space<vmem>>
    %dma_start3A_58 = arith.constant 0 : i32
    %dma_start3A_59 = tpu.memref_slice %arg6[%dma_start3A_51, %dma_start3A_58] : memref<80x125xi32, #tpu.memory_space<vmem>> -> memref<1x125xi32, #tpu.memory_space<vmem>>
    %dma_start3A_60 = tpu.memref_squeeze %dma_start3A_59 : memref<1x125xi32, #tpu.memory_space<vmem>> -> memref<125xi32, #tpu.memory_space<vmem>>
    %dma_start3A_61 = arith.constant 0 : i32
    %dma_start3A_62 = arith.constant 0 : i32
    %dma_start3A_63 = tpu.memref_slice %arg2[%dma_start3A_61, %dma_start3A_62] : memref<10000x64xf32, #tpu.memory_space<hbm>> -> memref<10000x64xf32, #tpu.memory_space<hbm>>
    %dma_start3A_64 = tpu.memref_slice %arg9[%dma_start3A_53] : memref<4x!tpu.dma_semaphore, #tpu.memory_space<semaphore_mem>> -> memref<1x!tpu.dma_semaphore, #tpu.memory_space<semaphore_mem>>
    %dma_start3A_65 = tpu.memref_squeeze %dma_start3A_64 : memref<1x!tpu.dma_semaphore, #tpu.memory_space<semaphore_mem>> -> memref<!tpu.dma_semaphore, #tpu.memory_space<semaphore_mem>>
    tpu.enqueue_indirect_dma source(%dma_start3A_63 : memref<10000x64xf32, #tpu.memory_space<hbm>>) target(%dma_start3A_57 : memref<125x64xf32, #tpu.memory_space<vmem>>) offsets(%dma_start3A_60 : memref<125xi32, #tpu.memory_space<vmem>>) semaphore(%dma_start3A_65 : memref<!tpu.dma_semaphore, #tpu.memory_space<semaphore_mem>>)
    %scan3A = arith.constant 0 : i32
    %scan3A_66 = arith.constant 0 : i32
    %scan3A_67 = arith.constant 20 : i32
    %scan3A_68 = arith.addi %scan3A_66, %scan3A_67 : i32
    %scan3A_69 = arith.constant 1 : i32
    scf.for %scan3A_131 = %scan3A_66 to %scan3A_68 step %scan3A_69  : i32 {
      %mul3A_132 = arith.constant 4 : i32
      %mul3A_133 = arith.muli %mul3A_132, %scan3A_131 : i32
      %add3A_134 = arith.constant 0 : i32
      %add3A_135 = arith.addi %mul3A_133, %add3A_134 : i32
      %dma_wait3A_136 = arith.constant 0 : i32
      %dma_wait3A_137 = arith.constant 0 : i32
      %dma_wait3A_138 = arith.constant 0 : i32
      %dma_wait3A_139 = arith.constant 0 : i32
      %dma_wait3A_140 = tpu.memref_slice %arg8[%dma_wait3A_136, %dma_wait3A_138, %dma_wait3A_139] : memref<4x125x64xf32, #tpu.memory_space<vmem>> -> memref<1x125x64xf32, #tpu.memory_space<vmem>>
      %dma_wait3A_141 = tpu.memref_squeeze %dma_wait3A_140 : memref<1x125x64xf32, #tpu.memory_space<vmem>> -> memref<125x64xf32, #tpu.memory_space<vmem>>
      %dma_wait3A_142 = arith.constant 0 : i32
      %dma_wait3A_143 = tpu.memref_slice %arg6[%add3A_135, %dma_wait3A_142] : memref<80x125xi32, #tpu.memory_space<vmem>> -> memref<1x125xi32, #tpu.memory_space<vmem>>
      %dma_wait3A_144 = tpu.memref_squeeze %dma_wait3A_143 : memref<1x125xi32, #tpu.memory_space<vmem>> -> memref<125xi32, #tpu.memory_space<vmem>>
      %dma_wait3A_145 = arith.constant 0 : i32
      %dma_wait3A_146 = arith.constant 0 : i32
      %dma_wait3A_147 = tpu.memref_slice %arg2[%dma_wait3A_145, %dma_wait3A_146] : memref<10000x64xf32, #tpu.memory_space<hbm>> -> memref<10000x64xf32, #tpu.memory_space<hbm>>
      %dma_wait3A_148 = tpu.memref_slice %arg9[%dma_wait3A_137] : memref<4x!tpu.dma_semaphore, #tpu.memory_space<semaphore_mem>> -> memref<1x!tpu.dma_semaphore, #tpu.memory_space<semaphore_mem>>
      %dma_wait3A_149 = tpu.memref_squeeze %dma_wait3A_148 : memref<1x!tpu.dma_semaphore, #tpu.memory_space<semaphore_mem>> -> memref<!tpu.dma_semaphore, #tpu.memory_space<semaphore_mem>>
      tpu.wait_indirect_dma semaphore(%dma_wait3A_149 : memref<!tpu.dma_semaphore, #tpu.memory_space<semaphore_mem>>) src(%dma_wait3A_147 : memref<10000x64xf32, #tpu.memory_space<hbm>>) dst(%dma_wait3A_141 : memref<125x64xf32, #tpu.memory_space<vmem>>)
      %add3A_150 = arith.constant 0 : i32
      %add3A_151 = arith.addi %mul3A_133, %add3A_150 : i32
      %add3A_152 = arith.constant 4 : i32
      %add3A_153 = arith.addi %add3A_151, %add3A_152 : i32
      %min3A = arith.constant 79 : i32
      %min3A_154 = arith.minsi %add3A_153, %min3A : i32
      %dma_start3A_155 = arith.constant 0 : i32
      %dma_start3A_156 = arith.constant 0 : i32
      %dma_start3A_157 = arith.constant 0 : i32
      %dma_start3A_158 = arith.constant 0 : i32
      %dma_start3A_159 = tpu.memref_slice %arg8[%dma_start3A_155, %dma_start3A_157, %dma_start3A_158] : memref<4x125x64xf32, #tpu.memory_space<vmem>> -> memref<1x125x64xf32, #tpu.memory_space<vmem>>
      %dma_start3A_160 = tpu.memref_squeeze %dma_start3A_159 : memref<1x125x64xf32, #tpu.memory_space<vmem>> -> memref<125x64xf32, #tpu.memory_space<vmem>>
      %dma_start3A_161 = arith.constant 0 : i32
      %dma_start3A_162 = tpu.memref_slice %arg6[%min3A_154, %dma_start3A_161] : memref<80x125xi32, #tpu.memory_space<vmem>> -> memref<1x125xi32, #tpu.memory_space<vmem>>
      %dma_start3A_163 = tpu.memref_squeeze %dma_start3A_162 : memref<1x125xi32, #tpu.memory_space<vmem>> -> memref<125xi32, #tpu.memory_space<vmem>>
      %dma_start3A_164 = arith.constant 0 : i32
      %dma_start3A_165 = arith.constant 0 : i32
      %dma_start3A_166 = tpu.memref_slice %arg2[%dma_start3A_164, %dma_start3A_165] : memref<10000x64xf32, #tpu.memory_space<hbm>> -> memref<10000x64xf32, #tpu.memory_space<hbm>>
      %dma_start3A_167 = tpu.memref_slice %arg9[%dma_start3A_156] : memref<4x!tpu.dma_semaphore, #tpu.memory_space<semaphore_mem>> -> memref<1x!tpu.dma_semaphore, #tpu.memory_space<semaphore_mem>>
      %dma_start3A_168 = tpu.memref_squeeze %dma_start3A_167 : memref<1x!tpu.dma_semaphore, #tpu.memory_space<semaphore_mem>> -> memref<!tpu.dma_semaphore, #tpu.memory_space<semaphore_mem>>
      tpu.enqueue_indirect_dma source(%dma_start3A_166 : memref<10000x64xf32, #tpu.memory_space<hbm>>) target(%dma_start3A_160 : memref<125x64xf32, #tpu.memory_space<vmem>>) offsets(%dma_start3A_163 : memref<125xi32, #tpu.memory_space<vmem>>) semaphore(%dma_start3A_168 : memref<!tpu.dma_semaphore, #tpu.memory_space<semaphore_mem>>)
      %add3A_169 = arith.constant 0 : i32
      %add3A_170 = arith.addi %mul3A_133, %add3A_169 : i32
      %run_scoped3A_171 = arith.constant 0 : i32
      "tpu.region"() ({
        %run_scoped3A_289 = tpu.sem_alloc : memref<!tpu.dma_semaphore, #tpu.memory_space<semaphore_mem>>
        %dma_start3A_290 = arith.constant 0 : i32
        %dma_start3A_291 = arith.constant 0 : i32
        %dma_start3A_292 = tpu.memref_slice %arg8[%run_scoped3A_171, %dma_start3A_290, %dma_start3A_291] : memref<4x125x64xf32, #tpu.memory_space<vmem>> -> memref<1x125x64xf32, #tpu.memory_space<vmem>>
        %dma_start3A_293 = tpu.memref_squeeze %dma_start3A_292 : memref<1x125x64xf32, #tpu.memory_space<vmem>> -> memref<125x64xf32, #tpu.memory_space<vmem>>
        %dma_start3A_294 = arith.constant 0 : i32
        %dma_start3A_295 = tpu.memref_slice %arg7[%add3A_170, %dma_start3A_294] : memref<80x125xi32, #tpu.memory_space<vmem>> -> memref<1x125xi32, #tpu.memory_space<vmem>>
        %dma_start3A_296 = tpu.memref_squeeze %dma_start3A_295 : memref<1x125xi32, #tpu.memory_space<vmem>> -> memref<125xi32, #tpu.memory_space<vmem>>
        %dma_start3A_297 = arith.constant 0 : i32
        %dma_start3A_298 = arith.constant 0 : i32
        %dma_start3A_299 = tpu.memref_slice %arg10[%dma_start3A_297, %dma_start3A_298] : memref<10000x64xf32, #tpu.memory_space<vmem_shared>> -> memref<10000x64xf32, #tpu.memory_space<vmem_shared>>
        tpu.enqueue_indirect_dma source(%dma_start3A_293 : memref<125x64xf32, #tpu.memory_space<vmem>>) target(%dma_start3A_299 : memref<10000x64xf32, #tpu.memory_space<vmem_shared>>) offsets(%dma_start3A_296 : memref<125xi32, #tpu.memory_space<vmem>>) semaphore(%run_scoped3A_289 : memref<!tpu.dma_semaphore, #tpu.memory_space<semaphore_mem>>) {add = true}
        %dma_wait3A_300 = arith.constant 0 : i32
        %dma_wait3A_301 = arith.constant 0 : i32
        %dma_wait3A_302 = tpu.memref_slice %arg8[%run_scoped3A_171, %dma_wait3A_300, %dma_wait3A_301] : memref<4x125x64xf32, #tpu.memory_space<vmem>> -> memref<1x125x64xf32, #tpu.memory_space<vmem>>
        %dma_wait3A_303 = tpu.memref_squeeze %dma_wait3A_302 : memref<1x125x64xf32, #tpu.memory_space<vmem>> -> memref<125x64xf32, #tpu.memory_space<vmem>>
        %dma_wait3A_304 = arith.constant 0 : i32
        %dma_wait3A_305 = tpu.memref_slice %arg7[%add3A_170, %dma_wait3A_304] : memref<80x125xi32, #tpu.memory_space<vmem>> -> memref<1x125xi32, #tpu.memory_space<vmem>>
        %dma_wait3A_306 = tpu.memref_squeeze %dma_wait3A_305 : memref<1x125xi32, #tpu.memory_space<vmem>> -> memref<125xi32, #tpu.memory_space<vmem>>
        %dma_wait3A_307 = arith.constant 0 : i32
        %dma_wait3A_308 = arith.constant 0 : i32
        %dma_wait3A_309 = tpu.memref_slice %arg10[%dma_wait3A_307, %dma_wait3A_308] : memref<10000x64xf32, #tpu.memory_space<vmem_shared>> -> memref<10000x64xf32, #tpu.memory_space<vmem_shared>>
        tpu.wait_indirect_dma semaphore(%run_scoped3A_289 : memref<!tpu.dma_semaphore, #tpu.memory_space<semaphore_mem>>) src(%dma_wait3A_303 : memref<125x64xf32, #tpu.memory_space<vmem>>) dst(%dma_wait3A_309 : memref<10000x64xf32, #tpu.memory_space<vmem_shared>>)
        tpu.yield
      }) : () -> ()
      %add3A_172 = arith.constant 1 : i32
      %add3A_173 = arith.addi %mul3A_133, %add3A_172 : i32
      %dma_wait3A_174 = arith.constant 1 : i32
      %dma_wait3A_175 = arith.constant 1 : i32
      %dma_wait3A_176 = arith.constant 0 : i32
      %dma_wait3A_177 = arith.constant 0 : i32
      %dma_wait3A_178 = tpu.memref_slice %arg8[%dma_wait3A_174, %dma_wait3A_176, %dma_wait3A_177] : memref<4x125x64xf32, #tpu.memory_space<vmem>> -> memref<1x125x64xf32, #tpu.memory_space<vmem>>
      %dma_wait3A_179 = tpu.memref_squeeze %dma_wait3A_178 : memref<1x125x64xf32, #tpu.memory_space<vmem>> -> memref<125x64xf32, #tpu.memory_space<vmem>>
      %dma_wait3A_180 = arith.constant 0 : i32
      %dma_wait3A_181 = tpu.memref_slice %arg6[%add3A_173, %dma_wait3A_180] : memref<80x125xi32, #tpu.memory_space<vmem>> -> memref<1x125xi32, #tpu.memory_space<vmem>>
      %dma_wait3A_182 = tpu.memref_squeeze %dma_wait3A_181 : memref<1x125xi32, #tpu.memory_space<vmem>> -> memref<125xi32, #tpu.memory_space<vmem>>
      %dma_wait3A_183 = arith.constant 0 : i32
      %dma_wait3A_184 = arith.constant 0 : i32
      %dma_wait3A_185 = tpu.memref_slice %arg2[%dma_wait3A_183, %dma_wait3A_184] : memref<10000x64xf32, #tpu.memory_space<hbm>> -> memref<10000x64xf32, #tpu.memory_space<hbm>>
      %dma_wait3A_186 = tpu.memref_slice %arg9[%dma_wait3A_175] : memref<4x!tpu.dma_semaphore, #tpu.memory_space<semaphore_mem>> -> memref<1x!tpu.dma_semaphore, #tpu.memory_space<semaphore_mem>>
      %dma_wait3A_187 = tpu.memref_squeeze %dma_wait3A_186 : memref<1x!tpu.dma_semaphore, #tpu.memory_space<semaphore_mem>> -> memref<!tpu.dma_semaphore, #tpu.memory_space<semaphore_mem>>
      tpu.wait_indirect_dma semaphore(%dma_wait3A_187 : memref<!tpu.dma_semaphore, #tpu.memory_space<semaphore_mem>>) src(%dma_wait3A_185 : memref<10000x64xf32, #tpu.memory_space<hbm>>) dst(%dma_wait3A_179 : memref<125x64xf32, #tpu.memory_space<vmem>>)
      %add3A_188 = arith.constant 1 : i32
      %add3A_189 = arith.addi %mul3A_133, %add3A_188 : i32
      %add3A_190 = arith.constant 4 : i32
      %add3A_191 = arith.addi %add3A_189, %add3A_190 : i32
      %min3A_192 = arith.constant 79 : i32
      %min3A_193 = arith.minsi %add3A_191, %min3A_192 : i32
      %dma_start3A_194 = arith.constant 1 : i32
      %dma_start3A_195 = arith.constant 1 : i32
      %dma_start3A_196 = arith.constant 0 : i32
      %dma_start3A_197 = arith.constant 0 : i32
      %dma_start3A_198 = tpu.memref_slice %arg8[%dma_start3A_194, %dma_start3A_196, %dma_start3A_197] : memref<4x125x64xf32, #tpu.memory_space<vmem>> -> memref<1x125x64xf32, #tpu.memory_space<vmem>>
      %dma_start3A_199 = tpu.memref_squeeze %dma_start3A_198 : memref<1x125x64xf32, #tpu.memory_space<vmem>> -> memref<125x64xf32, #tpu.memory_space<vmem>>
      %dma_start3A_200 = arith.constant 0 : i32
      %dma_start3A_201 = tpu.memref_slice %arg6[%min3A_193, %dma_start3A_200] : memref<80x125xi32, #tpu.memory_space<vmem>> -> memref<1x125xi32, #tpu.memory_space<vmem>>
      %dma_start3A_202 = tpu.memref_squeeze %dma_start3A_201 : memref<1x125xi32, #tpu.memory_space<vmem>> -> memref<125xi32, #tpu.memory_space<vmem>>
      %dma_start3A_203 = arith.constant 0 : i32
      %dma_start3A_204 = arith.constant 0 : i32
      %dma_start3A_205 = tpu.memref_slice %arg2[%dma_start3A_203, %dma_start3A_204] : memref<10000x64xf32, #tpu.memory_space<hbm>> -> memref<10000x64xf32, #tpu.memory_space<hbm>>
      %dma_start3A_206 = tpu.memref_slice %arg9[%dma_start3A_195] : memref<4x!tpu.dma_semaphore, #tpu.memory_space<semaphore_mem>> -> memref<1x!tpu.dma_semaphore, #tpu.memory_space<semaphore_mem>>
      %dma_start3A_207 = tpu.memref_squeeze %dma_start3A_206 : memref<1x!tpu.dma_semaphore, #tpu.memory_space<semaphore_mem>> -> memref<!tpu.dma_semaphore, #tpu.memory_space<semaphore_mem>>
      tpu.enqueue_indirect_dma source(%dma_start3A_205 : memref<10000x64xf32, #tpu.memory_space<hbm>>) target(%dma_start3A_199 : memref<125x64xf32, #tpu.memory_space<vmem>>) offsets(%dma_start3A_202 : memref<125xi32, #tpu.memory_space<vmem>>) semaphore(%dma_start3A_207 : memref<!tpu.dma_semaphore, #tpu.memory_space<semaphore_mem>>)
      %add3A_208 = arith.constant 1 : i32
      %add3A_209 = arith.addi %mul3A_133, %add3A_208 : i32
      %run_scoped3A_210 = arith.constant 1 : i32
      "tpu.region"() ({
        %run_scoped3A_289 = tpu.sem_alloc : memref<!tpu.dma_semaphore, #tpu.memory_space<semaphore_mem>>
        %dma_start3A_290 = arith.constant 0 : i32
        %dma_start3A_291 = arith.constant 0 : i32
        %dma_start3A_292 = tpu.memref_slice %arg8[%run_scoped3A_210, %dma_start3A_290, %dma_start3A_291] : memref<4x125x64xf32, #tpu.memory_space<vmem>> -> memref<1x125x64xf32, #tpu.memory_space<vmem>>
        %dma_start3A_293 = tpu.memref_squeeze %dma_start3A_292 : memref<1x125x64xf32, #tpu.memory_space<vmem>> -> memref<125x64xf32, #tpu.memory_space<vmem>>
        %dma_start3A_294 = arith.constant 0 : i32
        %dma_start3A_295 = tpu.memref_slice %arg7[%add3A_209, %dma_start3A_294] : memref<80x125xi32, #tpu.memory_space<vmem>> -> memref<1x125xi32, #tpu.memory_space<vmem>>
        %dma_start3A_296 = tpu.memref_squeeze %dma_start3A_295 : memref<1x125xi32, #tpu.memory_space<vmem>> -> memref<125xi32, #tpu.memory_space<vmem>>
        %dma_start3A_297 = arith.constant 0 : i32
        %dma_start3A_298 = arith.constant 0 : i32
        %dma_start3A_299 = tpu.memref_slice %arg10[%dma_start3A_297, %dma_start3A_298] : memref<10000x64xf32, #tpu.memory_space<vmem_shared>> -> memref<10000x64xf32, #tpu.memory_space<vmem_shared>>
        tpu.enqueue_indirect_dma source(%dma_start3A_293 : memref<125x64xf32, #tpu.memory_space<vmem>>) target(%dma_start3A_299 : memref<10000x64xf32, #tpu.memory_space<vmem_shared>>) offsets(%dma_start3A_296 : memref<125xi32, #tpu.memory_space<vmem>>) semaphore(%run_scoped3A_289 : memref<!tpu.dma_semaphore, #tpu.memory_space<semaphore_mem>>) {add = true}
        %dma_wait3A_300 = arith.constant 0 : i32
        %dma_wait3A_301 = arith.constant 0 : i32
        %dma_wait3A_302 = tpu.memref_slice %arg8[%run_scoped3A_210, %dma_wait3A_300, %dma_wait3A_301] : memref<4x125x64xf32, #tpu.memory_space<vmem>> -> memref<1x125x64xf32, #tpu.memory_space<vmem>>
        %dma_wait3A_303 = tpu.memref_squeeze %dma_wait3A_302 : memref<1x125x64xf32, #tpu.memory_space<vmem>> -> memref<125x64xf32, #tpu.memory_space<vmem>>
        %dma_wait3A_304 = arith.constant 0 : i32
        %dma_wait3A_305 = tpu.memref_slice %arg7[%add3A_209, %dma_wait3A_304] : memref<80x125xi32, #tpu.memory_space<vmem>> -> memref<1x125xi32, #tpu.memory_space<vmem>>
        %dma_wait3A_306 = tpu.memref_squeeze %dma_wait3A_305 : memref<1x125xi32, #tpu.memory_space<vmem>> -> memref<125xi32, #tpu.memory_space<vmem>>
        %dma_wait3A_307 = arith.constant 0 : i32
        %dma_wait3A_308 = arith.constant 0 : i32
        %dma_wait3A_309 = tpu.memref_slice %arg10[%dma_wait3A_307, %dma_wait3A_308] : memref<10000x64xf32, #tpu.memory_space<vmem_shared>> -> memref<10000x64xf32, #tpu.memory_space<vmem_shared>>
        tpu.wait_indirect_dma semaphore(%run_scoped3A_289 : memref<!tpu.dma_semaphore, #tpu.memory_space<semaphore_mem>>) src(%dma_wait3A_303 : memref<125x64xf32, #tpu.memory_space<vmem>>) dst(%dma_wait3A_309 : memref<10000x64xf32, #tpu.memory_space<vmem_shared>>)
        tpu.yield
      }) : () -> ()
      %add3A_211 = arith.constant 2 : i32
      %add3A_212 = arith.addi %mul3A_133, %add3A_211 : i32
      %dma_wait3A_213 = arith.constant 2 : i32
      %dma_wait3A_214 = arith.constant 2 : i32
      %dma_wait3A_215 = arith.constant 0 : i32
      %dma_wait3A_216 = arith.constant 0 : i32
      %dma_wait3A_217 = tpu.memref_slice %arg8[%dma_wait3A_213, %dma_wait3A_215, %dma_wait3A_216] : memref<4x125x64xf32, #tpu.memory_space<vmem>> -> memref<1x125x64xf32, #tpu.memory_space<vmem>>
      %dma_wait3A_218 = tpu.memref_squeeze %dma_wait3A_217 : memref<1x125x64xf32, #tpu.memory_space<vmem>> -> memref<125x64xf32, #tpu.memory_space<vmem>>
      %dma_wait3A_219 = arith.constant 0 : i32
      %dma_wait3A_220 = tpu.memref_slice %arg6[%add3A_212, %dma_wait3A_219] : memref<80x125xi32, #tpu.memory_space<vmem>> -> memref<1x125xi32, #tpu.memory_space<vmem>>
      %dma_wait3A_221 = tpu.memref_squeeze %dma_wait3A_220 : memref<1x125xi32, #tpu.memory_space<vmem>> -> memref<125xi32, #tpu.memory_space<vmem>>
      %dma_wait3A_222 = arith.constant 0 : i32
      %dma_wait3A_223 = arith.constant 0 : i32
      %dma_wait3A_224 = tpu.memref_slice %arg2[%dma_wait3A_222, %dma_wait3A_223] : memref<10000x64xf32, #tpu.memory_space<hbm>> -> memref<10000x64xf32, #tpu.memory_space<hbm>>
      %dma_wait3A_225 = tpu.memref_slice %arg9[%dma_wait3A_214] : memref<4x!tpu.dma_semaphore, #tpu.memory_space<semaphore_mem>> -> memref<1x!tpu.dma_semaphore, #tpu.memory_space<semaphore_mem>>
      %dma_wait3A_226 = tpu.memref_squeeze %dma_wait3A_225 : memref<1x!tpu.dma_semaphore, #tpu.memory_space<semaphore_mem>> -> memref<!tpu.dma_semaphore, #tpu.memory_space<semaphore_mem>>
      tpu.wait_indirect_dma semaphore(%dma_wait3A_226 : memref<!tpu.dma_semaphore, #tpu.memory_space<semaphore_mem>>) src(%dma_wait3A_224 : memref<10000x64xf32, #tpu.memory_space<hbm>>) dst(%dma_wait3A_218 : memref<125x64xf32, #tpu.memory_space<vmem>>)
      %add3A_227 = arith.constant 2 : i32
      %add3A_228 = arith.addi %mul3A_133, %add3A_227 : i32
      %add3A_229 = arith.constant 4 : i32
      %add3A_230 = arith.addi %add3A_228, %add3A_229 : i32
      %min3A_231 = arith.constant 79 : i32
      %min3A_232 = arith.minsi %add3A_230, %min3A_231 : i32
      %dma_start3A_233 = arith.constant 2 : i32
      %dma_start3A_234 = arith.constant 2 : i32
      %dma_start3A_235 = arith.constant 0 : i32
      %dma_start3A_236 = arith.constant 0 : i32
      %dma_start3A_237 = tpu.memref_slice %arg8[%dma_start3A_233, %dma_start3A_235, %dma_start3A_236] : memref<4x125x64xf32, #tpu.memory_space<vmem>> -> memref<1x125x64xf32, #tpu.memory_space<vmem>>
      %dma_start3A_238 = tpu.memref_squeeze %dma_start3A_237 : memref<1x125x64xf32, #tpu.memory_space<vmem>> -> memref<125x64xf32, #tpu.memory_space<vmem>>
      %dma_start3A_239 = arith.constant 0 : i32
      %dma_start3A_240 = tpu.memref_slice %arg6[%min3A_232, %dma_start3A_239] : memref<80x125xi32, #tpu.memory_space<vmem>> -> memref<1x125xi32, #tpu.memory_space<vmem>>
      %dma_start3A_241 = tpu.memref_squeeze %dma_start3A_240 : memref<1x125xi32, #tpu.memory_space<vmem>> -> memref<125xi32, #tpu.memory_space<vmem>>
      %dma_start3A_242 = arith.constant 0 : i32
      %dma_start3A_243 = arith.constant 0 : i32
      %dma_start3A_244 = tpu.memref_slice %arg2[%dma_start3A_242, %dma_start3A_243] : memref<10000x64xf32, #tpu.memory_space<hbm>> -> memref<10000x64xf32, #tpu.memory_space<hbm>>
      %dma_start3A_245 = tpu.memref_slice %arg9[%dma_start3A_234] : memref<4x!tpu.dma_semaphore, #tpu.memory_space<semaphore_mem>> -> memref<1x!tpu.dma_semaphore, #tpu.memory_space<semaphore_mem>>
      %dma_start3A_246 = tpu.memref_squeeze %dma_start3A_245 : memref<1x!tpu.dma_semaphore, #tpu.memory_space<semaphore_mem>> -> memref<!tpu.dma_semaphore, #tpu.memory_space<semaphore_mem>>
      tpu.enqueue_indirect_dma source(%dma_start3A_244 : memref<10000x64xf32, #tpu.memory_space<hbm>>) target(%dma_start3A_238 : memref<125x64xf32, #tpu.memory_space<vmem>>) offsets(%dma_start3A_241 : memref<125xi32, #tpu.memory_space<vmem>>) semaphore(%dma_start3A_246 : memref<!tpu.dma_semaphore, #tpu.memory_space<semaphore_mem>>)
      %add3A_247 = arith.constant 2 : i32
      %add3A_248 = arith.addi %mul3A_133, %add3A_247 : i32
      %run_scoped3A_249 = arith.constant 2 : i32
      "tpu.region"() ({
        %run_scoped3A_289 = tpu.sem_alloc : memref<!tpu.dma_semaphore, #tpu.memory_space<semaphore_mem>>
        %dma_start3A_290 = arith.constant 0 : i32
        %dma_start3A_291 = arith.constant 0 : i32
        %dma_start3A_292 = tpu.memref_slice %arg8[%run_scoped3A_249, %dma_start3A_290, %dma_start3A_291] : memref<4x125x64xf32, #tpu.memory_space<vmem>> -> memref<1x125x64xf32, #tpu.memory_space<vmem>>
        %dma_start3A_293 = tpu.memref_squeeze %dma_start3A_292 : memref<1x125x64xf32, #tpu.memory_space<vmem>> -> memref<125x64xf32, #tpu.memory_space<vmem>>
        %dma_start3A_294 = arith.constant 0 : i32
        %dma_start3A_295 = tpu.memref_slice %arg7[%add3A_248, %dma_start3A_294] : memref<80x125xi32, #tpu.memory_space<vmem>> -> memref<1x125xi32, #tpu.memory_space<vmem>>
        %dma_start3A_296 = tpu.memref_squeeze %dma_start3A_295 : memref<1x125xi32, #tpu.memory_space<vmem>> -> memref<125xi32, #tpu.memory_space<vmem>>
        %dma_start3A_297 = arith.constant 0 : i32
        %dma_start3A_298 = arith.constant 0 : i32
        %dma_start3A_299 = tpu.memref_slice %arg10[%dma_start3A_297, %dma_start3A_298] : memref<10000x64xf32, #tpu.memory_space<vmem_shared>> -> memref<10000x64xf32, #tpu.memory_space<vmem_shared>>
        tpu.enqueue_indirect_dma source(%dma_start3A_293 : memref<125x64xf32, #tpu.memory_space<vmem>>) target(%dma_start3A_299 : memref<10000x64xf32, #tpu.memory_space<vmem_shared>>) offsets(%dma_start3A_296 : memref<125xi32, #tpu.memory_space<vmem>>) semaphore(%run_scoped3A_289 : memref<!tpu.dma_semaphore, #tpu.memory_space<semaphore_mem>>) {add = true}
        %dma_wait3A_300 = arith.constant 0 : i32
        %dma_wait3A_301 = arith.constant 0 : i32
        %dma_wait3A_302 = tpu.memref_slice %arg8[%run_scoped3A_249, %dma_wait3A_300, %dma_wait3A_301] : memref<4x125x64xf32, #tpu.memory_space<vmem>> -> memref<1x125x64xf32, #tpu.memory_space<vmem>>
        %dma_wait3A_303 = tpu.memref_squeeze %dma_wait3A_302 : memref<1x125x64xf32, #tpu.memory_space<vmem>> -> memref<125x64xf32, #tpu.memory_space<vmem>>
        %dma_wait3A_304 = arith.constant 0 : i32
        %dma_wait3A_305 = tpu.memref_slice %arg7[%add3A_248, %dma_wait3A_304] : memref<80x125xi32, #tpu.memory_space<vmem>> -> memref<1x125xi32, #tpu.memory_space<vmem>>
        %dma_wait3A_306 = tpu.memref_squeeze %dma_wait3A_305 : memref<1x125xi32, #tpu.memory_space<vmem>> -> memref<125xi32, #tpu.memory_space<vmem>>
        %dma_wait3A_307 = arith.constant 0 : i32
        %dma_wait3A_308 = arith.constant 0 : i32
        %dma_wait3A_309 = tpu.memref_slice %arg10[%dma_wait3A_307, %dma_wait3A_308] : memref<10000x64xf32, #tpu.memory_space<vmem_shared>> -> memref<10000x64xf32, #tpu.memory_space<vmem_shared>>
        tpu.wait_indirect_dma semaphore(%run_scoped3A_289 : memref<!tpu.dma_semaphore, #tpu.memory_space<semaphore_mem>>) src(%dma_wait3A_303 : memref<125x64xf32, #tpu.memory_space<vmem>>) dst(%dma_wait3A_309 : memref<10000x64xf32, #tpu.memory_space<vmem_shared>>)
        tpu.yield
      }) : () -> ()
      %add3A_250 = arith.constant 3 : i32
      %add3A_251 = arith.addi %mul3A_133, %add3A_250 : i32
      %dma_wait3A_252 = arith.constant 3 : i32
      %dma_wait3A_253 = arith.constant 3 : i32
      %dma_wait3A_254 = arith.constant 0 : i32
      %dma_wait3A_255 = arith.constant 0 : i32
      %dma_wait3A_256 = tpu.memref_slice %arg8[%dma_wait3A_252, %dma_wait3A_254, %dma_wait3A_255] : memref<4x125x64xf32, #tpu.memory_space<vmem>> -> memref<1x125x64xf32, #tpu.memory_space<vmem>>
      %dma_wait3A_257 = tpu.memref_squeeze %dma_wait3A_256 : memref<1x125x64xf32, #tpu.memory_space<vmem>> -> memref<125x64xf32, #tpu.memory_space<vmem>>
      %dma_wait3A_258 = arith.constant 0 : i32
      %dma_wait3A_259 = tpu.memref_slice %arg6[%add3A_251, %dma_wait3A_258] : memref<80x125xi32, #tpu.memory_space<vmem>> -> memref<1x125xi32, #tpu.memory_space<vmem>>
      %dma_wait3A_260 = tpu.memref_squeeze %dma_wait3A_259 : memref<1x125xi32, #tpu.memory_space<vmem>> -> memref<125xi32, #tpu.memory_space<vmem>>
      %dma_wait3A_261 = arith.constant 0 : i32
      %dma_wait3A_262 = arith.constant 0 : i32
      %dma_wait3A_263 = tpu.memref_slice %arg2[%dma_wait3A_261, %dma_wait3A_262] : memref<10000x64xf32, #tpu.memory_space<hbm>> -> memref<10000x64xf32, #tpu.memory_space<hbm>>
      %dma_wait3A_264 = tpu.memref_slice %arg9[%dma_wait3A_253] : memref<4x!tpu.dma_semaphore, #tpu.memory_space<semaphore_mem>> -> memref<1x!tpu.dma_semaphore, #tpu.memory_space<semaphore_mem>>
      %dma_wait3A_265 = tpu.memref_squeeze %dma_wait3A_264 : memref<1x!tpu.dma_semaphore, #tpu.memory_space<semaphore_mem>> -> memref<!tpu.dma_semaphore, #tpu.memory_space<semaphore_mem>>
      tpu.wait_indirect_dma semaphore(%dma_wait3A_265 : memref<!tpu.dma_semaphore, #tpu.memory_space<semaphore_mem>>) src(%dma_wait3A_263 : memref<10000x64xf32, #tpu.memory_space<hbm>>) dst(%dma_wait3A_257 : memref<125x64xf32, #tpu.memory_space<vmem>>)
      %add3A_266 = arith.constant 3 : i32
      %add3A_267 = arith.addi %mul3A_133, %add3A_266 : i32
      %add3A_268 = arith.constant 4 : i32
      %add3A_269 = arith.addi %add3A_267, %add3A_268 : i32
      %min3A_270 = arith.constant 79 : i32
      %min3A_271 = arith.minsi %add3A_269, %min3A_270 : i32
      %dma_start3A_272 = arith.constant 3 : i32
      %dma_start3A_273 = arith.constant 3 : i32
      %dma_start3A_274 = arith.constant 0 : i32
      %dma_start3A_275 = arith.constant 0 : i32
      %dma_start3A_276 = tpu.memref_slice %arg8[%dma_start3A_272, %dma_start3A_274, %dma_start3A_275] : memref<4x125x64xf32, #tpu.memory_space<vmem>> -> memref<1x125x64xf32, #tpu.memory_space<vmem>>
      %dma_start3A_277 = tpu.memref_squeeze %dma_start3A_276 : memref<1x125x64xf32, #tpu.memory_space<vmem>> -> memref<125x64xf32, #tpu.memory_space<vmem>>
      %dma_start3A_278 = arith.constant 0 : i32
      %dma_start3A_279 = tpu.memref_slice %arg6[%min3A_271, %dma_start3A_278] : memref<80x125xi32, #tpu.memory_space<vmem>> -> memref<1x125xi32, #tpu.memory_space<vmem>>
      %dma_start3A_280 = tpu.memref_squeeze %dma_start3A_279 : memref<1x125xi32, #tpu.memory_space<vmem>> -> memref<125xi32, #tpu.memory_space<vmem>>
      %dma_start3A_281 = arith.constant 0 : i32
      %dma_start3A_282 = arith.constant 0 : i32
      %dma_start3A_283 = tpu.memref_slice %arg2[%dma_start3A_281, %dma_start3A_282] : memref<10000x64xf32, #tpu.memory_space<hbm>> -> memref<10000x64xf32, #tpu.memory_space<hbm>>
      %dma_start3A_284 = tpu.memref_slice %arg9[%dma_start3A_273] : memref<4x!tpu.dma_semaphore, #tpu.memory_space<semaphore_mem>> -> memref<1x!tpu.dma_semaphore, #tpu.memory_space<semaphore_mem>>
      %dma_start3A_285 = tpu.memref_squeeze %dma_start3A_284 : memref<1x!tpu.dma_semaphore, #tpu.memory_space<semaphore_mem>> -> memref<!tpu.dma_semaphore, #tpu.memory_space<semaphore_mem>>
      tpu.enqueue_indirect_dma source(%dma_start3A_283 : memref<10000x64xf32, #tpu.memory_space<hbm>>) target(%dma_start3A_277 : memref<125x64xf32, #tpu.memory_space<vmem>>) offsets(%dma_start3A_280 : memref<125xi32, #tpu.memory_space<vmem>>) semaphore(%dma_start3A_285 : memref<!tpu.dma_semaphore, #tpu.memory_space<semaphore_mem>>)
      %add3A_286 = arith.constant 3 : i32
      %add3A_287 = arith.addi %mul3A_133, %add3A_286 : i32
      %run_scoped3A_288 = arith.constant 3 : i32
      "tpu.region"() ({
        %run_scoped3A_289 = tpu.sem_alloc : memref<!tpu.dma_semaphore, #tpu.memory_space<semaphore_mem>>
        %dma_start3A_290 = arith.constant 0 : i32
        %dma_start3A_291 = arith.constant 0 : i32
        %dma_start3A_292 = tpu.memref_slice %arg8[%run_scoped3A_288, %dma_start3A_290, %dma_start3A_291] : memref<4x125x64xf32, #tpu.memory_space<vmem>> -> memref<1x125x64xf32, #tpu.memory_space<vmem>>
        %dma_start3A_293 = tpu.memref_squeeze %dma_start3A_292 : memref<1x125x64xf32, #tpu.memory_space<vmem>> -> memref<125x64xf32, #tpu.memory_space<vmem>>
        %dma_start3A_294 = arith.constant 0 : i32
        %dma_start3A_295 = tpu.memref_slice %arg7[%add3A_287, %dma_start3A_294] : memref<80x125xi32, #tpu.memory_space<vmem>> -> memref<1x125xi32, #tpu.memory_space<vmem>>
        %dma_start3A_296 = tpu.memref_squeeze %dma_start3A_295 : memref<1x125xi32, #tpu.memory_space<vmem>> -> memref<125xi32, #tpu.memory_space<vmem>>
        %dma_start3A_297 = arith.constant 0 : i32
        %dma_start3A_298 = arith.constant 0 : i32
        %dma_start3A_299 = tpu.memref_slice %arg10[%dma_start3A_297, %dma_start3A_298] : memref<10000x64xf32, #tpu.memory_space<vmem_shared>> -> memref<10000x64xf32, #tpu.memory_space<vmem_shared>>
        tpu.enqueue_indirect_dma source(%dma_start3A_293 : memref<125x64xf32, #tpu.memory_space<vmem>>) target(%dma_start3A_299 : memref<10000x64xf32, #tpu.memory_space<vmem_shared>>) offsets(%dma_start3A_296 : memref<125xi32, #tpu.memory_space<vmem>>) semaphore(%run_scoped3A_289 : memref<!tpu.dma_semaphore, #tpu.memory_space<semaphore_mem>>) {add = true}
        %dma_wait3A_300 = arith.constant 0 : i32
        %dma_wait3A_301 = arith.constant 0 : i32
        %dma_wait3A_302 = tpu.memref_slice %arg8[%run_scoped3A_288, %dma_wait3A_300, %dma_wait3A_301] : memref<4x125x64xf32, #tpu.memory_space<vmem>> -> memref<1x125x64xf32, #tpu.memory_space<vmem>>
        %dma_wait3A_303 = tpu.memref_squeeze %dma_wait3A_302 : memref<1x125x64xf32, #tpu.memory_space<vmem>> -> memref<125x64xf32, #tpu.memory_space<vmem>>
        %dma_wait3A_304 = arith.constant 0 : i32
        %dma_wait3A_305 = tpu.memref_slice %arg7[%add3A_287, %dma_wait3A_304] : memref<80x125xi32, #tpu.memory_space<vmem>> -> memref<1x125xi32, #tpu.memory_space<vmem>>
        %dma_wait3A_306 = tpu.memref_squeeze %dma_wait3A_305 : memref<1x125xi32, #tpu.memory_space<vmem>> -> memref<125xi32, #tpu.memory_space<vmem>>
        %dma_wait3A_307 = arith.constant 0 : i32
        %dma_wait3A_308 = arith.constant 0 : i32
        %dma_wait3A_309 = tpu.memref_slice %arg10[%dma_wait3A_307, %dma_wait3A_308] : memref<10000x64xf32, #tpu.memory_space<vmem_shared>> -> memref<10000x64xf32, #tpu.memory_space<vmem_shared>>
        tpu.wait_indirect_dma semaphore(%run_scoped3A_289 : memref<!tpu.dma_semaphore, #tpu.memory_space<semaphore_mem>>) src(%dma_wait3A_303 : memref<125x64xf32, #tpu.memory_space<vmem>>) dst(%dma_wait3A_309 : memref<10000x64xf32, #tpu.memory_space<vmem_shared>>)
        tpu.yield
      }) : () -> ()
    }
    %scan3A_70 = arith.constant 20 : i32
    %dma_wait3A = arith.constant 79 : i32
    %dma_wait3A_71 = arith.constant 0 : i32
    %dma_wait3A_72 = arith.constant 0 : i32
    %dma_wait3A_73 = arith.constant 0 : i32
    %dma_wait3A_74 = arith.constant 0 : i32
    %dma_wait3A_75 = tpu.memref_slice %arg8[%dma_wait3A_71, %dma_wait3A_73, %dma_wait3A_74] : memref<4x125x64xf32, #tpu.memory_space<vmem>> -> memref<1x125x64xf32, #tpu.memory_space<vmem>>
    %dma_wait3A_76 = tpu.memref_squeeze %dma_wait3A_75 : memref<1x125x64xf32, #tpu.memory_space<vmem>> -> memref<125x64xf32, #tpu.memory_space<vmem>>
    %dma_wait3A_77 = arith.constant 0 : i32
    %dma_wait3A_78 = tpu.memref_slice %arg6[%dma_wait3A, %dma_wait3A_77] : memref<80x125xi32, #tpu.memory_space<vmem>> -> memref<1x125xi32, #tpu.memory_space<vmem>>
    %dma_wait3A_79 = tpu.memref_squeeze %dma_wait3A_78 : memref<1x125xi32, #tpu.memory_space<vmem>> -> memref<125xi32, #tpu.memory_space<vmem>>
    %dma_wait3A_80 = arith.constant 0 : i32
    %dma_wait3A_81 = arith.constant 0 : i32
    %dma_wait3A_82 = tpu.memref_slice %arg2[%dma_wait3A_80, %dma_wait3A_81] : memref<10000x64xf32, #tpu.memory_space<hbm>> -> memref<10000x64xf32, #tpu.memory_space<hbm>>
    %dma_wait3A_83 = tpu.memref_slice %arg9[%dma_wait3A_72] : memref<4x!tpu.dma_semaphore, #tpu.memory_space<semaphore_mem>> -> memref<1x!tpu.dma_semaphore, #tpu.memory_space<semaphore_mem>>
    %dma_wait3A_84 = tpu.memref_squeeze %dma_wait3A_83 : memref<1x!tpu.dma_semaphore, #tpu.memory_space<semaphore_mem>> -> memref<!tpu.dma_semaphore, #tpu.memory_space<semaphore_mem>>
    tpu.wait_indirect_dma semaphore(%dma_wait3A_84 : memref<!tpu.dma_semaphore, #tpu.memory_space<semaphore_mem>>) src(%dma_wait3A_82 : memref<10000x64xf32, #tpu.memory_space<hbm>>) dst(%dma_wait3A_76 : memref<125x64xf32, #tpu.memory_space<vmem>>)
    %dma_wait3A_85 = arith.constant 79 : i32
    %dma_wait3A_86 = arith.constant 1 : i32
    %dma_wait3A_87 = arith.constant 1 : i32
    %dma_wait3A_88 = arith.constant 0 : i32
    %dma_wait3A_89 = arith.constant 0 : i32
    %dma_wait3A_90 = tpu.memref_slice %arg8[%dma_wait3A_86, %dma_wait3A_88, %dma_wait3A_89] : memref<4x125x64xf32, #tpu.memory_space<vmem>> -> memref<1x125x64xf32, #tpu.memory_space<vmem>>
    %dma_wait3A_91 = tpu.memref_squeeze %dma_wait3A_90 : memref<1x125x64xf32, #tpu.memory_space<vmem>> -> memref<125x64xf32, #tpu.memory_space<vmem>>
    %dma_wait3A_92 = arith.constant 0 : i32
    %dma_wait3A_93 = tpu.memref_slice %arg6[%dma_wait3A_85, %dma_wait3A_92] : memref<80x125xi32, #tpu.memory_space<vmem>> -> memref<1x125xi32, #tpu.memory_space<vmem>>
    %dma_wait3A_94 = tpu.memref_squeeze %dma_wait3A_93 : memref<1x125xi32, #tpu.memory_space<vmem>> -> memref<125xi32, #tpu.memory_space<vmem>>
    %dma_wait3A_95 = arith.constant 0 : i32
    %dma_wait3A_96 = arith.constant 0 : i32
    %dma_wait3A_97 = tpu.memref_slice %arg2[%dma_wait3A_95, %dma_wait3A_96] : memref<10000x64xf32, #tpu.memory_space<hbm>> -> memref<10000x64xf32, #tpu.memory_space<hbm>>
    %dma_wait3A_98 = tpu.memref_slice %arg9[%dma_wait3A_87] : memref<4x!tpu.dma_semaphore, #tpu.memory_space<semaphore_mem>> -> memref<1x!tpu.dma_semaphore, #tpu.memory_space<semaphore_mem>>
    %dma_wait3A_99 = tpu.memref_squeeze %dma_wait3A_98 : memref<1x!tpu.dma_semaphore, #tpu.memory_space<semaphore_mem>> -> memref<!tpu.dma_semaphore, #tpu.memory_space<semaphore_mem>>
    tpu.wait_indirect_dma semaphore(%dma_wait3A_99 : memref<!tpu.dma_semaphore, #tpu.memory_space<semaphore_mem>>) src(%dma_wait3A_97 : memref<10000x64xf32, #tpu.memory_space<hbm>>) dst(%dma_wait3A_91 : memref<125x64xf32, #tpu.memory_space<vmem>>)
    %dma_wait3A_100 = arith.constant 79 : i32
    %dma_wait3A_101 = arith.constant 2 : i32
    %dma_wait3A_102 = arith.constant 2 : i32
    %dma_wait3A_103 = arith.constant 0 : i32
    %dma_wait3A_104 = arith.constant 0 : i32
    %dma_wait3A_105 = tpu.memref_slice %arg8[%dma_wait3A_101, %dma_wait3A_103, %dma_wait3A_104] : memref<4x125x64xf32, #tpu.memory_space<vmem>> -> memref<1x125x64xf32, #tpu.memory_space<vmem>>
    %dma_wait3A_106 = tpu.memref_squeeze %dma_wait3A_105 : memref<1x125x64xf32, #tpu.memory_space<vmem>> -> memref<125x64xf32, #tpu.memory_space<vmem>>
    %dma_wait3A_107 = arith.constant 0 : i32
    %dma_wait3A_108 = tpu.memref_slice %arg6[%dma_wait3A_100, %dma_wait3A_107] : memref<80x125xi32, #tpu.memory_space<vmem>> -> memref<1x125xi32, #tpu.memory_space<vmem>>
    %dma_wait3A_109 = tpu.memref_squeeze %dma_wait3A_108 : memref<1x125xi32, #tpu.memory_space<vmem>> -> memref<125xi32, #tpu.memory_space<vmem>>
    %dma_wait3A_110 = arith.constant 0 : i32
    %dma_wait3A_111 = arith.constant 0 : i32
    %dma_wait3A_112 = tpu.memref_slice %arg2[%dma_wait3A_110, %dma_wait3A_111] : memref<10000x64xf32, #tpu.memory_space<hbm>> -> memref<10000x64xf32, #tpu.memory_space<hbm>>
    %dma_wait3A_113 = tpu.memref_slice %arg9[%dma_wait3A_102] : memref<4x!tpu.dma_semaphore, #tpu.memory_space<semaphore_mem>> -> memref<1x!tpu.dma_semaphore, #tpu.memory_space<semaphore_mem>>
    %dma_wait3A_114 = tpu.memref_squeeze %dma_wait3A_113 : memref<1x!tpu.dma_semaphore, #tpu.memory_space<semaphore_mem>> -> memref<!tpu.dma_semaphore, #tpu.memory_space<semaphore_mem>>
    tpu.wait_indirect_dma semaphore(%dma_wait3A_114 : memref<!tpu.dma_semaphore, #tpu.memory_space<semaphore_mem>>) src(%dma_wait3A_112 : memref<10000x64xf32, #tpu.memory_space<hbm>>) dst(%dma_wait3A_106 : memref<125x64xf32, #tpu.memory_space<vmem>>)
    %dma_wait3A_115 = arith.constant 79 : i32
    %dma_wait3A_116 = arith.constant 3 : i32
    %dma_wait3A_117 = arith.constant 3 : i32
    %dma_wait3A_118 = arith.constant 0 : i32
    %dma_wait3A_119 = arith.constant 0 : i32
    %dma_wait3A_120 = tpu.memref_slice %arg8[%dma_wait3A_116, %dma_wait3A_118, %dma_wait3A_119] : memref<4x125x64xf32, #tpu.memory_space<vmem>> -> memref<1x125x64xf32, #tpu.memory_space<vmem>>
    %dma_wait3A_121 = tpu.memref_squeeze %dma_wait3A_120 : memref<1x125x64xf32, #tpu.memory_space<vmem>> -> memref<125x64xf32, #tpu.memory_space<vmem>>
    %dma_wait3A_122 = arith.constant 0 : i32
    %dma_wait3A_123 = tpu.memref_slice %arg6[%dma_wait3A_115, %dma_wait3A_122] : memref<80x125xi32, #tpu.memory_space<vmem>> -> memref<1x125xi32, #tpu.memory_space<vmem>>
    %dma_wait3A_124 = tpu.memref_squeeze %dma_wait3A_123 : memref<1x125xi32, #tpu.memory_space<vmem>> -> memref<125xi32, #tpu.memory_space<vmem>>
    %dma_wait3A_125 = arith.constant 0 : i32
    %dma_wait3A_126 = arith.constant 0 : i32
    %dma_wait3A_127 = tpu.memref_slice %arg2[%dma_wait3A_125, %dma_wait3A_126] : memref<10000x64xf32, #tpu.memory_space<hbm>> -> memref<10000x64xf32, #tpu.memory_space<hbm>>
    %dma_wait3A_128 = tpu.memref_slice %arg9[%dma_wait3A_117] : memref<4x!tpu.dma_semaphore, #tpu.memory_space<semaphore_mem>> -> memref<1x!tpu.dma_semaphore, #tpu.memory_space<semaphore_mem>>
    %dma_wait3A_129 = tpu.memref_squeeze %dma_wait3A_128 : memref<1x!tpu.dma_semaphore, #tpu.memory_space<semaphore_mem>> -> memref<!tpu.dma_semaphore, #tpu.memory_space<semaphore_mem>>
    tpu.wait_indirect_dma semaphore(%dma_wait3A_129 : memref<!tpu.dma_semaphore, #tpu.memory_space<semaphore_mem>>) src(%dma_wait3A_127 : memref<10000x64xf32, #tpu.memory_space<hbm>>) dst(%dma_wait3A_121 : memref<125x64xf32, #tpu.memory_space<vmem>>)
    %barrier3A_130 = arith.constant 0 : index
    tpu.barrier barrier_id(%barrier3A_130)
    "tpu.region"() ({
      %run_scoped3A_131 = tpu.sem_alloc : memref<!tpu.dma_semaphore, #tpu.memory_space<semaphore_mem>>
      %dma_start3A_132 = arith.constant 0 : i32
      %dma_start3A_133 = tpu.memref_slice %arg5[%arg0, %mul3A_0, %dma_start3A_132] : memref<2x10000x64xf32, #tpu.memory_space<hbm>> -> memref<1x625x64xf32, #tpu.memory_space<hbm>>
      %dma_start3A_134 = tpu.memref_squeeze %dma_start3A_133 : memref<1x625x64xf32, #tpu.memory_space<hbm>> -> memref<625x64xf32, #tpu.memory_space<hbm>>
      %dma_start3A_135 = arith.constant 0 : i32
      %dma_start3A_136 = tpu.memref_slice %arg10[%mul3A_0, %dma_start3A_135] : memref<10000x64xf32, #tpu.memory_space<vmem_shared>> -> memref<625x64xf32, #tpu.memory_space<vmem_shared>>
      tpu.enqueue_dma source(%dma_start3A_136 : memref<625x64xf32, #tpu.memory_space<vmem_shared>>) target(%dma_start3A_134 : memref<625x64xf32, #tpu.memory_space<hbm>>) target_semaphore(%run_scoped3A_131 : memref<!tpu.dma_semaphore, #tpu.memory_space<semaphore_mem>>)
      %dma_wait3A_137 = arith.constant 0 : i32
      %dma_wait3A_138 = tpu.memref_slice %arg5[%arg0, %mul3A_0, %dma_wait3A_137] : memref<2x10000x64xf32, #tpu.memory_space<hbm>> -> memref<1x625x64xf32, #tpu.memory_space<hbm>>
      %dma_wait3A_139 = tpu.memref_squeeze %dma_wait3A_138 : memref<1x625x64xf32, #tpu.memory_space<hbm>> -> memref<625x64xf32, #tpu.memory_space<hbm>>
      %dma_wait3A_140 = arith.constant 0 : i32
      %dma_wait3A_141 = tpu.memref_slice %arg10[%mul3A_0, %dma_wait3A_140] : memref<10000x64xf32, #tpu.memory_space<vmem_shared>> -> memref<625x64xf32, #tpu.memory_space<vmem_shared>>
      tpu.wait_dma2 semaphore(%run_scoped3A_131 : memref<!tpu.dma_semaphore, #tpu.memory_space<semaphore_mem>>) src(%dma_wait3A_141 : memref<625x64xf32, #tpu.memory_space<vmem_shared>>) dst(%dma_wait3A_139 : memref<625x64xf32, #tpu.memory_space<hbm>>)
      tpu.yield
    }) : () -> ()
    return
  }
}

#map = affine_map<(d0, d1) -> (0, 0, 0, 0)>
#map1 = affine_map<(d0, d1) -> (0, 0)>
#map2 = affine_map<(d0, d1) -> (0, 0, 0)>
module attributes {stable_mosaic.version = 14 : i64} {
  func.func @_deg_body(%arg0: i32, %arg1: i32, %arg2: memref<2x32x80x125xi32, #tpu.memory_space<hbm>>, %arg3: memref<125x8xf32, #tpu.memory_space<hbm>>, %arg4: memref<10000x8xf32, #tpu.memory_space<hbm>>, %arg5: memref<2x10000x8xf32, #tpu.memory_space<hbm>>, %arg6: memref<80x125xi32, #tpu.memory_space<vmem>>, %arg7: memref<125x8xf32, #tpu.memory_space<vmem>>, %arg8: memref<!tpu.dma_semaphore, #tpu.memory_space<semaphore_mem>>, %arg9: memref<10000x8xf32, #tpu.memory_space<vmem_shared>>) attributes {dimension_semantics = [#tpu.dimension_semantics<core_parallel>, #tpu.dimension_semantics<subcore_parallel>], iteration_bounds = array<i64: 2, 16>, scalar_prefetch = 0 : i64, scratch_operands = 4 : i64, tpu.core_type = #tpu.core_type<sc_vector_subcore>, window_params = [{transform_indices = #map}, {transform_indices = #map1}, {transform_indices = #map1}, {transform_indices = #map2}]} {
    %mul3A = arith.constant 625 : i32
    %mul3A_0 = arith.muli %arg1, %mul3A : i32
    "tpu.region"() ({
      %run_scoped3A_9 = tpu.sem_alloc : memref<!tpu.dma_semaphore, #tpu.memory_space<semaphore_mem>>
      %dma_start3A = arith.constant 0 : i32
      %dma_start3A_10 = tpu.memref_slice %arg9[%mul3A_0, %dma_start3A] : memref<10000x8xf32, #tpu.memory_space<vmem_shared>> -> memref<625x8xf32, #tpu.memory_space<vmem_shared>>
      %dma_start3A_11 = arith.constant 0 : i32
      %dma_start3A_12 = tpu.memref_slice %arg4[%mul3A_0, %dma_start3A_11] : memref<10000x8xf32, #tpu.memory_space<hbm>> -> memref<625x8xf32, #tpu.memory_space<hbm>>
      tpu.enqueue_dma source(%dma_start3A_12 : memref<625x8xf32, #tpu.memory_space<hbm>>) target(%dma_start3A_10 : memref<625x8xf32, #tpu.memory_space<vmem_shared>>) target_semaphore(%run_scoped3A_9 : memref<!tpu.dma_semaphore, #tpu.memory_space<semaphore_mem>>)
      %dma_wait3A = arith.constant 0 : i32
      %dma_wait3A_13 = tpu.memref_slice %arg9[%mul3A_0, %dma_wait3A] : memref<10000x8xf32, #tpu.memory_space<vmem_shared>> -> memref<625x8xf32, #tpu.memory_space<vmem_shared>>
      %dma_wait3A_14 = arith.constant 0 : i32
      %dma_wait3A_15 = tpu.memref_slice %arg4[%mul3A_0, %dma_wait3A_14] : memref<10000x8xf32, #tpu.memory_space<hbm>> -> memref<625x8xf32, #tpu.memory_space<hbm>>
      tpu.wait_dma2 semaphore(%run_scoped3A_9 : memref<!tpu.dma_semaphore, #tpu.memory_space<semaphore_mem>>) src(%dma_wait3A_15 : memref<625x8xf32, #tpu.memory_space<hbm>>) dst(%dma_wait3A_13 : memref<625x8xf32, #tpu.memory_space<vmem_shared>>)
      tpu.yield
    }) : () -> ()
    "tpu.region"() ({
      %run_scoped3A_9 = tpu.sem_alloc : memref<!tpu.dma_semaphore, #tpu.memory_space<semaphore_mem>>
      tpu.enqueue_dma source(%arg3 : memref<125x8xf32, #tpu.memory_space<hbm>>) target(%arg7 : memref<125x8xf32, #tpu.memory_space<vmem>>) target_semaphore(%run_scoped3A_9 : memref<!tpu.dma_semaphore, #tpu.memory_space<semaphore_mem>>)
      tpu.wait_dma2 semaphore(%run_scoped3A_9 : memref<!tpu.dma_semaphore, #tpu.memory_space<semaphore_mem>>) src(%arg3 : memref<125x8xf32, #tpu.memory_space<hbm>>) dst(%arg7 : memref<125x8xf32, #tpu.memory_space<vmem>>)
      tpu.yield
    }) : () -> ()
    %mul3A_1 = arith.constant 16 : i32
    %mul3A_2 = arith.muli %arg0, %mul3A_1 : i32
    %add3A = arith.addi %mul3A_2, %arg1 : i32
    %run_scoped3A = arith.constant 1 : i32
    "tpu.region"() ({
      %run_scoped3A_9 = tpu.sem_alloc : memref<!tpu.dma_semaphore, #tpu.memory_space<semaphore_mem>>
      %dma_start3A = arith.constant 0 : i32
      %dma_start3A_10 = arith.constant 0 : i32
      %dma_start3A_11 = tpu.memref_slice %arg2[%run_scoped3A, %add3A, %dma_start3A, %dma_start3A_10] : memref<2x32x80x125xi32, #tpu.memory_space<hbm>> -> memref<1x1x80x125xi32, #tpu.memory_space<hbm>>
      %dma_start3A_12 = tpu.memref_squeeze %dma_start3A_11 : memref<1x1x80x125xi32, #tpu.memory_space<hbm>> -> memref<80x125xi32, #tpu.memory_space<hbm>>
      %dma_start3A_13 = arith.constant 0 : i32
      %dma_start3A_14 = arith.constant 0 : i32
      %dma_start3A_15 = tpu.memref_slice %arg2[%run_scoped3A, %add3A, %dma_start3A_13, %dma_start3A_14] : memref<2x32x80x125xi32, #tpu.memory_space<hbm>> -> memref<1x1x80x125xi32, #tpu.memory_space<hbm>>
      %dma_start3A_16 = tpu.memref_squeeze %dma_start3A_15 : memref<1x1x80x125xi32, #tpu.memory_space<hbm>> -> memref<80x125xi32, #tpu.memory_space<hbm>>
      tpu.enqueue_dma source(%dma_start3A_16 : memref<80x125xi32, #tpu.memory_space<hbm>>) target(%arg6 : memref<80x125xi32, #tpu.memory_space<vmem>>) target_semaphore(%run_scoped3A_9 : memref<!tpu.dma_semaphore, #tpu.memory_space<semaphore_mem>>)
      %dma_wait3A = arith.constant 0 : i32
      %dma_wait3A_17 = arith.constant 0 : i32
      %dma_wait3A_18 = tpu.memref_slice %arg2[%run_scoped3A, %add3A, %dma_wait3A, %dma_wait3A_17] : memref<2x32x80x125xi32, #tpu.memory_space<hbm>> -> memref<1x1x80x125xi32, #tpu.memory_space<hbm>>
      %dma_wait3A_19 = tpu.memref_squeeze %dma_wait3A_18 : memref<1x1x80x125xi32, #tpu.memory_space<hbm>> -> memref<80x125xi32, #tpu.memory_space<hbm>>
      %dma_wait3A_20 = arith.constant 0 : i32
      %dma_wait3A_21 = arith.constant 0 : i32
      %dma_wait3A_22 = tpu.memref_slice %arg2[%run_scoped3A, %add3A, %dma_wait3A_20, %dma_wait3A_21] : memref<2x32x80x125xi32, #tpu.memory_space<hbm>> -> memref<1x1x80x125xi32, #tpu.memory_space<hbm>>
      %dma_wait3A_23 = tpu.memref_squeeze %dma_wait3A_22 : memref<1x1x80x125xi32, #tpu.memory_space<hbm>> -> memref<80x125xi32, #tpu.memory_space<hbm>>
      tpu.wait_dma2 semaphore(%run_scoped3A_9 : memref<!tpu.dma_semaphore, #tpu.memory_space<semaphore_mem>>) src(%dma_wait3A_23 : memref<80x125xi32, #tpu.memory_space<hbm>>) dst(%arg6 : memref<80x125xi32, #tpu.memory_space<vmem>>)
      tpu.yield
    }) : () -> ()
    %barrier3A = arith.constant 0 : index
    tpu.barrier barrier_id(%barrier3A)
    %scan3A = arith.constant 0 : i32
    %scan3A_3 = arith.constant 0 : i32
    %scan3A_4 = arith.constant 80 : i32
    %scan3A_5 = arith.addi %scan3A_3, %scan3A_4 : i32
    %scan3A_6 = arith.constant 1 : i32
    scf.for %scan3A_9 = %scan3A_3 to %scan3A_5 step %scan3A_6  : i32 {
      "tpu.region"() ({
        %run_scoped3A_10 = tpu.sem_alloc : memref<!tpu.dma_semaphore, #tpu.memory_space<semaphore_mem>>
        %dma_start3A = arith.constant 0 : i32
        %dma_start3A_11 = tpu.memref_slice %arg6[%scan3A_9, %dma_start3A] : memref<80x125xi32, #tpu.memory_space<vmem>> -> memref<1x125xi32, #tpu.memory_space<vmem>>
        %dma_start3A_12 = tpu.memref_squeeze %dma_start3A_11 : memref<1x125xi32, #tpu.memory_space<vmem>> -> memref<125xi32, #tpu.memory_space<vmem>>
        %dma_start3A_13 = arith.constant 0 : i32
        %dma_start3A_14 = arith.constant 0 : i32
        %dma_start3A_15 = tpu.memref_slice %arg9[%dma_start3A_13, %dma_start3A_14] : memref<10000x8xf32, #tpu.memory_space<vmem_shared>> -> memref<10000x8xf32, #tpu.memory_space<vmem_shared>>
        tpu.enqueue_indirect_dma source(%arg7 : memref<125x8xf32, #tpu.memory_space<vmem>>) target(%dma_start3A_15 : memref<10000x8xf32, #tpu.memory_space<vmem_shared>>) offsets(%dma_start3A_12 : memref<125xi32, #tpu.memory_space<vmem>>) semaphore(%run_scoped3A_10 : memref<!tpu.dma_semaphore, #tpu.memory_space<semaphore_mem>>) {add = true}
        %dma_wait3A = arith.constant 0 : i32
        %dma_wait3A_16 = tpu.memref_slice %arg6[%scan3A_9, %dma_wait3A] : memref<80x125xi32, #tpu.memory_space<vmem>> -> memref<1x125xi32, #tpu.memory_space<vmem>>
        %dma_wait3A_17 = tpu.memref_squeeze %dma_wait3A_16 : memref<1x125xi32, #tpu.memory_space<vmem>> -> memref<125xi32, #tpu.memory_space<vmem>>
        %dma_wait3A_18 = arith.constant 0 : i32
        %dma_wait3A_19 = arith.constant 0 : i32
        %dma_wait3A_20 = tpu.memref_slice %arg9[%dma_wait3A_18, %dma_wait3A_19] : memref<10000x8xf32, #tpu.memory_space<vmem_shared>> -> memref<10000x8xf32, #tpu.memory_space<vmem_shared>>
        tpu.wait_indirect_dma semaphore(%run_scoped3A_10 : memref<!tpu.dma_semaphore, #tpu.memory_space<semaphore_mem>>) src(%arg7 : memref<125x8xf32, #tpu.memory_space<vmem>>) dst(%dma_wait3A_20 : memref<10000x8xf32, #tpu.memory_space<vmem_shared>>)
        tpu.yield
      }) : () -> ()
    }
    %scan3A_7 = arith.constant 80 : i32
    %barrier3A_8 = arith.constant 0 : index
    tpu.barrier barrier_id(%barrier3A_8)
    "tpu.region"() ({
      %run_scoped3A_9 = tpu.sem_alloc : memref<!tpu.dma_semaphore, #tpu.memory_space<semaphore_mem>>
      %dma_start3A = arith.constant 0 : i32
      %dma_start3A_10 = tpu.memref_slice %arg5[%arg0, %mul3A_0, %dma_start3A] : memref<2x10000x8xf32, #tpu.memory_space<hbm>> -> memref<1x625x8xf32, #tpu.memory_space<hbm>>
      %dma_start3A_11 = tpu.memref_squeeze %dma_start3A_10 : memref<1x625x8xf32, #tpu.memory_space<hbm>> -> memref<625x8xf32, #tpu.memory_space<hbm>>
      %dma_start3A_12 = arith.constant 0 : i32
      %dma_start3A_13 = tpu.memref_slice %arg9[%mul3A_0, %dma_start3A_12] : memref<10000x8xf32, #tpu.memory_space<vmem_shared>> -> memref<625x8xf32, #tpu.memory_space<vmem_shared>>
      tpu.enqueue_dma source(%dma_start3A_13 : memref<625x8xf32, #tpu.memory_space<vmem_shared>>) target(%dma_start3A_11 : memref<625x8xf32, #tpu.memory_space<hbm>>) target_semaphore(%run_scoped3A_9 : memref<!tpu.dma_semaphore, #tpu.memory_space<semaphore_mem>>)
      %dma_wait3A = arith.constant 0 : i32
      %dma_wait3A_14 = tpu.memref_slice %arg5[%arg0, %mul3A_0, %dma_wait3A] : memref<2x10000x8xf32, #tpu.memory_space<hbm>> -> memref<1x625x8xf32, #tpu.memory_space<hbm>>
      %dma_wait3A_15 = tpu.memref_squeeze %dma_wait3A_14 : memref<1x625x8xf32, #tpu.memory_space<hbm>> -> memref<625x8xf32, #tpu.memory_space<hbm>>
      %dma_wait3A_16 = arith.constant 0 : i32
      %dma_wait3A_17 = tpu.memref_slice %arg9[%mul3A_0, %dma_wait3A_16] : memref<10000x8xf32, #tpu.memory_space<vmem_shared>> -> memref<625x8xf32, #tpu.memory_space<vmem_shared>>
      tpu.wait_dma2 semaphore(%run_scoped3A_9 : memref<!tpu.dma_semaphore, #tpu.memory_space<semaphore_mem>>) src(%dma_wait3A_17 : memref<625x8xf32, #tpu.memory_space<vmem_shared>>) dst(%dma_wait3A_15 : memref<625x8xf32, #tpu.memory_space<hbm>>)
      tpu.yield
    }) : () -> ()
    return
  }
}

#map = affine_map<(d0, d1) -> (0, 0)>
#map1 = affine_map<(d0, d1) -> (0, 0, 0, 0)>
#map2 = affine_map<(d0, d1) -> (0, 0, 0)>
module attributes {stable_mosaic.version = 14 : i64} {
  func.func @_prop_body(%arg0: i32, %arg1: i32, %arg2: memref<10000x64xf32, #tpu.memory_space<hbm>>, %arg3: memref<2x32x80x125xi32, #tpu.memory_space<hbm>>, %arg4: memref<10000x64xf32, #tpu.memory_space<hbm>>, %arg5: memref<2x10000x64xf32, #tpu.memory_space<hbm>>, %arg6: memref<80x125xi32, #tpu.memory_space<vmem>>, %arg7: memref<80x125xi32, #tpu.memory_space<vmem>>, %arg8: memref<4x125x64xf32, #tpu.memory_space<vmem>>, %arg9: memref<4x!tpu.dma_semaphore, #tpu.memory_space<semaphore_mem>>, %arg10: memref<10000x64xf32, #tpu.memory_space<vmem_shared>>) attributes {dimension_semantics = [#tpu.dimension_semantics<core_parallel>, #tpu.dimension_semantics<subcore_parallel>], iteration_bounds = array<i64: 2, 16>, scalar_prefetch = 0 : i64, scratch_operands = 5 : i64, tpu.core_type = #tpu.core_type<sc_vector_subcore>, window_params = [{transform_indices = #map}, {transform_indices = #map1}, {transform_indices = #map}, {transform_indices = #map2}]} {
    %mul3A = arith.constant 625 : i32
    %mul3A_0 = arith.muli %arg1, %mul3A : i32
    "tpu.region"() ({
      %run_scoped3A_131 = tpu.sem_alloc : memref<!tpu.dma_semaphore, #tpu.memory_space<semaphore_mem>>
      %dma_start3A_132 = arith.constant 0 : i32
      %dma_start3A_133 = tpu.memref_slice %arg10[%mul3A_0, %dma_start3A_132] : memref<10000x64xf32, #tpu.memory_space<vmem_shared>> -> memref<625x64xf32, #tpu.memory_space<vmem_shared>>
      %dma_start3A_134 = arith.constant 0 : i32
      %dma_start3A_135 = tpu.memref_slice %arg4[%mul3A_0, %dma_start3A_134] : memref<10000x64xf32, #tpu.memory_space<hbm>> -> memref<625x64xf32, #tpu.memory_space<hbm>>
      tpu.enqueue_dma source(%dma_start3A_135 : memref<625x64xf32, #tpu.memory_space<hbm>>) target(%dma_start3A_133 : memref<625x64xf32, #tpu.memory_space<vmem_shared>>) target_semaphore(%run_scoped3A_131 : memref<!tpu.dma_semaphore, #tpu.memory_space<semaphore_mem>>)
      %dma_wait3A_136 = arith.constant 0 : i32
      %dma_wait3A_137 = tpu.memref_slice %arg10[%mul3A_0, %dma_wait3A_136] : memref<10000x64xf32, #tpu.memory_space<vmem_shared>> -> memref<625x64xf32, #tpu.memory_space<vmem_shared>>
      %dma_wait3A_138 = arith.constant 0 : i32
      %dma_wait3A_139 = tpu.memref_slice %arg4[%mul3A_0, %dma_wait3A_138] : memref<10000x64xf32, #tpu.memory_space<hbm>> -> memref<625x64xf32, #tpu.memory_space<hbm>>
      tpu.wait_dma2 semaphore(%run_scoped3A_131 : memref<!tpu.dma_semaphore, #tpu.memory_space<semaphore_mem>>) src(%dma_wait3A_139 : memref<625x64xf32, #tpu.memory_space<hbm>>) dst(%dma_wait3A_137 : memref<625x64xf32, #tpu.memory_space<vmem_shared>>)
      tpu.yield
    }) : () -> ()
    %mul3A_1 = arith.constant 16 : i32
    %mul3A_2 = arith.muli %arg0, %mul3A_1 : i32
    %add3A = arith.addi %mul3A_2, %arg1 : i32
    %run_scoped3A = arith.constant 0 : i32
    "tpu.region"() ({
      %run_scoped3A_131 = tpu.sem_alloc : memref<!tpu.dma_semaphore, #tpu.memory_space<semaphore_mem>>
      %dma_start3A_132 = arith.constant 0 : i32
      %dma_start3A_133 = arith.constant 0 : i32
      %dma_start3A_134 = tpu.memref_slice %arg3[%run_scoped3A, %add3A, %dma_start3A_132, %dma_start3A_133] : memref<2x32x80x125xi32, #tpu.memory_space<hbm>> -> memref<1x1x80x125xi32, #tpu.memory_space<hbm>>
      %dma_start3A_135 = tpu.memref_squeeze %dma_start3A_134 : memref<1x1x80x125xi32, #tpu.memory_space<hbm>> -> memref<80x125xi32, #tpu.memory_space<hbm>>
      %dma_start3A_136 = arith.constant 0 : i32
      %dma_start3A_137 = arith.constant 0 : i32
      %dma_start3A_138 = tpu.memref_slice %arg3[%run_scoped3A, %add3A, %dma_start3A_136, %dma_start3A_137] : memref<2x32x80x125xi32, #tpu.memory_space<hbm>> -> memref<1x1x80x125xi32, #tpu.memory_space<hbm>>
      %dma_start3A_139 = tpu.memref_squeeze %dma_start3A_138 : memref<1x1x80x125xi32, #tpu.memory_space<hbm>> -> memref<80x125xi32, #tpu.memory_space<hbm>>
      tpu.enqueue_dma source(%dma_start3A_139 : memref<80x125xi32, #tpu.memory_space<hbm>>) target(%arg6 : memref<80x125xi32, #tpu.memory_space<vmem>>) target_semaphore(%run_scoped3A_131 : memref<!tpu.dma_semaphore, #tpu.memory_space<semaphore_mem>>)
      %dma_wait3A_140 = arith.constant 0 : i32
      %dma_wait3A_141 = arith.constant 0 : i32
      %dma_wait3A_142 = tpu.memref_slice %arg3[%run_scoped3A, %add3A, %dma_wait3A_140, %dma_wait3A_141] : memref<2x32x80x125xi32, #tpu.memory_space<hbm>> -> memref<1x1x80x125xi32, #tpu.memory_space<hbm>>
      %dma_wait3A_143 = tpu.memref_squeeze %dma_wait3A_142 : memref<1x1x80x125xi32, #tpu.memory_space<hbm>> -> memref<80x125xi32, #tpu.memory_space<hbm>>
      %dma_wait3A_144 = arith.constant 0 : i32
      %dma_wait3A_145 = arith.constant 0 : i32
      %dma_wait3A_146 = tpu.memref_slice %arg3[%run_scoped3A, %add3A, %dma_wait3A_144, %dma_wait3A_145] : memref<2x32x80x125xi32, #tpu.memory_space<hbm>> -> memref<1x1x80x125xi32, #tpu.memory_space<hbm>>
      %dma_wait3A_147 = tpu.memref_squeeze %dma_wait3A_146 : memref<1x1x80x125xi32, #tpu.memory_space<hbm>> -> memref<80x125xi32, #tpu.memory_space<hbm>>
      tpu.wait_dma2 semaphore(%run_scoped3A_131 : memref<!tpu.dma_semaphore, #tpu.memory_space<semaphore_mem>>) src(%dma_wait3A_147 : memref<80x125xi32, #tpu.memory_space<hbm>>) dst(%arg6 : memref<80x125xi32, #tpu.memory_space<vmem>>)
      tpu.yield
    }) : () -> ()
    %mul3A_3 = arith.constant 16 : i32
    %mul3A_4 = arith.muli %arg0, %mul3A_3 : i32
    %add3A_5 = arith.addi %mul3A_4, %arg1 : i32
    %run_scoped3A_6 = arith.constant 1 : i32
    "tpu.region"() ({
      %run_scoped3A_131 = tpu.sem_alloc : memref<!tpu.dma_semaphore, #tpu.memory_space<semaphore_mem>>
      %dma_start3A_132 = arith.constant 0 : i32
      %dma_start3A_133 = arith.constant 0 : i32
      %dma_start3A_134 = tpu.memref_slice %arg3[%run_scoped3A_6, %add3A_5, %dma_start3A_132, %dma_start3A_133] : memref<2x32x80x125xi32, #tpu.memory_space<hbm>> -> memref<1x1x80x125xi32, #tpu.memory_space<hbm>>
      %dma_start3A_135 = tpu.memref_squeeze %dma_start3A_134 : memref<1x1x80x125xi32, #tpu.memory_space<hbm>> -> memref<80x125xi32, #tpu.memory_space<hbm>>
      %dma_start3A_136 = arith.constant 0 : i32
      %dma_start3A_137 = arith.constant 0 : i32
      %dma_start3A_138 = tpu.memref_slice %arg3[%run_scoped3A_6, %add3A_5, %dma_start3A_136, %dma_start3A_137] : memref<2x32x80x125xi32, #tpu.memory_space<hbm>> -> memref<1x1x80x125xi32, #tpu.memory_space<hbm>>
      %dma_start3A_139 = tpu.memref_squeeze %dma_start3A_138 : memref<1x1x80x125xi32, #tpu.memory_space<hbm>> -> memref<80x125xi32, #tpu.memory_space<hbm>>
      tpu.enqueue_dma source(%dma_start3A_139 : memref<80x125xi32, #tpu.memory_space<hbm>>) target(%arg7 : memref<80x125xi32, #tpu.memory_space<vmem>>) target_semaphore(%run_scoped3A_131 : memref<!tpu.dma_semaphore, #tpu.memory_space<semaphore_mem>>)
      %dma_wait3A_140 = arith.constant 0 : i32
      %dma_wait3A_141 = arith.constant 0 : i32
      %dma_wait3A_142 = tpu.memref_slice %arg3[%run_scoped3A_6, %add3A_5, %dma_wait3A_140, %dma_wait3A_141] : memref<2x32x80x125xi32, #tpu.memory_space<hbm>> -> memref<1x1x80x125xi32, #tpu.memory_space<hbm>>
      %dma_wait3A_143 = tpu.memref_squeeze %dma_wait3A_142 : memref<1x1x80x125xi32, #tpu.memory_space<hbm>> -> memref<80x125xi32, #tpu.memory_space<hbm>>
      %dma_wait3A_144 = arith.constant 0 : i32
      %dma_wait3A_145 = arith.constant 0 : i32
      %dma_wait3A_146 = tpu.memref_slice %arg3[%run_scoped3A_6, %add3A_5, %dma_wait3A_144, %dma_wait3A_145] : memref<2x32x80x125xi32, #tpu.memory_space<hbm>> -> memref<1x1x80x125xi32, #tpu.memory_space<hbm>>
      %dma_wait3A_147 = tpu.memref_squeeze %dma_wait3A_146 : memref<1x1x80x125xi32, #tpu.memory_space<hbm>> -> memref<80x125xi32, #tpu.memory_space<hbm>>
      tpu.wait_dma2 semaphore(%run_scoped3A_131 : memref<!tpu.dma_semaphore, #tpu.memory_space<semaphore_mem>>) src(%dma_wait3A_147 : memref<80x125xi32, #tpu.memory_space<hbm>>) dst(%arg7 : memref<80x125xi32, #tpu.memory_space<vmem>>)
      tpu.yield
    }) : () -> ()
    %barrier3A = arith.constant 0 : index
    tpu.barrier barrier_id(%barrier3A)
    %dma_start3A = arith.constant 0 : i32
    %dma_start3A_7 = arith.constant 0 : i32
    %dma_start3A_8 = arith.constant 0 : i32
    %dma_start3A_9 = arith.constant 0 : i32
    %dma_start3A_10 = arith.constant 0 : i32
    %dma_start3A_11 = tpu.memref_slice %arg8[%dma_start3A_7, %dma_start3A_9, %dma_start3A_10] : memref<4x125x64xf32, #tpu.memory_space<vmem>> -> memref<1x125x64xf32, #tpu.memory_space<vmem>>
    %dma_start3A_12 = tpu.memref_squeeze %dma_start3A_11 : memref<1x125x64xf32, #tpu.memory_space<vmem>> -> memref<125x64xf32, #tpu.memory_space<vmem>>
    %dma_start3A_13 = arith.constant 0 : i32
    %dma_start3A_14 = tpu.memref_slice %arg6[%dma_start3A, %dma_start3A_13] : memref<80x125xi32, #tpu.memory_space<vmem>> -> memref<1x125xi32, #tpu.memory_space<vmem>>
    %dma_start3A_15 = tpu.memref_squeeze %dma_start3A_14 : memref<1x125xi32, #tpu.memory_space<vmem>> -> memref<125xi32, #tpu.memory_space<vmem>>
    %dma_start3A_16 = arith.constant 0 : i32
    %dma_start3A_17 = arith.constant 0 : i32
    %dma_start3A_18 = tpu.memref_slice %arg2[%dma_start3A_16, %dma_start3A_17] : memref<10000x64xf32, #tpu.memory_space<hbm>> -> memref<10000x64xf32, #tpu.memory_space<hbm>>
    %dma_start3A_19 = tpu.memref_slice %arg9[%dma_start3A_8] : memref<4x!tpu.dma_semaphore, #tpu.memory_space<semaphore_mem>> -> memref<1x!tpu.dma_semaphore, #tpu.memory_space<semaphore_mem>>
    %dma_start3A_20 = tpu.memref_squeeze %dma_start3A_19 : memref<1x!tpu.dma_semaphore, #tpu.memory_space<semaphore_mem>> -> memref<!tpu.dma_semaphore, #tpu.memory_space<semaphore_mem>>
    tpu.enqueue_indirect_dma source(%dma_start3A_18 : memref<10000x64xf32, #tpu.memory_space<hbm>>) target(%dma_start3A_12 : memref<125x64xf32, #tpu.memory_space<vmem>>) offsets(%dma_start3A_15 : memref<125xi32, #tpu.memory_space<vmem>>) semaphore(%dma_start3A_20 : memref<!tpu.dma_semaphore, #tpu.memory_space<semaphore_mem>>)
    %dma_start3A_21 = arith.constant 1 : i32
    %dma_start3A_22 = arith.constant 1 : i32
    %dma_start3A_23 = arith.constant 1 : i32
    %dma_start3A_24 = arith.constant 0 : i32
    %dma_start3A_25 = arith.constant 0 : i32
    %dma_start3A_26 = tpu.memref_slice %arg8[%dma_start3A_22, %dma_start3A_24, %dma_start3A_25] : memref<4x125x64xf32, #tpu.memory_space<vmem>> -> memref<1x125x64xf32, #tpu.memory_space<vmem>>
    %dma_start3A_27 = tpu.memref_squeeze %dma_start3A_26 : memref<1x125x64xf32, #tpu.memory_space<vmem>> -> memref<125x64xf32, #tpu.memory_space<vmem>>
    %dma_start3A_28 = arith.constant 0 : i32
    %dma_start3A_29 = tpu.memref_slice %arg6[%dma_start3A_21, %dma_start3A_28] : memref<80x125xi32, #tpu.memory_space<vmem>> -> memref<1x125xi32, #tpu.memory_space<vmem>>
    %dma_start3A_30 = tpu.memref_squeeze %dma_start3A_29 : memref<1x125xi32, #tpu.memory_space<vmem>> -> memref<125xi32, #tpu.memory_space<vmem>>
    %dma_start3A_31 = arith.constant 0 : i32
    %dma_start3A_32 = arith.constant 0 : i32
    %dma_start3A_33 = tpu.memref_slice %arg2[%dma_start3A_31, %dma_start3A_32] : memref<10000x64xf32, #tpu.memory_space<hbm>> -> memref<10000x64xf32, #tpu.memory_space<hbm>>
    %dma_start3A_34 = tpu.memref_slice %arg9[%dma_start3A_23] : memref<4x!tpu.dma_semaphore, #tpu.memory_space<semaphore_mem>> -> memref<1x!tpu.dma_semaphore, #tpu.memory_space<semaphore_mem>>
    %dma_start3A_35 = tpu.memref_squeeze %dma_start3A_34 : memref<1x!tpu.dma_semaphore, #tpu.memory_space<semaphore_mem>> -> memref<!tpu.dma_semaphore, #tpu.memory_space<semaphore_mem>>
    tpu.enqueue_indirect_dma source(%dma_start3A_33 : memref<10000x64xf32, #tpu.memory_space<hbm>>) target(%dma_start3A_27 : memref<125x64xf32, #tpu.memory_space<vmem>>) offsets(%dma_start3A_30 : memref<125xi32, #tpu.memory_space<vmem>>) semaphore(%dma_start3A_35 : memref<!tpu.dma_semaphore, #tpu.memory_space<semaphore_mem>>)
    %dma_start3A_36 = arith.constant 2 : i32
    %dma_start3A_37 = arith.constant 2 : i32
    %dma_start3A_38 = arith.constant 2 : i32
    %dma_start3A_39 = arith.constant 0 : i32
    %dma_start3A_40 = arith.constant 0 : i32
    %dma_start3A_41 = tpu.memref_slice %arg8[%dma_start3A_37, %dma_start3A_39, %dma_start3A_40] : memref<4x125x64xf32, #tpu.memory_space<vmem>> -> memref<1x125x64xf32, #tpu.memory_space<vmem>>
    %dma_start3A_42 = tpu.memref_squeeze %dma_start3A_41 : memref<1x125x64xf32, #tpu.memory_space<vmem>> -> memref<125x64xf32, #tpu.memory_space<vmem>>
    %dma_start3A_43 = arith.constant 0 : i32
    %dma_start3A_44 = tpu.memref_slice %arg6[%dma_start3A_36, %dma_start3A_43] : memref<80x125xi32, #tpu.memory_space<vmem>> -> memref<1x125xi32, #tpu.memory_space<vmem>>
    %dma_start3A_45 = tpu.memref_squeeze %dma_start3A_44 : memref<1x125xi32, #tpu.memory_space<vmem>> -> memref<125xi32, #tpu.memory_space<vmem>>
    %dma_start3A_46 = arith.constant 0 : i32
    %dma_start3A_47 = arith.constant 0 : i32
    %dma_start3A_48 = tpu.memref_slice %arg2[%dma_start3A_46, %dma_start3A_47] : memref<10000x64xf32, #tpu.memory_space<hbm>> -> memref<10000x64xf32, #tpu.memory_space<hbm>>
    %dma_start3A_49 = tpu.memref_slice %arg9[%dma_start3A_38] : memref<4x!tpu.dma_semaphore, #tpu.memory_space<semaphore_mem>> -> memref<1x!tpu.dma_semaphore, #tpu.memory_space<semaphore_mem>>
    %dma_start3A_50 = tpu.memref_squeeze %dma_start3A_49 : memref<1x!tpu.dma_semaphore, #tpu.memory_space<semaphore_mem>> -> memref<!tpu.dma_semaphore, #tpu.memory_space<semaphore_mem>>
    tpu.enqueue_indirect_dma source(%dma_start3A_48 : memref<10000x64xf32, #tpu.memory_space<hbm>>) target(%dma_start3A_42 : memref<125x64xf32, #tpu.memory_space<vmem>>) offsets(%dma_start3A_45 : memref<125xi32, #tpu.memory_space<vmem>>) semaphore(%dma_start3A_50 : memref<!tpu.dma_semaphore, #tpu.memory_space<semaphore_mem>>)
    %dma_start3A_51 = arith.constant 3 : i32
    %dma_start3A_52 = arith.constant 3 : i32
    %dma_start3A_53 = arith.constant 3 : i32
    %dma_start3A_54 = arith.constant 0 : i32
    %dma_start3A_55 = arith.constant 0 : i32
    %dma_start3A_56 = tpu.memref_slice %arg8[%dma_start3A_52, %dma_start3A_54, %dma_start3A_55] : memref<4x125x64xf32, #tpu.memory_space<vmem>> -> memref<1x125x64xf32, #tpu.memory_space<vmem>>
    %dma_start3A_57 = tpu.memref_squeeze %dma_start3A_56 : memref<1x125x64xf32, #tpu.memory_space<vmem>> -> memref<125x64xf32, #tpu.memory_space<vmem>>
    %dma_start3A_58 = arith.constant 0 : i32
    %dma_start3A_59 = tpu.memref_slice %arg6[%dma_start3A_51, %dma_start3A_58] : memref<80x125xi32, #tpu.memory_space<vmem>> -> memref<1x125xi32, #tpu.memory_space<vmem>>
    %dma_start3A_60 = tpu.memref_squeeze %dma_start3A_59 : memref<1x125xi32, #tpu.memory_space<vmem>> -> memref<125xi32, #tpu.memory_space<vmem>>
    %dma_start3A_61 = arith.constant 0 : i32
    %dma_start3A_62 = arith.constant 0 : i32
    %dma_start3A_63 = tpu.memref_slice %arg2[%dma_start3A_61, %dma_start3A_62] : memref<10000x64xf32, #tpu.memory_space<hbm>> -> memref<10000x64xf32, #tpu.memory_space<hbm>>
    %dma_start3A_64 = tpu.memref_slice %arg9[%dma_start3A_53] : memref<4x!tpu.dma_semaphore, #tpu.memory_space<semaphore_mem>> -> memref<1x!tpu.dma_semaphore, #tpu.memory_space<semaphore_mem>>
    %dma_start3A_65 = tpu.memref_squeeze %dma_start3A_64 : memref<1x!tpu.dma_semaphore, #tpu.memory_space<semaphore_mem>> -> memref<!tpu.dma_semaphore, #tpu.memory_space<semaphore_mem>>
    tpu.enqueue_indirect_dma source(%dma_start3A_63 : memref<10000x64xf32, #tpu.memory_space<hbm>>) target(%dma_start3A_57 : memref<125x64xf32, #tpu.memory_space<vmem>>) offsets(%dma_start3A_60 : memref<125xi32, #tpu.memory_space<vmem>>) semaphore(%dma_start3A_65 : memref<!tpu.dma_semaphore, #tpu.memory_space<semaphore_mem>>)
    %scan3A = arith.constant 0 : i32
    %scan3A_66 = arith.constant 0 : i32
    %scan3A_67 = arith.constant 20 : i32
    %scan3A_68 = arith.addi %scan3A_66, %scan3A_67 : i32
    %scan3A_69 = arith.constant 1 : i32
    scf.for %scan3A_131 = %scan3A_66 to %scan3A_68 step %scan3A_69  : i32 {
      %mul3A_132 = arith.constant 4 : i32
      %mul3A_133 = arith.muli %mul3A_132, %scan3A_131 : i32
      %add3A_134 = arith.constant 0 : i32
      %add3A_135 = arith.addi %mul3A_133, %add3A_134 : i32
      %dma_wait3A_136 = arith.constant 0 : i32
      %dma_wait3A_137 = arith.constant 0 : i32
      %dma_wait3A_138 = arith.constant 0 : i32
      %dma_wait3A_139 = arith.constant 0 : i32
      %dma_wait3A_140 = tpu.memref_slice %arg8[%dma_wait3A_136, %dma_wait3A_138, %dma_wait3A_139] : memref<4x125x64xf32, #tpu.memory_space<vmem>> -> memref<1x125x64xf32, #tpu.memory_space<vmem>>
      %dma_wait3A_141 = tpu.memref_squeeze %dma_wait3A_140 : memref<1x125x64xf32, #tpu.memory_space<vmem>> -> memref<125x64xf32, #tpu.memory_space<vmem>>
      %dma_wait3A_142 = arith.constant 0 : i32
      %dma_wait3A_143 = tpu.memref_slice %arg6[%add3A_135, %dma_wait3A_142] : memref<80x125xi32, #tpu.memory_space<vmem>> -> memref<1x125xi32, #tpu.memory_space<vmem>>
      %dma_wait3A_144 = tpu.memref_squeeze %dma_wait3A_143 : memref<1x125xi32, #tpu.memory_space<vmem>> -> memref<125xi32, #tpu.memory_space<vmem>>
      %dma_wait3A_145 = arith.constant 0 : i32
      %dma_wait3A_146 = arith.constant 0 : i32
      %dma_wait3A_147 = tpu.memref_slice %arg2[%dma_wait3A_145, %dma_wait3A_146] : memref<10000x64xf32, #tpu.memory_space<hbm>> -> memref<10000x64xf32, #tpu.memory_space<hbm>>
      %dma_wait3A_148 = tpu.memref_slice %arg9[%dma_wait3A_137] : memref<4x!tpu.dma_semaphore, #tpu.memory_space<semaphore_mem>> -> memref<1x!tpu.dma_semaphore, #tpu.memory_space<semaphore_mem>>
      %dma_wait3A_149 = tpu.memref_squeeze %dma_wait3A_148 : memref<1x!tpu.dma_semaphore, #tpu.memory_space<semaphore_mem>> -> memref<!tpu.dma_semaphore, #tpu.memory_space<semaphore_mem>>
      tpu.wait_indirect_dma semaphore(%dma_wait3A_149 : memref<!tpu.dma_semaphore, #tpu.memory_space<semaphore_mem>>) src(%dma_wait3A_147 : memref<10000x64xf32, #tpu.memory_space<hbm>>) dst(%dma_wait3A_141 : memref<125x64xf32, #tpu.memory_space<vmem>>)
      %add3A_150 = arith.constant 0 : i32
      %add3A_151 = arith.addi %mul3A_133, %add3A_150 : i32
      %add3A_152 = arith.constant 4 : i32
      %add3A_153 = arith.addi %add3A_151, %add3A_152 : i32
      %min3A = arith.constant 79 : i32
      %min3A_154 = arith.minsi %add3A_153, %min3A : i32
      %dma_start3A_155 = arith.constant 0 : i32
      %dma_start3A_156 = arith.constant 0 : i32
      %dma_start3A_157 = arith.constant 0 : i32
      %dma_start3A_158 = arith.constant 0 : i32
      %dma_start3A_159 = tpu.memref_slice %arg8[%dma_start3A_155, %dma_start3A_157, %dma_start3A_158] : memref<4x125x64xf32, #tpu.memory_space<vmem>> -> memref<1x125x64xf32, #tpu.memory_space<vmem>>
      %dma_start3A_160 = tpu.memref_squeeze %dma_start3A_159 : memref<1x125x64xf32, #tpu.memory_space<vmem>> -> memref<125x64xf32, #tpu.memory_space<vmem>>
      %dma_start3A_161 = arith.constant 0 : i32
      %dma_start3A_162 = tpu.memref_slice %arg6[%min3A_154, %dma_start3A_161] : memref<80x125xi32, #tpu.memory_space<vmem>> -> memref<1x125xi32, #tpu.memory_space<vmem>>
      %dma_start3A_163 = tpu.memref_squeeze %dma_start3A_162 : memref<1x125xi32, #tpu.memory_space<vmem>> -> memref<125xi32, #tpu.memory_space<vmem>>
      %dma_start3A_164 = arith.constant 0 : i32
      %dma_start3A_165 = arith.constant 0 : i32
      %dma_start3A_166 = tpu.memref_slice %arg2[%dma_start3A_164, %dma_start3A_165] : memref<10000x64xf32, #tpu.memory_space<hbm>> -> memref<10000x64xf32, #tpu.memory_space<hbm>>
      %dma_start3A_167 = tpu.memref_slice %arg9[%dma_start3A_156] : memref<4x!tpu.dma_semaphore, #tpu.memory_space<semaphore_mem>> -> memref<1x!tpu.dma_semaphore, #tpu.memory_space<semaphore_mem>>
      %dma_start3A_168 = tpu.memref_squeeze %dma_start3A_167 : memref<1x!tpu.dma_semaphore, #tpu.memory_space<semaphore_mem>> -> memref<!tpu.dma_semaphore, #tpu.memory_space<semaphore_mem>>
      tpu.enqueue_indirect_dma source(%dma_start3A_166 : memref<10000x64xf32, #tpu.memory_space<hbm>>) target(%dma_start3A_160 : memref<125x64xf32, #tpu.memory_space<vmem>>) offsets(%dma_start3A_163 : memref<125xi32, #tpu.memory_space<vmem>>) semaphore(%dma_start3A_168 : memref<!tpu.dma_semaphore, #tpu.memory_space<semaphore_mem>>)
      %add3A_169 = arith.constant 0 : i32
      %add3A_170 = arith.addi %mul3A_133, %add3A_169 : i32
      %run_scoped3A_171 = arith.constant 0 : i32
      "tpu.region"() ({
        %run_scoped3A_289 = tpu.sem_alloc : memref<!tpu.dma_semaphore, #tpu.memory_space<semaphore_mem>>
        %dma_start3A_290 = arith.constant 0 : i32
        %dma_start3A_291 = arith.constant 0 : i32
        %dma_start3A_292 = tpu.memref_slice %arg8[%run_scoped3A_171, %dma_start3A_290, %dma_start3A_291] : memref<4x125x64xf32, #tpu.memory_space<vmem>> -> memref<1x125x64xf32, #tpu.memory_space<vmem>>
        %dma_start3A_293 = tpu.memref_squeeze %dma_start3A_292 : memref<1x125x64xf32, #tpu.memory_space<vmem>> -> memref<125x64xf32, #tpu.memory_space<vmem>>
        %dma_start3A_294 = arith.constant 0 : i32
        %dma_start3A_295 = tpu.memref_slice %arg7[%add3A_170, %dma_start3A_294] : memref<80x125xi32, #tpu.memory_space<vmem>> -> memref<1x125xi32, #tpu.memory_space<vmem>>
        %dma_start3A_296 = tpu.memref_squeeze %dma_start3A_295 : memref<1x125xi32, #tpu.memory_space<vmem>> -> memref<125xi32, #tpu.memory_space<vmem>>
        %dma_start3A_297 = arith.constant 0 : i32
        %dma_start3A_298 = arith.constant 0 : i32
        %dma_start3A_299 = tpu.memref_slice %arg10[%dma_start3A_297, %dma_start3A_298] : memref<10000x64xf32, #tpu.memory_space<vmem_shared>> -> memref<10000x64xf32, #tpu.memory_space<vmem_shared>>
        tpu.enqueue_indirect_dma source(%dma_start3A_293 : memref<125x64xf32, #tpu.memory_space<vmem>>) target(%dma_start3A_299 : memref<10000x64xf32, #tpu.memory_space<vmem_shared>>) offsets(%dma_start3A_296 : memref<125xi32, #tpu.memory_space<vmem>>) semaphore(%run_scoped3A_289 : memref<!tpu.dma_semaphore, #tpu.memory_space<semaphore_mem>>) {add = true}
        %dma_wait3A_300 = arith.constant 0 : i32
        %dma_wait3A_301 = arith.constant 0 : i32
        %dma_wait3A_302 = tpu.memref_slice %arg8[%run_scoped3A_171, %dma_wait3A_300, %dma_wait3A_301] : memref<4x125x64xf32, #tpu.memory_space<vmem>> -> memref<1x125x64xf32, #tpu.memory_space<vmem>>
        %dma_wait3A_303 = tpu.memref_squeeze %dma_wait3A_302 : memref<1x125x64xf32, #tpu.memory_space<vmem>> -> memref<125x64xf32, #tpu.memory_space<vmem>>
        %dma_wait3A_304 = arith.constant 0 : i32
        %dma_wait3A_305 = tpu.memref_slice %arg7[%add3A_170, %dma_wait3A_304] : memref<80x125xi32, #tpu.memory_space<vmem>> -> memref<1x125xi32, #tpu.memory_space<vmem>>
        %dma_wait3A_306 = tpu.memref_squeeze %dma_wait3A_305 : memref<1x125xi32, #tpu.memory_space<vmem>> -> memref<125xi32, #tpu.memory_space<vmem>>
        %dma_wait3A_307 = arith.constant 0 : i32
        %dma_wait3A_308 = arith.constant 0 : i32
        %dma_wait3A_309 = tpu.memref_slice %arg10[%dma_wait3A_307, %dma_wait3A_308] : memref<10000x64xf32, #tpu.memory_space<vmem_shared>> -> memref<10000x64xf32, #tpu.memory_space<vmem_shared>>
        tpu.wait_indirect_dma semaphore(%run_scoped3A_289 : memref<!tpu.dma_semaphore, #tpu.memory_space<semaphore_mem>>) src(%dma_wait3A_303 : memref<125x64xf32, #tpu.memory_space<vmem>>) dst(%dma_wait3A_309 : memref<10000x64xf32, #tpu.memory_space<vmem_shared>>)
        tpu.yield
      }) : () -> ()
      %add3A_172 = arith.constant 1 : i32
      %add3A_173 = arith.addi %mul3A_133, %add3A_172 : i32
      %dma_wait3A_174 = arith.constant 1 : i32
      %dma_wait3A_175 = arith.constant 1 : i32
      %dma_wait3A_176 = arith.constant 0 : i32
      %dma_wait3A_177 = arith.constant 0 : i32
      %dma_wait3A_178 = tpu.memref_slice %arg8[%dma_wait3A_174, %dma_wait3A_176, %dma_wait3A_177] : memref<4x125x64xf32, #tpu.memory_space<vmem>> -> memref<1x125x64xf32, #tpu.memory_space<vmem>>
      %dma_wait3A_179 = tpu.memref_squeeze %dma_wait3A_178 : memref<1x125x64xf32, #tpu.memory_space<vmem>> -> memref<125x64xf32, #tpu.memory_space<vmem>>
      %dma_wait3A_180 = arith.constant 0 : i32
      %dma_wait3A_181 = tpu.memref_slice %arg6[%add3A_173, %dma_wait3A_180] : memref<80x125xi32, #tpu.memory_space<vmem>> -> memref<1x125xi32, #tpu.memory_space<vmem>>
      %dma_wait3A_182 = tpu.memref_squeeze %dma_wait3A_181 : memref<1x125xi32, #tpu.memory_space<vmem>> -> memref<125xi32, #tpu.memory_space<vmem>>
      %dma_wait3A_183 = arith.constant 0 : i32
      %dma_wait3A_184 = arith.constant 0 : i32
      %dma_wait3A_185 = tpu.memref_slice %arg2[%dma_wait3A_183, %dma_wait3A_184] : memref<10000x64xf32, #tpu.memory_space<hbm>> -> memref<10000x64xf32, #tpu.memory_space<hbm>>
      %dma_wait3A_186 = tpu.memref_slice %arg9[%dma_wait3A_175] : memref<4x!tpu.dma_semaphore, #tpu.memory_space<semaphore_mem>> -> memref<1x!tpu.dma_semaphore, #tpu.memory_space<semaphore_mem>>
      %dma_wait3A_187 = tpu.memref_squeeze %dma_wait3A_186 : memref<1x!tpu.dma_semaphore, #tpu.memory_space<semaphore_mem>> -> memref<!tpu.dma_semaphore, #tpu.memory_space<semaphore_mem>>
      tpu.wait_indirect_dma semaphore(%dma_wait3A_187 : memref<!tpu.dma_semaphore, #tpu.memory_space<semaphore_mem>>) src(%dma_wait3A_185 : memref<10000x64xf32, #tpu.memory_space<hbm>>) dst(%dma_wait3A_179 : memref<125x64xf32, #tpu.memory_space<vmem>>)
      %add3A_188 = arith.constant 1 : i32
      %add3A_189 = arith.addi %mul3A_133, %add3A_188 : i32
      %add3A_190 = arith.constant 4 : i32
      %add3A_191 = arith.addi %add3A_189, %add3A_190 : i32
      %min3A_192 = arith.constant 79 : i32
      %min3A_193 = arith.minsi %add3A_191, %min3A_192 : i32
      %dma_start3A_194 = arith.constant 1 : i32
      %dma_start3A_195 = arith.constant 1 : i32
      %dma_start3A_196 = arith.constant 0 : i32
      %dma_start3A_197 = arith.constant 0 : i32
      %dma_start3A_198 = tpu.memref_slice %arg8[%dma_start3A_194, %dma_start3A_196, %dma_start3A_197] : memref<4x125x64xf32, #tpu.memory_space<vmem>> -> memref<1x125x64xf32, #tpu.memory_space<vmem>>
      %dma_start3A_199 = tpu.memref_squeeze %dma_start3A_198 : memref<1x125x64xf32, #tpu.memory_space<vmem>> -> memref<125x64xf32, #tpu.memory_space<vmem>>
      %dma_start3A_200 = arith.constant 0 : i32
      %dma_start3A_201 = tpu.memref_slice %arg6[%min3A_193, %dma_start3A_200] : memref<80x125xi32, #tpu.memory_space<vmem>> -> memref<1x125xi32, #tpu.memory_space<vmem>>
      %dma_start3A_202 = tpu.memref_squeeze %dma_start3A_201 : memref<1x125xi32, #tpu.memory_space<vmem>> -> memref<125xi32, #tpu.memory_space<vmem>>
      %dma_start3A_203 = arith.constant 0 : i32
      %dma_start3A_204 = arith.constant 0 : i32
      %dma_start3A_205 = tpu.memref_slice %arg2[%dma_start3A_203, %dma_start3A_204] : memref<10000x64xf32, #tpu.memory_space<hbm>> -> memref<10000x64xf32, #tpu.memory_space<hbm>>
      %dma_start3A_206 = tpu.memref_slice %arg9[%dma_start3A_195] : memref<4x!tpu.dma_semaphore, #tpu.memory_space<semaphore_mem>> -> memref<1x!tpu.dma_semaphore, #tpu.memory_space<semaphore_mem>>
      %dma_start3A_207 = tpu.memref_squeeze %dma_start3A_206 : memref<1x!tpu.dma_semaphore, #tpu.memory_space<semaphore_mem>> -> memref<!tpu.dma_semaphore, #tpu.memory_space<semaphore_mem>>
      tpu.enqueue_indirect_dma source(%dma_start3A_205 : memref<10000x64xf32, #tpu.memory_space<hbm>>) target(%dma_start3A_199 : memref<125x64xf32, #tpu.memory_space<vmem>>) offsets(%dma_start3A_202 : memref<125xi32, #tpu.memory_space<vmem>>) semaphore(%dma_start3A_207 : memref<!tpu.dma_semaphore, #tpu.memory_space<semaphore_mem>>)
      %add3A_208 = arith.constant 1 : i32
      %add3A_209 = arith.addi %mul3A_133, %add3A_208 : i32
      %run_scoped3A_210 = arith.constant 1 : i32
      "tpu.region"() ({
        %run_scoped3A_289 = tpu.sem_alloc : memref<!tpu.dma_semaphore, #tpu.memory_space<semaphore_mem>>
        %dma_start3A_290 = arith.constant 0 : i32
        %dma_start3A_291 = arith.constant 0 : i32
        %dma_start3A_292 = tpu.memref_slice %arg8[%run_scoped3A_210, %dma_start3A_290, %dma_start3A_291] : memref<4x125x64xf32, #tpu.memory_space<vmem>> -> memref<1x125x64xf32, #tpu.memory_space<vmem>>
        %dma_start3A_293 = tpu.memref_squeeze %dma_start3A_292 : memref<1x125x64xf32, #tpu.memory_space<vmem>> -> memref<125x64xf32, #tpu.memory_space<vmem>>
        %dma_start3A_294 = arith.constant 0 : i32
        %dma_start3A_295 = tpu.memref_slice %arg7[%add3A_209, %dma_start3A_294] : memref<80x125xi32, #tpu.memory_space<vmem>> -> memref<1x125xi32, #tpu.memory_space<vmem>>
        %dma_start3A_296 = tpu.memref_squeeze %dma_start3A_295 : memref<1x125xi32, #tpu.memory_space<vmem>> -> memref<125xi32, #tpu.memory_space<vmem>>
        %dma_start3A_297 = arith.constant 0 : i32
        %dma_start3A_298 = arith.constant 0 : i32
        %dma_start3A_299 = tpu.memref_slice %arg10[%dma_start3A_297, %dma_start3A_298] : memref<10000x64xf32, #tpu.memory_space<vmem_shared>> -> memref<10000x64xf32, #tpu.memory_space<vmem_shared>>
        tpu.enqueue_indirect_dma source(%dma_start3A_293 : memref<125x64xf32, #tpu.memory_space<vmem>>) target(%dma_start3A_299 : memref<10000x64xf32, #tpu.memory_space<vmem_shared>>) offsets(%dma_start3A_296 : memref<125xi32, #tpu.memory_space<vmem>>) semaphore(%run_scoped3A_289 : memref<!tpu.dma_semaphore, #tpu.memory_space<semaphore_mem>>) {add = true}
        %dma_wait3A_300 = arith.constant 0 : i32
        %dma_wait3A_301 = arith.constant 0 : i32
        %dma_wait3A_302 = tpu.memref_slice %arg8[%run_scoped3A_210, %dma_wait3A_300, %dma_wait3A_301] : memref<4x125x64xf32, #tpu.memory_space<vmem>> -> memref<1x125x64xf32, #tpu.memory_space<vmem>>
        %dma_wait3A_303 = tpu.memref_squeeze %dma_wait3A_302 : memref<1x125x64xf32, #tpu.memory_space<vmem>> -> memref<125x64xf32, #tpu.memory_space<vmem>>
        %dma_wait3A_304 = arith.constant 0 : i32
        %dma_wait3A_305 = tpu.memref_slice %arg7[%add3A_209, %dma_wait3A_304] : memref<80x125xi32, #tpu.memory_space<vmem>> -> memref<1x125xi32, #tpu.memory_space<vmem>>
        %dma_wait3A_306 = tpu.memref_squeeze %dma_wait3A_305 : memref<1x125xi32, #tpu.memory_space<vmem>> -> memref<125xi32, #tpu.memory_space<vmem>>
        %dma_wait3A_307 = arith.constant 0 : i32
        %dma_wait3A_308 = arith.constant 0 : i32
        %dma_wait3A_309 = tpu.memref_slice %arg10[%dma_wait3A_307, %dma_wait3A_308] : memref<10000x64xf32, #tpu.memory_space<vmem_shared>> -> memref<10000x64xf32, #tpu.memory_space<vmem_shared>>
        tpu.wait_indirect_dma semaphore(%run_scoped3A_289 : memref<!tpu.dma_semaphore, #tpu.memory_space<semaphore_mem>>) src(%dma_wait3A_303 : memref<125x64xf32, #tpu.memory_space<vmem>>) dst(%dma_wait3A_309 : memref<10000x64xf32, #tpu.memory_space<vmem_shared>>)
        tpu.yield
      }) : () -> ()
      %add3A_211 = arith.constant 2 : i32
      %add3A_212 = arith.addi %mul3A_133, %add3A_211 : i32
      %dma_wait3A_213 = arith.constant 2 : i32
      %dma_wait3A_214 = arith.constant 2 : i32
      %dma_wait3A_215 = arith.constant 0 : i32
      %dma_wait3A_216 = arith.constant 0 : i32
      %dma_wait3A_217 = tpu.memref_slice %arg8[%dma_wait3A_213, %dma_wait3A_215, %dma_wait3A_216] : memref<4x125x64xf32, #tpu.memory_space<vmem>> -> memref<1x125x64xf32, #tpu.memory_space<vmem>>
      %dma_wait3A_218 = tpu.memref_squeeze %dma_wait3A_217 : memref<1x125x64xf32, #tpu.memory_space<vmem>> -> memref<125x64xf32, #tpu.memory_space<vmem>>
      %dma_wait3A_219 = arith.constant 0 : i32
      %dma_wait3A_220 = tpu.memref_slice %arg6[%add3A_212, %dma_wait3A_219] : memref<80x125xi32, #tpu.memory_space<vmem>> -> memref<1x125xi32, #tpu.memory_space<vmem>>
      %dma_wait3A_221 = tpu.memref_squeeze %dma_wait3A_220 : memref<1x125xi32, #tpu.memory_space<vmem>> -> memref<125xi32, #tpu.memory_space<vmem>>
      %dma_wait3A_222 = arith.constant 0 : i32
      %dma_wait3A_223 = arith.constant 0 : i32
      %dma_wait3A_224 = tpu.memref_slice %arg2[%dma_wait3A_222, %dma_wait3A_223] : memref<10000x64xf32, #tpu.memory_space<hbm>> -> memref<10000x64xf32, #tpu.memory_space<hbm>>
      %dma_wait3A_225 = tpu.memref_slice %arg9[%dma_wait3A_214] : memref<4x!tpu.dma_semaphore, #tpu.memory_space<semaphore_mem>> -> memref<1x!tpu.dma_semaphore, #tpu.memory_space<semaphore_mem>>
      %dma_wait3A_226 = tpu.memref_squeeze %dma_wait3A_225 : memref<1x!tpu.dma_semaphore, #tpu.memory_space<semaphore_mem>> -> memref<!tpu.dma_semaphore, #tpu.memory_space<semaphore_mem>>
      tpu.wait_indirect_dma semaphore(%dma_wait3A_226 : memref<!tpu.dma_semaphore, #tpu.memory_space<semaphore_mem>>) src(%dma_wait3A_224 : memref<10000x64xf32, #tpu.memory_space<hbm>>) dst(%dma_wait3A_218 : memref<125x64xf32, #tpu.memory_space<vmem>>)
      %add3A_227 = arith.constant 2 : i32
      %add3A_228 = arith.addi %mul3A_133, %add3A_227 : i32
      %add3A_229 = arith.constant 4 : i32
      %add3A_230 = arith.addi %add3A_228, %add3A_229 : i32
      %min3A_231 = arith.constant 79 : i32
      %min3A_232 = arith.minsi %add3A_230, %min3A_231 : i32
      %dma_start3A_233 = arith.constant 2 : i32
      %dma_start3A_234 = arith.constant 2 : i32
      %dma_start3A_235 = arith.constant 0 : i32
      %dma_start3A_236 = arith.constant 0 : i32
      %dma_start3A_237 = tpu.memref_slice %arg8[%dma_start3A_233, %dma_start3A_235, %dma_start3A_236] : memref<4x125x64xf32, #tpu.memory_space<vmem>> -> memref<1x125x64xf32, #tpu.memory_space<vmem>>
      %dma_start3A_238 = tpu.memref_squeeze %dma_start3A_237 : memref<1x125x64xf32, #tpu.memory_space<vmem>> -> memref<125x64xf32, #tpu.memory_space<vmem>>
      %dma_start3A_239 = arith.constant 0 : i32
      %dma_start3A_240 = tpu.memref_slice %arg6[%min3A_232, %dma_start3A_239] : memref<80x125xi32, #tpu.memory_space<vmem>> -> memref<1x125xi32, #tpu.memory_space<vmem>>
      %dma_start3A_241 = tpu.memref_squeeze %dma_start3A_240 : memref<1x125xi32, #tpu.memory_space<vmem>> -> memref<125xi32, #tpu.memory_space<vmem>>
      %dma_start3A_242 = arith.constant 0 : i32
      %dma_start3A_243 = arith.constant 0 : i32
      %dma_start3A_244 = tpu.memref_slice %arg2[%dma_start3A_242, %dma_start3A_243] : memref<10000x64xf32, #tpu.memory_space<hbm>> -> memref<10000x64xf32, #tpu.memory_space<hbm>>
      %dma_start3A_245 = tpu.memref_slice %arg9[%dma_start3A_234] : memref<4x!tpu.dma_semaphore, #tpu.memory_space<semaphore_mem>> -> memref<1x!tpu.dma_semaphore, #tpu.memory_space<semaphore_mem>>
      %dma_start3A_246 = tpu.memref_squeeze %dma_start3A_245 : memref<1x!tpu.dma_semaphore, #tpu.memory_space<semaphore_mem>> -> memref<!tpu.dma_semaphore, #tpu.memory_space<semaphore_mem>>
      tpu.enqueue_indirect_dma source(%dma_start3A_244 : memref<10000x64xf32, #tpu.memory_space<hbm>>) target(%dma_start3A_238 : memref<125x64xf32, #tpu.memory_space<vmem>>) offsets(%dma_start3A_241 : memref<125xi32, #tpu.memory_space<vmem>>) semaphore(%dma_start3A_246 : memref<!tpu.dma_semaphore, #tpu.memory_space<semaphore_mem>>)
      %add3A_247 = arith.constant 2 : i32
      %add3A_248 = arith.addi %mul3A_133, %add3A_247 : i32
      %run_scoped3A_249 = arith.constant 2 : i32
      "tpu.region"() ({
        %run_scoped3A_289 = tpu.sem_alloc : memref<!tpu.dma_semaphore, #tpu.memory_space<semaphore_mem>>
        %dma_start3A_290 = arith.constant 0 : i32
        %dma_start3A_291 = arith.constant 0 : i32
        %dma_start3A_292 = tpu.memref_slice %arg8[%run_scoped3A_249, %dma_start3A_290, %dma_start3A_291] : memref<4x125x64xf32, #tpu.memory_space<vmem>> -> memref<1x125x64xf32, #tpu.memory_space<vmem>>
        %dma_start3A_293 = tpu.memref_squeeze %dma_start3A_292 : memref<1x125x64xf32, #tpu.memory_space<vmem>> -> memref<125x64xf32, #tpu.memory_space<vmem>>
        %dma_start3A_294 = arith.constant 0 : i32
        %dma_start3A_295 = tpu.memref_slice %arg7[%add3A_248, %dma_start3A_294] : memref<80x125xi32, #tpu.memory_space<vmem>> -> memref<1x125xi32, #tpu.memory_space<vmem>>
        %dma_start3A_296 = tpu.memref_squeeze %dma_start3A_295 : memref<1x125xi32, #tpu.memory_space<vmem>> -> memref<125xi32, #tpu.memory_space<vmem>>
        %dma_start3A_297 = arith.constant 0 : i32
        %dma_start3A_298 = arith.constant 0 : i32
        %dma_start3A_299 = tpu.memref_slice %arg10[%dma_start3A_297, %dma_start3A_298] : memref<10000x64xf32, #tpu.memory_space<vmem_shared>> -> memref<10000x64xf32, #tpu.memory_space<vmem_shared>>
        tpu.enqueue_indirect_dma source(%dma_start3A_293 : memref<125x64xf32, #tpu.memory_space<vmem>>) target(%dma_start3A_299 : memref<10000x64xf32, #tpu.memory_space<vmem_shared>>) offsets(%dma_start3A_296 : memref<125xi32, #tpu.memory_space<vmem>>) semaphore(%run_scoped3A_289 : memref<!tpu.dma_semaphore, #tpu.memory_space<semaphore_mem>>) {add = true}
        %dma_wait3A_300 = arith.constant 0 : i32
        %dma_wait3A_301 = arith.constant 0 : i32
        %dma_wait3A_302 = tpu.memref_slice %arg8[%run_scoped3A_249, %dma_wait3A_300, %dma_wait3A_301] : memref<4x125x64xf32, #tpu.memory_space<vmem>> -> memref<1x125x64xf32, #tpu.memory_space<vmem>>
        %dma_wait3A_303 = tpu.memref_squeeze %dma_wait3A_302 : memref<1x125x64xf32, #tpu.memory_space<vmem>> -> memref<125x64xf32, #tpu.memory_space<vmem>>
        %dma_wait3A_304 = arith.constant 0 : i32
        %dma_wait3A_305 = tpu.memref_slice %arg7[%add3A_248, %dma_wait3A_304] : memref<80x125xi32, #tpu.memory_space<vmem>> -> memref<1x125xi32, #tpu.memory_space<vmem>>
        %dma_wait3A_306 = tpu.memref_squeeze %dma_wait3A_305 : memref<1x125xi32, #tpu.memory_space<vmem>> -> memref<125xi32, #tpu.memory_space<vmem>>
        %dma_wait3A_307 = arith.constant 0 : i32
        %dma_wait3A_308 = arith.constant 0 : i32
        %dma_wait3A_309 = tpu.memref_slice %arg10[%dma_wait3A_307, %dma_wait3A_308] : memref<10000x64xf32, #tpu.memory_space<vmem_shared>> -> memref<10000x64xf32, #tpu.memory_space<vmem_shared>>
        tpu.wait_indirect_dma semaphore(%run_scoped3A_289 : memref<!tpu.dma_semaphore, #tpu.memory_space<semaphore_mem>>) src(%dma_wait3A_303 : memref<125x64xf32, #tpu.memory_space<vmem>>) dst(%dma_wait3A_309 : memref<10000x64xf32, #tpu.memory_space<vmem_shared>>)
        tpu.yield
      }) : () -> ()
      %add3A_250 = arith.constant 3 : i32
      %add3A_251 = arith.addi %mul3A_133, %add3A_250 : i32
      %dma_wait3A_252 = arith.constant 3 : i32
      %dma_wait3A_253 = arith.constant 3 : i32
      %dma_wait3A_254 = arith.constant 0 : i32
      %dma_wait3A_255 = arith.constant 0 : i32
      %dma_wait3A_256 = tpu.memref_slice %arg8[%dma_wait3A_252, %dma_wait3A_254, %dma_wait3A_255] : memref<4x125x64xf32, #tpu.memory_space<vmem>> -> memref<1x125x64xf32, #tpu.memory_space<vmem>>
      %dma_wait3A_257 = tpu.memref_squeeze %dma_wait3A_256 : memref<1x125x64xf32, #tpu.memory_space<vmem>> -> memref<125x64xf32, #tpu.memory_space<vmem>>
      %dma_wait3A_258 = arith.constant 0 : i32
      %dma_wait3A_259 = tpu.memref_slice %arg6[%add3A_251, %dma_wait3A_258] : memref<80x125xi32, #tpu.memory_space<vmem>> -> memref<1x125xi32, #tpu.memory_space<vmem>>
      %dma_wait3A_260 = tpu.memref_squeeze %dma_wait3A_259 : memref<1x125xi32, #tpu.memory_space<vmem>> -> memref<125xi32, #tpu.memory_space<vmem>>
      %dma_wait3A_261 = arith.constant 0 : i32
      %dma_wait3A_262 = arith.constant 0 : i32
      %dma_wait3A_263 = tpu.memref_slice %arg2[%dma_wait3A_261, %dma_wait3A_262] : memref<10000x64xf32, #tpu.memory_space<hbm>> -> memref<10000x64xf32, #tpu.memory_space<hbm>>
      %dma_wait3A_264 = tpu.memref_slice %arg9[%dma_wait3A_253] : memref<4x!tpu.dma_semaphore, #tpu.memory_space<semaphore_mem>> -> memref<1x!tpu.dma_semaphore, #tpu.memory_space<semaphore_mem>>
      %dma_wait3A_265 = tpu.memref_squeeze %dma_wait3A_264 : memref<1x!tpu.dma_semaphore, #tpu.memory_space<semaphore_mem>> -> memref<!tpu.dma_semaphore, #tpu.memory_space<semaphore_mem>>
      tpu.wait_indirect_dma semaphore(%dma_wait3A_265 : memref<!tpu.dma_semaphore, #tpu.memory_space<semaphore_mem>>) src(%dma_wait3A_263 : memref<10000x64xf32, #tpu.memory_space<hbm>>) dst(%dma_wait3A_257 : memref<125x64xf32, #tpu.memory_space<vmem>>)
      %add3A_266 = arith.constant 3 : i32
      %add3A_267 = arith.addi %mul3A_133, %add3A_266 : i32
      %add3A_268 = arith.constant 4 : i32
      %add3A_269 = arith.addi %add3A_267, %add3A_268 : i32
      %min3A_270 = arith.constant 79 : i32
      %min3A_271 = arith.minsi %add3A_269, %min3A_270 : i32
      %dma_start3A_272 = arith.constant 3 : i32
      %dma_start3A_273 = arith.constant 3 : i32
      %dma_start3A_274 = arith.constant 0 : i32
      %dma_start3A_275 = arith.constant 0 : i32
      %dma_start3A_276 = tpu.memref_slice %arg8[%dma_start3A_272, %dma_start3A_274, %dma_start3A_275] : memref<4x125x64xf32, #tpu.memory_space<vmem>> -> memref<1x125x64xf32, #tpu.memory_space<vmem>>
      %dma_start3A_277 = tpu.memref_squeeze %dma_start3A_276 : memref<1x125x64xf32, #tpu.memory_space<vmem>> -> memref<125x64xf32, #tpu.memory_space<vmem>>
      %dma_start3A_278 = arith.constant 0 : i32
      %dma_start3A_279 = tpu.memref_slice %arg6[%min3A_271, %dma_start3A_278] : memref<80x125xi32, #tpu.memory_space<vmem>> -> memref<1x125xi32, #tpu.memory_space<vmem>>
      %dma_start3A_280 = tpu.memref_squeeze %dma_start3A_279 : memref<1x125xi32, #tpu.memory_space<vmem>> -> memref<125xi32, #tpu.memory_space<vmem>>
      %dma_start3A_281 = arith.constant 0 : i32
      %dma_start3A_282 = arith.constant 0 : i32
      %dma_start3A_283 = tpu.memref_slice %arg2[%dma_start3A_281, %dma_start3A_282] : memref<10000x64xf32, #tpu.memory_space<hbm>> -> memref<10000x64xf32, #tpu.memory_space<hbm>>
      %dma_start3A_284 = tpu.memref_slice %arg9[%dma_start3A_273] : memref<4x!tpu.dma_semaphore, #tpu.memory_space<semaphore_mem>> -> memref<1x!tpu.dma_semaphore, #tpu.memory_space<semaphore_mem>>
      %dma_start3A_285 = tpu.memref_squeeze %dma_start3A_284 : memref<1x!tpu.dma_semaphore, #tpu.memory_space<semaphore_mem>> -> memref<!tpu.dma_semaphore, #tpu.memory_space<semaphore_mem>>
      tpu.enqueue_indirect_dma source(%dma_start3A_283 : memref<10000x64xf32, #tpu.memory_space<hbm>>) target(%dma_start3A_277 : memref<125x64xf32, #tpu.memory_space<vmem>>) offsets(%dma_start3A_280 : memref<125xi32, #tpu.memory_space<vmem>>) semaphore(%dma_start3A_285 : memref<!tpu.dma_semaphore, #tpu.memory_space<semaphore_mem>>)
      %add3A_286 = arith.constant 3 : i32
      %add3A_287 = arith.addi %mul3A_133, %add3A_286 : i32
      %run_scoped3A_288 = arith.constant 3 : i32
      "tpu.region"() ({
        %run_scoped3A_289 = tpu.sem_alloc : memref<!tpu.dma_semaphore, #tpu.memory_space<semaphore_mem>>
        %dma_start3A_290 = arith.constant 0 : i32
        %dma_start3A_291 = arith.constant 0 : i32
        %dma_start3A_292 = tpu.memref_slice %arg8[%run_scoped3A_288, %dma_start3A_290, %dma_start3A_291] : memref<4x125x64xf32, #tpu.memory_space<vmem>> -> memref<1x125x64xf32, #tpu.memory_space<vmem>>
        %dma_start3A_293 = tpu.memref_squeeze %dma_start3A_292 : memref<1x125x64xf32, #tpu.memory_space<vmem>> -> memref<125x64xf32, #tpu.memory_space<vmem>>
        %dma_start3A_294 = arith.constant 0 : i32
        %dma_start3A_295 = tpu.memref_slice %arg7[%add3A_287, %dma_start3A_294] : memref<80x125xi32, #tpu.memory_space<vmem>> -> memref<1x125xi32, #tpu.memory_space<vmem>>
        %dma_start3A_296 = tpu.memref_squeeze %dma_start3A_295 : memref<1x125xi32, #tpu.memory_space<vmem>> -> memref<125xi32, #tpu.memory_space<vmem>>
        %dma_start3A_297 = arith.constant 0 : i32
        %dma_start3A_298 = arith.constant 0 : i32
        %dma_start3A_299 = tpu.memref_slice %arg10[%dma_start3A_297, %dma_start3A_298] : memref<10000x64xf32, #tpu.memory_space<vmem_shared>> -> memref<10000x64xf32, #tpu.memory_space<vmem_shared>>
        tpu.enqueue_indirect_dma source(%dma_start3A_293 : memref<125x64xf32, #tpu.memory_space<vmem>>) target(%dma_start3A_299 : memref<10000x64xf32, #tpu.memory_space<vmem_shared>>) offsets(%dma_start3A_296 : memref<125xi32, #tpu.memory_space<vmem>>) semaphore(%run_scoped3A_289 : memref<!tpu.dma_semaphore, #tpu.memory_space<semaphore_mem>>) {add = true}
        %dma_wait3A_300 = arith.constant 0 : i32
        %dma_wait3A_301 = arith.constant 0 : i32
        %dma_wait3A_302 = tpu.memref_slice %arg8[%run_scoped3A_288, %dma_wait3A_300, %dma_wait3A_301] : memref<4x125x64xf32, #tpu.memory_space<vmem>> -> memref<1x125x64xf32, #tpu.memory_space<vmem>>
        %dma_wait3A_303 = tpu.memref_squeeze %dma_wait3A_302 : memref<1x125x64xf32, #tpu.memory_space<vmem>> -> memref<125x64xf32, #tpu.memory_space<vmem>>
        %dma_wait3A_304 = arith.constant 0 : i32
        %dma_wait3A_305 = tpu.memref_slice %arg7[%add3A_287, %dma_wait3A_304] : memref<80x125xi32, #tpu.memory_space<vmem>> -> memref<1x125xi32, #tpu.memory_space<vmem>>
        %dma_wait3A_306 = tpu.memref_squeeze %dma_wait3A_305 : memref<1x125xi32, #tpu.memory_space<vmem>> -> memref<125xi32, #tpu.memory_space<vmem>>
        %dma_wait3A_307 = arith.constant 0 : i32
        %dma_wait3A_308 = arith.constant 0 : i32
        %dma_wait3A_309 = tpu.memref_slice %arg10[%dma_wait3A_307, %dma_wait3A_308] : memref<10000x64xf32, #tpu.memory_space<vmem_shared>> -> memref<10000x64xf32, #tpu.memory_space<vmem_shared>>
        tpu.wait_indirect_dma semaphore(%run_scoped3A_289 : memref<!tpu.dma_semaphore, #tpu.memory_space<semaphore_mem>>) src(%dma_wait3A_303 : memref<125x64xf32, #tpu.memory_space<vmem>>) dst(%dma_wait3A_309 : memref<10000x64xf32, #tpu.memory_space<vmem_shared>>)
        tpu.yield
      }) : () -> ()
    }
    %scan3A_70 = arith.constant 20 : i32
    %dma_wait3A = arith.constant 79 : i32
    %dma_wait3A_71 = arith.constant 0 : i32
    %dma_wait3A_72 = arith.constant 0 : i32
    %dma_wait3A_73 = arith.constant 0 : i32
    %dma_wait3A_74 = arith.constant 0 : i32
    %dma_wait3A_75 = tpu.memref_slice %arg8[%dma_wait3A_71, %dma_wait3A_73, %dma_wait3A_74] : memref<4x125x64xf32, #tpu.memory_space<vmem>> -> memref<1x125x64xf32, #tpu.memory_space<vmem>>
    %dma_wait3A_76 = tpu.memref_squeeze %dma_wait3A_75 : memref<1x125x64xf32, #tpu.memory_space<vmem>> -> memref<125x64xf32, #tpu.memory_space<vmem>>
    %dma_wait3A_77 = arith.constant 0 : i32
    %dma_wait3A_78 = tpu.memref_slice %arg6[%dma_wait3A, %dma_wait3A_77] : memref<80x125xi32, #tpu.memory_space<vmem>> -> memref<1x125xi32, #tpu.memory_space<vmem>>
    %dma_wait3A_79 = tpu.memref_squeeze %dma_wait3A_78 : memref<1x125xi32, #tpu.memory_space<vmem>> -> memref<125xi32, #tpu.memory_space<vmem>>
    %dma_wait3A_80 = arith.constant 0 : i32
    %dma_wait3A_81 = arith.constant 0 : i32
    %dma_wait3A_82 = tpu.memref_slice %arg2[%dma_wait3A_80, %dma_wait3A_81] : memref<10000x64xf32, #tpu.memory_space<hbm>> -> memref<10000x64xf32, #tpu.memory_space<hbm>>
    %dma_wait3A_83 = tpu.memref_slice %arg9[%dma_wait3A_72] : memref<4x!tpu.dma_semaphore, #tpu.memory_space<semaphore_mem>> -> memref<1x!tpu.dma_semaphore, #tpu.memory_space<semaphore_mem>>
    %dma_wait3A_84 = tpu.memref_squeeze %dma_wait3A_83 : memref<1x!tpu.dma_semaphore, #tpu.memory_space<semaphore_mem>> -> memref<!tpu.dma_semaphore, #tpu.memory_space<semaphore_mem>>
    tpu.wait_indirect_dma semaphore(%dma_wait3A_84 : memref<!tpu.dma_semaphore, #tpu.memory_space<semaphore_mem>>) src(%dma_wait3A_82 : memref<10000x64xf32, #tpu.memory_space<hbm>>) dst(%dma_wait3A_76 : memref<125x64xf32, #tpu.memory_space<vmem>>)
    %dma_wait3A_85 = arith.constant 79 : i32
    %dma_wait3A_86 = arith.constant 1 : i32
    %dma_wait3A_87 = arith.constant 1 : i32
    %dma_wait3A_88 = arith.constant 0 : i32
    %dma_wait3A_89 = arith.constant 0 : i32
    %dma_wait3A_90 = tpu.memref_slice %arg8[%dma_wait3A_86, %dma_wait3A_88, %dma_wait3A_89] : memref<4x125x64xf32, #tpu.memory_space<vmem>> -> memref<1x125x64xf32, #tpu.memory_space<vmem>>
    %dma_wait3A_91 = tpu.memref_squeeze %dma_wait3A_90 : memref<1x125x64xf32, #tpu.memory_space<vmem>> -> memref<125x64xf32, #tpu.memory_space<vmem>>
    %dma_wait3A_92 = arith.constant 0 : i32
    %dma_wait3A_93 = tpu.memref_slice %arg6[%dma_wait3A_85, %dma_wait3A_92] : memref<80x125xi32, #tpu.memory_space<vmem>> -> memref<1x125xi32, #tpu.memory_space<vmem>>
    %dma_wait3A_94 = tpu.memref_squeeze %dma_wait3A_93 : memref<1x125xi32, #tpu.memory_space<vmem>> -> memref<125xi32, #tpu.memory_space<vmem>>
    %dma_wait3A_95 = arith.constant 0 : i32
    %dma_wait3A_96 = arith.constant 0 : i32
    %dma_wait3A_97 = tpu.memref_slice %arg2[%dma_wait3A_95, %dma_wait3A_96] : memref<10000x64xf32, #tpu.memory_space<hbm>> -> memref<10000x64xf32, #tpu.memory_space<hbm>>
    %dma_wait3A_98 = tpu.memref_slice %arg9[%dma_wait3A_87] : memref<4x!tpu.dma_semaphore, #tpu.memory_space<semaphore_mem>> -> memref<1x!tpu.dma_semaphore, #tpu.memory_space<semaphore_mem>>
    %dma_wait3A_99 = tpu.memref_squeeze %dma_wait3A_98 : memref<1x!tpu.dma_semaphore, #tpu.memory_space<semaphore_mem>> -> memref<!tpu.dma_semaphore, #tpu.memory_space<semaphore_mem>>
    tpu.wait_indirect_dma semaphore(%dma_wait3A_99 : memref<!tpu.dma_semaphore, #tpu.memory_space<semaphore_mem>>) src(%dma_wait3A_97 : memref<10000x64xf32, #tpu.memory_space<hbm>>) dst(%dma_wait3A_91 : memref<125x64xf32, #tpu.memory_space<vmem>>)
    %dma_wait3A_100 = arith.constant 79 : i32
    %dma_wait3A_101 = arith.constant 2 : i32
    %dma_wait3A_102 = arith.constant 2 : i32
    %dma_wait3A_103 = arith.constant 0 : i32
    %dma_wait3A_104 = arith.constant 0 : i32
    %dma_wait3A_105 = tpu.memref_slice %arg8[%dma_wait3A_101, %dma_wait3A_103, %dma_wait3A_104] : memref<4x125x64xf32, #tpu.memory_space<vmem>> -> memref<1x125x64xf32, #tpu.memory_space<vmem>>
    %dma_wait3A_106 = tpu.memref_squeeze %dma_wait3A_105 : memref<1x125x64xf32, #tpu.memory_space<vmem>> -> memref<125x64xf32, #tpu.memory_space<vmem>>
    %dma_wait3A_107 = arith.constant 0 : i32
    %dma_wait3A_108 = tpu.memref_slice %arg6[%dma_wait3A_100, %dma_wait3A_107] : memref<80x125xi32, #tpu.memory_space<vmem>> -> memref<1x125xi32, #tpu.memory_space<vmem>>
    %dma_wait3A_109 = tpu.memref_squeeze %dma_wait3A_108 : memref<1x125xi32, #tpu.memory_space<vmem>> -> memref<125xi32, #tpu.memory_space<vmem>>
    %dma_wait3A_110 = arith.constant 0 : i32
    %dma_wait3A_111 = arith.constant 0 : i32
    %dma_wait3A_112 = tpu.memref_slice %arg2[%dma_wait3A_110, %dma_wait3A_111] : memref<10000x64xf32, #tpu.memory_space<hbm>> -> memref<10000x64xf32, #tpu.memory_space<hbm>>
    %dma_wait3A_113 = tpu.memref_slice %arg9[%dma_wait3A_102] : memref<4x!tpu.dma_semaphore, #tpu.memory_space<semaphore_mem>> -> memref<1x!tpu.dma_semaphore, #tpu.memory_space<semaphore_mem>>
    %dma_wait3A_114 = tpu.memref_squeeze %dma_wait3A_113 : memref<1x!tpu.dma_semaphore, #tpu.memory_space<semaphore_mem>> -> memref<!tpu.dma_semaphore, #tpu.memory_space<semaphore_mem>>
    tpu.wait_indirect_dma semaphore(%dma_wait3A_114 : memref<!tpu.dma_semaphore, #tpu.memory_space<semaphore_mem>>) src(%dma_wait3A_112 : memref<10000x64xf32, #tpu.memory_space<hbm>>) dst(%dma_wait3A_106 : memref<125x64xf32, #tpu.memory_space<vmem>>)
    %dma_wait3A_115 = arith.constant 79 : i32
    %dma_wait3A_116 = arith.constant 3 : i32
    %dma_wait3A_117 = arith.constant 3 : i32
    %dma_wait3A_118 = arith.constant 0 : i32
    %dma_wait3A_119 = arith.constant 0 : i32
    %dma_wait3A_120 = tpu.memref_slice %arg8[%dma_wait3A_116, %dma_wait3A_118, %dma_wait3A_119] : memref<4x125x64xf32, #tpu.memory_space<vmem>> -> memref<1x125x64xf32, #tpu.memory_space<vmem>>
    %dma_wait3A_121 = tpu.memref_squeeze %dma_wait3A_120 : memref<1x125x64xf32, #tpu.memory_space<vmem>> -> memref<125x64xf32, #tpu.memory_space<vmem>>
    %dma_wait3A_122 = arith.constant 0 : i32
    %dma_wait3A_123 = tpu.memref_slice %arg6[%dma_wait3A_115, %dma_wait3A_122] : memref<80x125xi32, #tpu.memory_space<vmem>> -> memref<1x125xi32, #tpu.memory_space<vmem>>
    %dma_wait3A_124 = tpu.memref_squeeze %dma_wait3A_123 : memref<1x125xi32, #tpu.memory_space<vmem>> -> memref<125xi32, #tpu.memory_space<vmem>>
    %dma_wait3A_125 = arith.constant 0 : i32
    %dma_wait3A_126 = arith.constant 0 : i32
    %dma_wait3A_127 = tpu.memref_slice %arg2[%dma_wait3A_125, %dma_wait3A_126] : memref<10000x64xf32, #tpu.memory_space<hbm>> -> memref<10000x64xf32, #tpu.memory_space<hbm>>
    %dma_wait3A_128 = tpu.memref_slice %arg9[%dma_wait3A_117] : memref<4x!tpu.dma_semaphore, #tpu.memory_space<semaphore_mem>> -> memref<1x!tpu.dma_semaphore, #tpu.memory_space<semaphore_mem>>
    %dma_wait3A_129 = tpu.memref_squeeze %dma_wait3A_128 : memref<1x!tpu.dma_semaphore, #tpu.memory_space<semaphore_mem>> -> memref<!tpu.dma_semaphore, #tpu.memory_space<semaphore_mem>>
    tpu.wait_indirect_dma semaphore(%dma_wait3A_129 : memref<!tpu.dma_semaphore, #tpu.memory_space<semaphore_mem>>) src(%dma_wait3A_127 : memref<10000x64xf32, #tpu.memory_space<hbm>>) dst(%dma_wait3A_121 : memref<125x64xf32, #tpu.memory_space<vmem>>)
    %barrier3A_130 = arith.constant 0 : index
    tpu.barrier barrier_id(%barrier3A_130)
    "tpu.region"() ({
      %run_scoped3A_131 = tpu.sem_alloc : memref<!tpu.dma_semaphore, #tpu.memory_space<semaphore_mem>>
      %dma_start3A_132 = arith.constant 0 : i32
      %dma_start3A_133 = tpu.memref_slice %arg5[%arg0, %mul3A_0, %dma_start3A_132] : memref<2x10000x64xf32, #tpu.memory_space<hbm>> -> memref<1x625x64xf32, #tpu.memory_space<hbm>>
      %dma_start3A_134 = tpu.memref_squeeze %dma_start3A_133 : memref<1x625x64xf32, #tpu.memory_space<hbm>> -> memref<625x64xf32, #tpu.memory_space<hbm>>
      %dma_start3A_135 = arith.constant 0 : i32
      %dma_start3A_136 = tpu.memref_slice %arg10[%mul3A_0, %dma_start3A_135] : memref<10000x64xf32, #tpu.memory_space<vmem_shared>> -> memref<625x64xf32, #tpu.memory_space<vmem_shared>>
      tpu.enqueue_dma source(%dma_start3A_136 : memref<625x64xf32, #tpu.memory_space<vmem_shared>>) target(%dma_start3A_134 : memref<625x64xf32, #tpu.memory_space<hbm>>) target_semaphore(%run_scoped3A_131 : memref<!tpu.dma_semaphore, #tpu.memory_space<semaphore_mem>>)
      %dma_wait3A_137 = arith.constant 0 : i32
      %dma_wait3A_138 = tpu.memref_slice %arg5[%arg0, %mul3A_0, %dma_wait3A_137] : memref<2x10000x64xf32, #tpu.memory_space<hbm>> -> memref<1x625x64xf32, #tpu.memory_space<hbm>>
      %dma_wait3A_139 = tpu.memref_squeeze %dma_wait3A_138 : memref<1x625x64xf32, #tpu.memory_space<hbm>> -> memref<625x64xf32, #tpu.memory_space<hbm>>
      %dma_wait3A_140 = arith.constant 0 : i32
      %dma_wait3A_141 = tpu.memref_slice %arg10[%mul3A_0, %dma_wait3A_140] : memref<10000x64xf32, #tpu.memory_space<vmem_shared>> -> memref<625x64xf32, #tpu.memory_space<vmem_shared>>
      tpu.wait_dma2 semaphore(%run_scoped3A_131 : memref<!tpu.dma_semaphore, #tpu.memory_space<semaphore_mem>>) src(%dma_wait3A_141 : memref<625x64xf32, #tpu.memory_space<vmem_shared>>) dst(%dma_wait3A_139 : memref<625x64xf32, #tpu.memory_space<hbm>>)
      tpu.yield
    }) : () -> ()
    return
  }
}

module attributes {stable_mosaic.version = 14 : i64} {
  func.func @_prescale_body(%arg0: i32, %arg1: memref<2x1000x8xf32, #tpu.memory_space<vmem>>, %arg2: memref<1000x128xf32, #tpu.memory_space<vmem>>, %arg3: memref<1000x64xf32, #tpu.memory_space<vmem>>, %arg4: memref<1000x64xf32, #tpu.memory_space<vmem>>) attributes {dimension_semantics = [#tpu.dimension_semantics<arbitrary>], iteration_bounds = array<i64: 10>, scalar_prefetch = 0 : i64, scratch_operands = 0 : i64, tpu.core_type = #tpu.core_type<tc>, window_params = [{transform_indices = @transform_0, window_bounds = array<i64: 2, 1000, 8>}, {transform_indices = @transform_1, window_bounds = array<i64: 1000, 128>}, {transform_indices = @transform_2, window_bounds = array<i64: 1000, 64>}, {transform_indices = @transform_3, window_bounds = array<i64: 1000, 64>}]} {
    %get3A = arith.constant 0 : index
    %get3A_0 = arith.constant 0 : index
    %get3A_1 = vector.load %arg2[%get3A, %get3A_0] : memref<1000x128xf32, #tpu.memory_space<vmem>>, vector<1000x128xf32>
    %get3A_2 = arith.constant 0 : index
    %get3A_3 = arith.constant 0 : index
    %get3A_4 = arith.constant 0 : index
    %get3A_5 = vector.load %arg1[%get3A_2, %get3A_3, %get3A_4] : memref<2x1000x8xf32, #tpu.memory_space<vmem>>, vector<1x1000x8xf32>
    %get3A_6 = vector.shape_cast %get3A_5 : vector<1x1000x8xf32> to vector<1000x8xf32>
    %get3A_7 = arith.constant 1 : index
    %get3A_8 = arith.constant 0 : index
    %get3A_9 = arith.constant 0 : index
    %get3A_10 = vector.load %arg1[%get3A_7, %get3A_8, %get3A_9] : memref<2x1000x8xf32, #tpu.memory_space<vmem>>, vector<1x1000x8xf32>
    %get3A_11 = vector.shape_cast %get3A_10 : vector<1x1000x8xf32> to vector<1000x8xf32>
    %add3A = arith.addf %get3A_6, %get3A_11 : vector<1000x8xf32>
    %add3A_12 = arith.constant 1.000000e+00 : f32
    %add3A_13 = vector.broadcast %add3A_12 : f32 to vector<1000x8xf32>
    %add3A_14 = arith.addf %add3A, %add3A_13 : vector<1000x8xf32>
    %rsqrt3A = math.rsqrt %add3A_14 : vector<1000x8xf32>
    %slice3A = vector.extract_strided_slice %rsqrt3A {offsets = [0, 0], sizes = [1000, 1], strides = [1, 1]} : vector<1000x8xf32> to vector<1000x1xf32>
    %mul3A = vector.broadcast %slice3A : vector<1000x1xf32> to vector<1000x128xf32>
    %mul3A_15 = arith.mulf %get3A_1, %mul3A : vector<1000x128xf32>
    %slice3A_16 = vector.extract_strided_slice %mul3A_15 {offsets = [0, 0], sizes = [1000, 64], strides = [1, 1]} : vector<1000x128xf32> to vector<1000x64xf32>
    %swap3A = arith.constant 0 : index
    %swap3A_17 = arith.constant 0 : index
    %swap3A_18 = vector.load %arg3[%swap3A, %swap3A_17] : memref<1000x64xf32, #tpu.memory_space<vmem>>, vector<1000x64xf32>
    tpu.vector_store %arg3[%swap3A, %swap3A_17], %slice3A_16 {strides = array<i32>} : memref<1000x64xf32, #tpu.memory_space<vmem>>, vector<1000x64xf32>,
    %slice3A_19 = vector.extract_strided_slice %mul3A_15 {offsets = [0, 64], sizes = [1000, 64], strides = [1, 1]} : vector<1000x128xf32> to vector<1000x64xf32>
    %swap3A_20 = arith.constant 0 : index
    %swap3A_21 = arith.constant 0 : index
    %swap3A_22 = vector.load %arg4[%swap3A_20, %swap3A_21] : memref<1000x64xf32, #tpu.memory_space<vmem>>, vector<1000x64xf32>
    tpu.vector_store %arg4[%swap3A_20, %swap3A_21], %slice3A_19 {strides = array<i32>} : memref<1000x64xf32, #tpu.memory_space<vmem>>, vector<1000x64xf32>,
    return
  }
  func.func @transform_0(%arg0: i32) -> (i32, i32, i32) {
    %c0_i32 = arith.constant 0 : i32
    %c0_i32_0 = arith.constant 0 : i32
    %c0_i32_1 = arith.constant 0 : i32
    return %c0_i32, %arg0, %c0_i32_0 : i32, i32, i32
  }
  func.func @transform_1(%arg0: i32) -> (i32, i32) {
    %c0_i32 = arith.constant 0 : i32
    %c0_i32_0 = arith.constant 0 : i32
    return %arg0, %c0_i32 : i32, i32
  }
  func.func @transform_2(%arg0: i32) -> (i32, i32) {
    %c0_i32 = arith.constant 0 : i32
    %c0_i32_0 = arith.constant 0 : i32
    return %arg0, %c0_i32 : i32, i32
  }
  func.func @transform_3(%arg0: i32) -> (i32, i32) {
    %c0_i32 = arith.constant 0 : i32
    %c0_i32_0 = arith.constant 0 : i32
    return %arg0, %c0_i32 : i32, i32
  }
}

module attributes {stable_mosaic.version = 14 : i64} {
  func.func @_mid_body(%arg0: i32, %arg1: memref<2x1000x8xf32, #tpu.memory_space<vmem>>, %arg2: memref<2x1000x64xf32, #tpu.memory_space<vmem>>, %arg3: memref<2x1000x64xf32, #tpu.memory_space<vmem>>, %arg4: memref<1000x64xf32, #tpu.memory_space<vmem>>, %arg5: memref<1000x64xf32, #tpu.memory_space<vmem>>, %arg6: memref<128x256xf32, #tpu.memory_space<vmem>>, %arg7: memref<8x256xf32, #tpu.memory_space<vmem>>, %arg8: memref<256x64xf32, #tpu.memory_space<vmem>>, %arg9: memref<1000x64xf32, #tpu.memory_space<vmem>>) attributes {dimension_semantics = [#tpu.dimension_semantics<arbitrary>], iteration_bounds = array<i64: 10>, scalar_prefetch = 0 : i64, scratch_operands = 0 : i64, tpu.core_type = #tpu.core_type<tc>, window_params = [{transform_indices = @transform_0, window_bounds = array<i64: 2, 1000, 8>}, {transform_indices = @transform_1, window_bounds = array<i64: 2, 1000, 64>}, {transform_indices = @transform_2, window_bounds = array<i64: 2, 1000, 64>}, {transform_indices = @transform_3, window_bounds = array<i64: 1000, 64>}, {transform_indices = @transform_4, window_bounds = array<i64: 1000, 64>}, {pipeline_mode = #tpu.pipeline_mode<synchronous>, transform_indices = @transform_5, window_bounds = array<i64: 128, 256>}, {pipeline_mode = #tpu.pipeline_mode<synchronous>, transform_indices = @transform_6, window_bounds = array<i64: 8, 256>}, {pipeline_mode = #tpu.pipeline_mode<synchronous>, transform_indices = @transform_7, window_bounds = array<i64: 256, 64>}, {transform_indices = @transform_8, window_bounds = array<i64: 1000, 64>}]} {
    %get3A = arith.constant 0 : index
    %get3A_0 = arith.constant 0 : index
    %get3A_1 = arith.constant 0 : index
    %get3A_2 = vector.load %arg1[%get3A, %get3A_0, %get3A_1] : memref<2x1000x8xf32, #tpu.memory_space<vmem>>, vector<1x1000x8xf32>
    %get3A_3 = vector.shape_cast %get3A_2 : vector<1x1000x8xf32> to vector<1000x8xf32>
    %get3A_4 = arith.constant 1 : index
    %get3A_5 = arith.constant 0 : index
    %get3A_6 = arith.constant 0 : index
    %get3A_7 = vector.load %arg1[%get3A_4, %get3A_5, %get3A_6] : memref<2x1000x8xf32, #tpu.memory_space<vmem>>, vector<1x1000x8xf32>
    %get3A_8 = vector.shape_cast %get3A_7 : vector<1x1000x8xf32> to vector<1000x8xf32>
    %add3A = arith.addf %get3A_3, %get3A_8 : vector<1000x8xf32>
    %add3A_9 = arith.constant 1.000000e+00 : f32
    %add3A_10 = vector.broadcast %add3A_9 : f32 to vector<1000x8xf32>
    %add3A_11 = arith.addf %add3A, %add3A_10 : vector<1000x8xf32>
    %rsqrt3A = math.rsqrt %add3A_11 : vector<1000x8xf32>
    %slice3A = vector.extract_strided_slice %rsqrt3A {offsets = [0, 0], sizes = [1000, 1], strides = [1, 1]} : vector<1000x8xf32> to vector<1000x1xf32>
    %get3A_12 = arith.constant 0 : index
    %get3A_13 = arith.constant 0 : index
    %get3A_14 = arith.constant 0 : index
    %get3A_15 = vector.load %arg2[%get3A_12, %get3A_13, %get3A_14] : memref<2x1000x64xf32, #tpu.memory_space<vmem>>, vector<1x1000x64xf32>
    %get3A_16 = vector.shape_cast %get3A_15 : vector<1x1000x64xf32> to vector<1000x64xf32>
    %get3A_17 = arith.constant 1 : index
    %get3A_18 = arith.constant 0 : index
    %get3A_19 = arith.constant 0 : index
    %get3A_20 = vector.load %arg2[%get3A_17, %get3A_18, %get3A_19] : memref<2x1000x64xf32, #tpu.memory_space<vmem>>, vector<1x1000x64xf32>
    %get3A_21 = vector.shape_cast %get3A_20 : vector<1x1000x64xf32> to vector<1000x64xf32>
    %add3A_22 = arith.addf %get3A_16, %get3A_21 : vector<1000x64xf32>
    %get3A_23 = arith.constant 0 : index
    %get3A_24 = arith.constant 0 : index
    %get3A_25 = vector.load %arg4[%get3A_23, %get3A_24] : memref<1000x64xf32, #tpu.memory_space<vmem>>, vector<1000x64xf32>
    %add3A_26 = arith.addf %add3A_22, %get3A_25 : vector<1000x64xf32>
    %get3A_27 = arith.constant 0 : index
    %get3A_28 = arith.constant 0 : index
    %get3A_29 = arith.constant 0 : index
    %get3A_30 = vector.load %arg3[%get3A_27, %get3A_28, %get3A_29] : memref<2x1000x64xf32, #tpu.memory_space<vmem>>, vector<1x1000x64xf32>
    %get3A_31 = vector.shape_cast %get3A_30 : vector<1x1000x64xf32> to vector<1000x64xf32>
    %get3A_32 = arith.constant 1 : index
    %get3A_33 = arith.constant 0 : index
    %get3A_34 = arith.constant 0 : index
    %get3A_35 = vector.load %arg3[%get3A_32, %get3A_33, %get3A_34] : memref<2x1000x64xf32, #tpu.memory_space<vmem>>, vector<1x1000x64xf32>
    %get3A_36 = vector.shape_cast %get3A_35 : vector<1x1000x64xf32> to vector<1000x64xf32>
    %add3A_37 = arith.addf %get3A_31, %get3A_36 : vector<1000x64xf32>
    %get3A_38 = arith.constant 0 : index
    %get3A_39 = arith.constant 0 : index
    %get3A_40 = vector.load %arg5[%get3A_38, %get3A_39] : memref<1000x64xf32, #tpu.memory_space<vmem>>, vector<1000x64xf32>
    %add3A_41 = arith.addf %add3A_37, %get3A_40 : vector<1000x64xf32>
    %concatenate3A = tpu.concatenate %add3A_26, %add3A_41 in 1 : vector<1000x64xf32>, vector<1000x64xf32> -> vector<1000x128xf32>
    %mul3A = vector.broadcast %slice3A : vector<1000x1xf32> to vector<1000x128xf32>
    %mul3A_42 = arith.mulf %concatenate3A, %mul3A : vector<1000x128xf32>
    %get3A_43 = arith.constant 0 : index
    %get3A_44 = arith.constant 0 : index
    %get3A_45 = vector.load %arg6[%get3A_43, %get3A_44] : memref<128x256xf32, #tpu.memory_space<vmem>>, vector<128x256xf32>
    %dot_general3A = arith.constant dense<0.000000e+00> : vector<1000x256xf32>
    %dot_general3A_46 = tpu.matmul %mul3A_42, %get3A_45, %dot_general3A {dimension_numbers = #tpu.dot_dimension_numbers<[1], [0], [0], [1], [0, 0, 1, 1], [], []>, transpose_lhs_hint = false} : vector<1000x128xf32>, vector<128x256xf32>, vector<1000x256xf32> -> vector<1000x256xf32>
    %get3A_47 = arith.constant 0 : index
    %get3A_48 = arith.constant 0 : index
    %get3A_49 = vector.load %arg7[%get3A_47, %get3A_48] : memref<8x256xf32, #tpu.memory_space<vmem>>, vector<1x256xf32>
    %add3A_50 = vector.broadcast %get3A_49 : vector<1x256xf32> to vector<1000x256xf32>
    %add3A_51 = arith.addf %dot_general3A_46, %add3A_50 : vector<1000x256xf32>
    %max3A = arith.constant 0.000000e+00 : f32
    %max3A_52 = vector.broadcast %max3A : f32 to vector<1000x256xf32>
    %max3A_53 = arith.maximumf %add3A_51, %max3A_52 : vector<1000x256xf32>
    %get3A_54 = arith.constant 0 : index
    %get3A_55 = arith.constant 0 : index
    %get3A_56 = vector.load %arg8[%get3A_54, %get3A_55] : memref<256x64xf32, #tpu.memory_space<vmem>>, vector<256x64xf32>
    %dot_general3A_57 = arith.constant dense<0.000000e+00> : vector<1000x64xf32>
    %dot_general3A_58 = tpu.matmul %max3A_53, %get3A_56, %dot_general3A_57 {dimension_numbers = #tpu.dot_dimension_numbers<[1], [0], [0], [1], [0, 0, 1, 1], [], []>, transpose_lhs_hint = false} : vector<1000x256xf32>, vector<256x64xf32>, vector<1000x64xf32> -> vector<1000x64xf32>
    %mul3A_59 = vector.broadcast %slice3A : vector<1000x1xf32> to vector<1000x64xf32>
    %mul3A_60 = arith.mulf %dot_general3A_58, %mul3A_59 : vector<1000x64xf32>
    %swap3A = arith.constant 0 : index
    %swap3A_61 = arith.constant 0 : index
    %swap3A_62 = vector.load %arg9[%swap3A, %swap3A_61] : memref<1000x64xf32, #tpu.memory_space<vmem>>, vector<1000x64xf32>
    tpu.vector_store %arg9[%swap3A, %swap3A_61], %mul3A_60 {strides = array<i32>} : memref<1000x64xf32, #tpu.memory_space<vmem>>, vector<1000x64xf32>,
    return
  }
  func.func @transform_0(%arg0: i32) -> (i32, i32, i32) {
    %c0_i32 = arith.constant 0 : i32
    %c0_i32_0 = arith.constant 0 : i32
    %c0_i32_1 = arith.constant 0 : i32
    return %c0_i32, %arg0, %c0_i32_0 : i32, i32, i32
  }
  func.func @transform_1(%arg0: i32) -> (i32, i32, i32) {
    %c0_i32 = arith.constant 0 : i32
    %c0_i32_0 = arith.constant 0 : i32
    %c0_i32_1 = arith.constant 0 : i32
    return %c0_i32, %arg0, %c0_i32_0 : i32, i32, i32
  }
  func.func @transform_2(%arg0: i32) -> (i32, i32, i32) {
    %c0_i32 = arith.constant 0 : i32
    %c0_i32_0 = arith.constant 0 : i32
    %c0_i32_1 = arith.constant 0 : i32
    return %c0_i32, %arg0, %c0_i32_0 : i32, i32, i32
  }
  func.func @transform_3(%arg0: i32) -> (i32, i32) {
    %c0_i32 = arith.constant 0 : i32
    %c0_i32_0 = arith.constant 0 : i32
    return %arg0, %c0_i32 : i32, i32
  }
  func.func @transform_4(%arg0: i32) -> (i32, i32) {
    %c0_i32 = arith.constant 0 : i32
    %c0_i32_0 = arith.constant 0 : i32
    return %arg0, %c0_i32 : i32, i32
  }
  func.func @transform_5(%arg0: i32) -> (i32, i32) {
    %c0_i32 = arith.constant 0 : i32
    %c0_i32_0 = arith.constant 0 : i32
    %c0_i32_1 = arith.constant 0 : i32
    return %c0_i32, %c0_i32_0 : i32, i32
  }
  func.func @transform_6(%arg0: i32) -> (i32, i32) {
    %c0_i32 = arith.constant 0 : i32
    %c0_i32_0 = arith.constant 0 : i32
    %c0_i32_1 = arith.constant 0 : i32
    return %c0_i32, %c0_i32_0 : i32, i32
  }
  func.func @transform_7(%arg0: i32) -> (i32, i32) {
    %c0_i32 = arith.constant 0 : i32
    %c0_i32_0 = arith.constant 0 : i32
    %c0_i32_1 = arith.constant 0 : i32
    return %c0_i32, %c0_i32_0 : i32, i32
  }
  func.func @transform_8(%arg0: i32) -> (i32, i32) {
    %c0_i32 = arith.constant 0 : i32
    %c0_i32_0 = arith.constant 0 : i32
    return %arg0, %c0_i32 : i32, i32
  }
}

module attributes {stable_mosaic.version = 14 : i64} {
  func.func @_final_body(%arg0: i32, %arg1: memref<2x1000x8xf32, #tpu.memory_space<vmem>>, %arg2: memref<2x1000x64xf32, #tpu.memory_space<vmem>>, %arg3: memref<1000x64xf32, #tpu.memory_space<vmem>>, %arg4: memref<8x64xf32, #tpu.memory_space<vmem>>, %arg5: memref<1000x64xf32, #tpu.memory_space<vmem>>) attributes {dimension_semantics = [#tpu.dimension_semantics<arbitrary>], iteration_bounds = array<i64: 10>, scalar_prefetch = 0 : i64, scratch_operands = 0 : i64, tpu.core_type = #tpu.core_type<tc>, window_params = [{transform_indices = @transform_0, window_bounds = array<i64: 2, 1000, 8>}, {transform_indices = @transform_1, window_bounds = array<i64: 2, 1000, 64>}, {transform_indices = @transform_2, window_bounds = array<i64: 1000, 64>}, {pipeline_mode = #tpu.pipeline_mode<synchronous>, transform_indices = @transform_3, window_bounds = array<i64: 8, 64>}, {transform_indices = @transform_4, window_bounds = array<i64: 1000, 64>}]} {
    %get3A = arith.constant 0 : index
    %get3A_0 = arith.constant 0 : index
    %get3A_1 = arith.constant 0 : index
    %get3A_2 = vector.load %arg2[%get3A, %get3A_0, %get3A_1] : memref<2x1000x64xf32, #tpu.memory_space<vmem>>, vector<1x1000x64xf32>
    %get3A_3 = vector.shape_cast %get3A_2 : vector<1x1000x64xf32> to vector<1000x64xf32>
    %get3A_4 = arith.constant 1 : index
    %get3A_5 = arith.constant 0 : index
    %get3A_6 = arith.constant 0 : index
    %get3A_7 = vector.load %arg2[%get3A_4, %get3A_5, %get3A_6] : memref<2x1000x64xf32, #tpu.memory_space<vmem>>, vector<1x1000x64xf32>
    %get3A_8 = vector.shape_cast %get3A_7 : vector<1x1000x64xf32> to vector<1000x64xf32>
    %add3A = arith.addf %get3A_3, %get3A_8 : vector<1000x64xf32>
    %get3A_9 = arith.constant 0 : index
    %get3A_10 = arith.constant 0 : index
    %get3A_11 = vector.load %arg3[%get3A_9, %get3A_10] : memref<1000x64xf32, #tpu.memory_space<vmem>>, vector<1000x64xf32>
    %add3A_12 = arith.addf %add3A, %get3A_11 : vector<1000x64xf32>
    %get3A_13 = arith.constant 0 : index
    %get3A_14 = arith.constant 0 : index
    %get3A_15 = arith.constant 0 : index
    %get3A_16 = vector.load %arg1[%get3A_13, %get3A_14, %get3A_15] : memref<2x1000x8xf32, #tpu.memory_space<vmem>>, vector<1x1000x8xf32>
    %get3A_17 = vector.shape_cast %get3A_16 : vector<1x1000x8xf32> to vector<1000x8xf32>
    %get3A_18 = arith.constant 1 : index
    %get3A_19 = arith.constant 0 : index
    %get3A_20 = arith.constant 0 : index
    %get3A_21 = vector.load %arg1[%get3A_18, %get3A_19, %get3A_20] : memref<2x1000x8xf32, #tpu.memory_space<vmem>>, vector<1x1000x8xf32>
    %get3A_22 = vector.shape_cast %get3A_21 : vector<1x1000x8xf32> to vector<1000x8xf32>
    %add3A_23 = arith.addf %get3A_17, %get3A_22 : vector<1000x8xf32>
    %add3A_24 = arith.constant 1.000000e+00 : f32
    %add3A_25 = vector.broadcast %add3A_24 : f32 to vector<1000x8xf32>
    %add3A_26 = arith.addf %add3A_23, %add3A_25 : vector<1000x8xf32>
    %rsqrt3A = math.rsqrt %add3A_26 : vector<1000x8xf32>
    %slice3A = vector.extract_strided_slice %rsqrt3A {offsets = [0, 0], sizes = [1000, 1], strides = [1, 1]} : vector<1000x8xf32> to vector<1000x1xf32>
    %mul3A = vector.broadcast %slice3A : vector<1000x1xf32> to vector<1000x64xf32>
    %mul3A_27 = arith.mulf %add3A_12, %mul3A : vector<1000x64xf32>
    %get3A_28 = arith.constant 0 : index
    %get3A_29 = arith.constant 0 : index
    %get3A_30 = vector.load %arg4[%get3A_28, %get3A_29] : memref<8x64xf32, #tpu.memory_space<vmem>>, vector<1x64xf32>
    %add3A_31 = vector.broadcast %get3A_30 : vector<1x64xf32> to vector<1000x64xf32>
    %add3A_32 = arith.addf %mul3A_27, %add3A_31 : vector<1000x64xf32>
    %swap3A = arith.constant 0 : index
    %swap3A_33 = arith.constant 0 : index
    %swap3A_34 = vector.load %arg5[%swap3A, %swap3A_33] : memref<1000x64xf32, #tpu.memory_space<vmem>>, vector<1000x64xf32>
    tpu.vector_store %arg5[%swap3A, %swap3A_33], %add3A_32 {strides = array<i32>} : memref<1000x64xf32, #tpu.memory_space<vmem>>, vector<1000x64xf32>,
    return
  }
  func.func @transform_0(%arg0: i32) -> (i32, i32, i32) {
    %c0_i32 = arith.constant 0 : i32
    %c0_i32_0 = arith.constant 0 : i32
    %c0_i32_1 = arith.constant 0 : i32
    return %c0_i32, %arg0, %c0_i32_0 : i32, i32, i32
  }
  func.func @transform_1(%arg0: i32) -> (i32, i32, i32) {
    %c0_i32 = arith.constant 0 : i32
    %c0_i32_0 = arith.constant 0 : i32
    %c0_i32_1 = arith.constant 0 : i32
    return %c0_i32, %arg0, %c0_i32_0 : i32, i32, i32
  }
  func.func @transform_2(%arg0: i32) -> (i32, i32) {
    %c0_i32 = arith.constant 0 : i32
    %c0_i32_0 = arith.constant 0 : i32
    return %arg0, %c0_i32 : i32, i32
  }
  func.func @transform_3(%arg0: i32) -> (i32, i32) {
    %c0_i32 = arith.constant 0 : i32
    %c0_i32_0 = arith.constant 0 : i32
    %c0_i32_1 = arith.constant 0 : i32
    return %c0_i32, %c0_i32_0 : i32, i32
  }
  func.func @transform_4(%arg0: i32) -> (i32, i32) {
    %c0_i32 = arith.constant 0 : i32
    %c0_i32_0 = arith.constant 0 : i32
    return %arg0, %c0_i32 : i32, i32
  }
}

</mosaic_0001>

<sc_bundles>
// kernel: kernel.12.cloned.1.call-start
scs
__scs_entry_jumppad:
0x0: {  	(pc) =	sbr.rel $0x88, $3  }
0x1: {  	(tag) =	ssettag $0x0;
	lr =	simm.s32 $0x1  }
0x2: {  	[smem:$0x3F9B] =	sst lr;
	_ =	strace $0xD0000000  }
0x3: {  	_ = 	snop  }
0x4: {  	_ = 	snop  }
0x5: {  	_ = 	snop  }
0x6: {  	_ = 	snop  }
0x7: {  	_ = 	snop  }
__scs_overlays_trampoline_lowered:
0x8: {  	[smem:$0x3FAA] =	sst s0  }
0x9: {  	[smem:$0x3FAB] =	sst s1  }
0xa: {  	[smem:$0x3FAC] =	sst s2  }
0xb: {  	[smem:$0x3FAD] =	sst s3  }
0xc: {  	[smem:$0x3FAE] =	sst s4  }
0xd: {  	[smem:$0x3FAF] =	sst s5  }
0xe: {  	[smem:$0x3FB0] =	sst s6  }
0xf: {  	[smem:$0x3FB1] =	sst s7  }
0x10: {  	[smem:$0x3FB2] =	sst s8  }
0x11: {  	[smem:$0x3FB3] =	sst s9;
	s0 =	simm.s32 @!p0 $0x0  }
0x12: {  	s1 =	sld [smem:$0x3F99];
	s0 =	simm.s32 @p0 $0x1  }
0x13: {  	[smem:$0x3FB4] =	sst s0;
	s0 =	simm.s32 @!p1 $0x0  }
0x14: {  	s2 =	sld [smem:$0x3F98];
	s0 =	simm.s32 @p1 $0x1  }
0x15: {  	[smem:$0x3FB5] =	sst s0;
	s0 =	simm.s32 @!p2 $0x0  }
0x16: {  	s3 =	sld [smem:$0x3FDB];
	s0 =	simm.s32 @p2 $0x1  }
0x17: {  	s4 =	simm.s32 $0x1BF5;
	[smem:$0x3FB7] =	sst s0  }
0x18: {  	s0 =	sld [smem:$0x3F9A];
	_ =	swait.ge [sflag:s4], $0x0  }
0x19: {  	s7 =	sld [smem:$0x3F9B]  }
0x1a: {  	s8 =	sadd.s32 $0xFFFFE003, lr  }
0x1b: {  	s9 =	sadd.s32 $0xFFFFFEF7, lr;
	s5 =	simm.s32 $0xFFFFFFFF;
	p2 =	slt.u32 s8, $0xFFFFF086  }
0x1c: {  	p1 =	slt.u32 s9, $0xF7A;
	s5 =	simm.s32 @!p2 $0x0  }
0x1d: {  	s5 =	simm.s32 @p1 $0x1;
	p0 =	seq.s32 s7, s2  }
0x1e: {  	s7 =	smul.u32 @!p0 $0xF7A, s2;
	p2 =	seq.s32 @!p0 s5, $0x0  }
0x1f: {  	s9 =	smul.u32 $0xF7A, s1;
	s8 =	simm.s32 @!p0 $0x1BF5;
	p2 =	por !p2, p0  }
0x20: {  	[sflag:s8] =	ssyncset.s32 @!p0 $0xFFFFF086;
	s6 =	sadd.s32 @!p0 s3, s7;
	s7 =	simm.s32 @!p0 $0x108  }
0x21: {  	s3 =	sadd.s32 s3, s9;
	s6 =	sadd.s32 @!p0 $0x88, s6;
	s7 =	simm.s32 @p2 $0x1082  }
0x22: {  	[simem:s7], [sflag:s8] =	dma.local @!p0 [hbm:s6], $0xF7A  }
0x23: {  	s9 =	sor.u32 $0xD0000000, s2;
	s6 =	simm.s32 $0x108;
	_ =	swait.ge @!p0 [sflag:s8], $0x0  }
0x24: {  	s3 =	sadd.s32 $0x88, s3;
	s6 =	simm.s32 @!p1 $0x1082;
	[sflag:s4] =	ssyncset.s32 $0xFFFFF086  }
0x25: {  	[simem:s6], [sflag:s4] =	dma.local [hbm:s3], $0xF7A  }
0x26: {  	[smem:$0x3F9B] =	sst s1;
	(tag) =	ssettag s2;
	_ =	strace s9  }
0x27: {  	s1 =	sld [smem:$0x3FAB]  }
0x28: {  	s2 =	sld [smem:$0x3FAC]  }
0x29: {  	s4 =	sld [smem:$0x3FAE]  }
0x2a: {  	p0 =	seq.s32 s5, $0x0;
	s5 =	sld [smem:$0x3FAF]  }
0x2b: {  	s6 =	sld [smem:$0x3FB0]  }
0x2c: {  	s7 =	sld [smem:$0x3FB1]  }
0x2d: {  	s3 =	simm.s32 $0x108;
	s8 =	sld [smem:$0x3FB2]  }
0x2e: {  	s3 =	simm.s32 @!p0 $0x1082;
	s9 =	sld [smem:$0x3FB3]  }
0x2f: {  	lr =	sadd.s32 s0, s3;
	s0 =	sld [smem:$0x3FAA]  }
0x30: {  	s3 =	sld [smem:$0x3FAD]  }
0x31: {  	[smem:$0x3FB6] =	sst s10  }
0x32: {  	s10 =	sld [smem:$0x3FB4];
	_ =	sdelay $0x3  }
0x33: {  	p0 =	seq.s32 s10, $0x1;
	s10 =	sld [smem:$0x3FB6];
	_ =	sdelay $0x3  }
0x34: {  	[smem:$0x3FB6] =	sst s10  }
0x35: {  	s10 =	sld [smem:$0x3FB5];
	_ =	sdelay $0x3  }
0x36: {  	p1 =	seq.s32 s10, $0x1;
	s10 =	sld [smem:$0x3FB6];
	_ =	sdelay $0x3  }
0x37: {  	[smem:$0x3FB6] =	sst s10  }
0x38: {  	s10 =	sld [smem:$0x3FB7]  }
0x39: {  	_ = 	snop;
	(pc) =	sbr.ind lr, $3  }
0x3a: {  	_ = 	snop  }
0x3b: {  	_ = 	snop  }
0x3c: {  	p2 =	seq.s32 s10, $0x1;
	s10 =	sld [smem:$0x3FB6]  }
0x3d: {  	_ =	shalt  }
0x3e: {  	_ =	shalt  }
0x3f: {  	_ =	shalt  }
0x40: {  	_ =	shalt  }
0x41: {  	_ =	shalt  }
0x42: {  	_ =	shalt  }
0x43: {  	_ =	shalt  }
0x44: {  	_ =	shalt  }
0x45: {  	_ =	shalt  }
0x46: {  	_ =	shalt  }
0x47: {  	_ =	shalt  }
0x48: {  	_ =	shalt  }
0x49: {  	_ =	shalt  }
0x4a: {  	_ =	shalt  }
0x4b: {  	_ =	shalt  }
0x4c: {  	_ =	shalt  }
0x4d: {  	_ =	shalt  }
0x4e: {  	_ =	shalt  }
0x4f: {  	_ =	shalt  }
0x50: {  	_ =	shalt  }
0x51: {  	_ =	shalt  }
0x52: {  	_ =	shalt  }
0x53: {  	_ =	shalt  }
0x54: {  	_ =	shalt  }
0x55: {  	_ =	shalt  }
0x56: {  	_ =	shalt  }
0x57: {  	_ =	shalt  }
0x58: {  	_ =	shalt  }
0x59: {  	_ =	shalt  }
0x5a: {  	_ =	shalt  }
0x5b: {  	_ =	shalt  }
0x5c: {  	_ =	shalt  }
0x5d: {  	_ =	shalt  }
0x5e: {  	_ =	shalt  }
0x5f: {  	_ =	shalt  }
0x60: {  	_ =	shalt  }
0x61: {  	_ =	shalt  }
0x62: {  	_ =	shalt  }
0x63: {  	_ =	shalt  }
0x64: {  	_ =	shalt  }
0x65: {  	_ =	shalt  }
0x66: {  	_ =	shalt  }
0x67: {  	_ =	shalt  }
0x68: {  	_ =	shalt  }
0x69: {  	_ =	shalt  }
0x6a: {  	_ =	shalt  }
0x6b: {  	_ =	shalt  }
0x6c: {  	_ =	shalt  }
0x6d: {  	_ =	shalt  }
0x6e: {  	_ =	shalt  }
0x6f: {  	_ =	shalt  }
0x70: {  	_ =	shalt  }
0x71: {  	_ =	shalt  }
0x72: {  	_ =	shalt  }
0x73: {  	_ =	shalt  }
0x74: {  	_ =	shalt  }
0x75: {  	_ =	shalt  }
0x76: {  	_ =	shalt  }
0x77: {  	_ =	shalt  }
0x78: {  	_ =	shalt  }
0x79: {  	_ =	shalt  }
0x7a: {  	_ =	shalt  }
0x7b: {  	_ =	shalt  }
0x7c: {  	_ =	shalt  }
0x7d: {  	_ =	shalt  }
0x7e: {  	_ =	shalt  }
0x7f: {  	_ =	shalt  }
0x80: {  	_ =	shalt  }
0x81: {  	_ =	shalt  }
0x82: {  	_ =	shalt  }
0x83: {  	_ =	shalt  }
0x84: {  	_ =	shalt  }
0x85: {  	_ =	shalt  }
0x86: {  	_ =	shalt  }
0x87: {  	_ =	shalt  }
.Lfunc_end0:
.L_simem_size_0:
called_computation.1_lowered:
.L_overlay_start_0:
0x88: {  	s2 =	sld [smem:$0x3FD9]  }
0x89: {  	s3 =	sld [smem:$0x3FFE];
	_ =	sdelay $0x1  }
0x8a: {  	s1 =	srdreg.scid  }
0x8b: {  	s0 =	sand.u32 $0x1, s1  }
0x8c: {  	s17 =	sshll.u32 s0, $0xA;
	s2 =	sadd.s32 s3, s2  }
0x8d: {  	s2 =	sadd.s32 s2, s17  }
0x8e: {  	[smem:$0x3FC2] =	sst s2  }
0x8f: {  	_ = 	snop  }
0x90: {  	s18 =	sld [smem:$0x3FD0];
	(tm) =	ssettm $0x1  }
0x91: {  	s19 =	sld [smem:$0x3FFB];
	_ =	sdelay $0x3  }
0x92: {  	_ =	strace s19  }
0x93: {  	s2 =	sld [smem:$0x3FFC];
	_ =	sdelay $0x3  }
0x94: {  	_ =	strace s2  }
0x95: {  	s2 =	sld [smem:$0x3FFD];
	_ =	sdelay $0x3  }
0x96: {  	_ =	strace s2  }
0x97: {  	_ =	strace $0x8FFFFFFF  }
0x98: {  	s20 =	sld [smem:$0x3FDB];
	_ =	sdelay $0x1  }
0x99: {  	s4 =	simm.s32 $_scs_section_size  }
0x9a: {  	s5 =	simm.s32 $_size__tile_overlayer_lowered;
	s6 =	simm.s32 $_tile_overlayer_lowered  }
0x9b: {  	s7 =	simm.s32 $0x1BFF;
	s21 =	sshll.u32 s6, $0x1;
	s4 =	sadd.s32 s4, s20  }
0x9c: {  	s22 =	simm.s32 $0x0;
	s5 =	sshll.u32 s5, $0x1;
	s6 =	sadd.s32 s21, s4  }
0x9d: {  	[timem:s22], [sflag:s7] =	dma.local [hbm:s6], s5  }
0x9e: {  	_ =	swait.ge [sflag:s7], s5  }
0x9f: {  	s5 =	ssub.s32 $0x0, s5;
	[sflag:s7] =	ssyncset.done $0x0  }
0xa0: {  	[sflag:s7] =	ssyncadd.s32 s5;
	_ =	sdelay $0x1  }
0xa1: {  	s23 =	simm.s32 $0x1B8B  }
0xa2: {  	_ =	swait.ge [sflag:s23], $0x1  }
0xa3: {  	[sflag:s23] =	ssyncset.done $0x0  }
0xa4: {  	[sflag:s23] =	ssyncadd.s32 $0xFFFFFFFF  }
0xa5: {  	s5 =	sld [smem:$0x0]  }
0xa6: {  	s6 =	sand.u32 $0xFFFFFFFE, s1  }
0xa7: {  	p0 =	sne.s32 s1, s6  }
0xa8: {  	s6 =	sshll.u32 @p0 s6, $0xE  }
0xa9: {  	s6 =	sadd.s32 @p0 $0x11B8D, s6;
	s7 =	sshll.u32 @p0 s5, $0x11  }
0xaa: {  	s6 =	sor.u32 @p0 s7, s6  }
0xab: {  	[sflag:s6] =	ssyncadd.remote.s32 @p0 $0x1;
	_ =	sdelay $0x1  }
0xac: {  	s6 =	simm.s32 @p0 $0x1B8D  }
0xad: {  	_ =	swait.eq @p0 [sflag:s6], $0x1  }
0xae: {  	[sflag:s6] =	ssyncadd.s32 @p0 $0xFFFFFFFF  }
0xaf: {  	s7 =	sshll.u32 @!p0 s1, $0xE  }
0xb0: {  	s7 =	sor.u32 @!p0 $0x4000, s7;
	s6 =	simm.s32 @!p0 $0x1B8D  }
0xb1: {  	s5 =	sshll.u32 @!p0 s5, $0x11;
	s7 =	sadd.s32 @!p0 $0x11B8D, s7;
	_ =	swait.eq @!p0 [sflag:s6], $0x1  }
0xb2: {  	s5 =	sor.u32 @!p0 s5, s7;
	[sflag:s6] =	ssyncadd.s32 @!p0 $0xFFFFFFFF  }
0xb3: {  	s25 =	simm.s32 $0x1B8E;
	s24 =	sld [smem:$0x3FFE];
	[sflag:s5] =	ssyncadd.remote.s32 @!p0 $0x1  }
0xb4: {  	s26 =	simm.s32 $execute0_lowered;
	[smem:$0x3FD2] =	sst s25  }
0xb5: {  	s6 =	sshll.u32 s26, $0x1;
	_ =	strace $0x8000004C;
	[dreg:$0x1] =	wrdreg $0xFFFFFFFF  }
0xb6: {  	s28 =	simm.s32 $_size_execute0_lowered;
	s4 =	sadd.s32 s4, s6;
	[dreg:$0x0] =	wrdreg $0x0  }
0xb7: {  	s6 =	sshll.u32 s28, $0x1;
	[dreg:$0x2] =	wrdreg s4  }
0xb8: {  	[dreg:$0x3] =	wrdreg s6  }
0xb9: {  	[dreg:$0x4] =	wrdreg $0xC0  }
0xba: {  	_ =	task [dreg:s22], $0x5FFFF  }
0xbb: {  	[dreg:$0x1] =	wrdreg $0xFFFFFFFF  }
0xbc: {  	[dreg:$0x0] =	wrdreg $0x60  }
0xbd: {  	[dreg:$0x2] =	wrdreg s18  }
0xbe: {  	[dreg:$0x3] =	wrdreg s24  }
0xbf: {  	[dreg:$0x4] =	wrdreg $0xCD000  }
0xc0: {  	[dreg:$0x5] =	wrdreg $0x9  }
0xc1: {  	_ =	task.clear_ibuf [dreg:s22], $0x6FFFF;
	_ =	strace $0x9000004C  }
0xc2: {  	s29 =	simm.s32 $0x9;
	_ =	strace $0x8000004E  }
0xc3: {  	_ =	swait.ge [sflag:s29], $0x1  }
0xc4: {  	[sflag:s29] =	ssyncadd.s32 $0xFFFFFFFF  }
0xc5: {  	_ =	strace $0x9000004E  }
0xc6: {  	_ =	sfence  }
0xc7: {  	s30 =	sld [smem:$0x0];
	_ =	sdelay $0x2  }
0xc8: {  	s31 =	sshll.u32 s1, $0xD;
	s1 =	sshrl.u32 s1, $0x2  }
0xc9: {  	s4 =	sand.u32 $0x4000, s31;
	s1 =	sadd.s32 s1, s30  }
0xca: {  	s0 =	sor.u32 s4, s0;
	s1 =	sshll.u32 s1, $0x11  }
0xcb: {  	s0 =	sor.u32 s1, s0  }
0xcc: {  	s0 =	sadd.s32 $0x8F2B, s0  }
0xcd: {  	[sflag:s0] =	ssyncadd.remote.s32 $0x1  }
0xce: {  	_ =	sfence.sel $0xFFFF  }
0xcf: {  	[dreg:$0x0] =	wrdreg $0xFFFFFFFF;
	(pc) =	sbr.abs _section_cstart, $3  }
0xd0: {  	[dreg:$0x1] =	wrdreg $0xFFFFFFFF  }
0xd1: {  	_ =	task.clear_ibuf [dreg:s22], $0x2FFFF;
	_ =	strace $0x9FFFFFFF  }
0xd2: {  	(tm) =	ssettm $0x7FFFFFFF  }
0xd3: {  	_ =	shalt  }
tec
execute0_lowered:
.L_overlay_start_1:
0x0: {  	(tag) =	ssettag $0x1  }
0x1: {  	s1 =	rddreg [dreg:$0x0]  }
0x2: {  	s0 =	srdreg.scid;
	s5 =	rddreg [dreg:$0x1]  }
0x3: {  	s12 =	stileid.u32;
	s3 =	rddreg [dreg:$0x2];
	s4 =	simm.s32 $0x0  }
0x4: {  	s14 =	simm.s32 $0x7D;
	s15 =	simm.s32 $0x5000;
	s17 =	simm.s32 $0x6F40  }
0x5: {  	s19 =	simm.s32 $0x8E80;
	s21 =	simm.s32 $0xADC0;
	s22 =	simm.s32 $0x1  }
0x6: {  	s23 =	simm.s32 $0x2;
	s24 =	simm.s32 $0x3;
	s25 =	simm.s32 $0x4  }
0x7: {  	s13 =	simm.s32 $0x4D80;
	s16 =	simm.s32 $0x4E00;
	s18 =	simm.s32 $0x4E80  }
0x8: {  	s20 =	simm.s32 $0x4F00;
	s26 =	simm.s32 $0x4F80;
	s28 =	simm.s32 $0x0  }
0x9: {  	s0 =	sand.u32 $0x1, s0;
	s6 =	smul.u32 $0x9C40, s12;
	[smem:$0x7FF] =	sst s4  }
0xa: {  	s31 =	sshll.u32 s12, $0x6;
	s2 =	sshll.u32 s0, $0x4;
	s7 =	smul.u32 $0x9C400, s0  }
0xb: {  	_ =	strace $0x8000004D;
	s0 =	ssub.s32 $0x2, s0;
	s2 =	sor.u32 s12, s2  }
0xc: {  	s8 =	sshrl.u32 s6, $0x3;
	s9 =	sshrl.u32 s0, $0x1;
	s11 =	sadd.s32 s6, s3  }
0xd: {  	s12 =	simm.s32 $0x5;
	s2 =	smul.u32 $0x2800, s2;
	s7 =	sadd.s32 s6, s7  }
0xe: {  	s8 =	sadd.s32 s8, s5;
	s0 =	ssub.s32 s0, s9;
	s6 =	sor.u32 $0x1C05, s31  }
0xf: {  	s11 =	sshrl.u32 s11, $0x3;
	s7 =	sshrl.u32 s7, $0x3;
	s2 =	sshrl.u32 s2, $0x3  }
0x10: {  	s10 =	sadd.s32 s7, s5;
	s2 =	sadd.s32 s2, s5;
	s5 =	sadd.s32 $0x78A00, s8  }
0x11: {  	s9 =	sadd.s32 $0xB3600, s10;
	s10 =	smax.u32 s0, $0x1;
	s0 =	simm.s32 $0x2780  }
0x12: {  	s7 =	sadd.s32 $0x2E00, s2;
	s8 =	sadd.s32 $0xCE00, s2;
	s2 =	simm.s32 $0x4D00  }
.LBB2_1:
0x13: {  	[spmem:s11], [sflag:s6] =	dma.local [hbm:s5], $0x1388  }
0x14: {  	_ =	swait.ge [sflag:s12], $0x1388  }
0x15: {  	[sflag:s12] =	ssyncset.done $0x0  }
0x16: {  	[sflag:s12] =	ssyncadd.s32 $0xFFFFEC78  }
0x17: {  	[tilespmem:s4], [sflag:$0x5] =	stream.linear.gather [hbm4b:s7+s4], $0x2800, $0x38;
	[tilespmem:$0x16940] =	vst v63  }
0x18: {  	_ =	swait.ge [sflag:s12], $0x2800  }
0x19: {  	[sflag:s12] =	ssyncset.done $0x0  }
0x1a: {  	s29 =	simm.s32 $0x2800;
	[sflag:s12] =	ssyncadd.s32 $0xFFFFD800  }
0x1b: {  	[tilespmem:s29], [sflag:$0x5] =	stream.linear.gather [hbm4b:s8+s4], $0x2800, $0x38;
	[tilespmem:$0x16940] =	vst v63  }
0x1c: {  	_ =	swait.ge [sflag:s12], $0x2800  }
0x1d: {  	[sflag:s12] =	ssyncset.done $0x0  }
0x1e: {  	[sflag:s12] =	ssyncadd.s32 $0xFFFFD800  }
0x1f: {  	[bflag:$0x0] =	sbarrier.arrive $0xFFFF  }
0x20: {  	[tilespmem:s15], [sflag:$0x1] =	stream.indirect.gather [hbm4b:s1+s14], $0x40, s4, s14, $0xb8;
	[tilespmem:$0x16940] =	vst v63  }
0x21: {  	s29 =	simm.s32 $0x80  }
0x22: {  	[tilespmem:s17], [sflag:$0x2] =	stream.indirect.gather [hbm4b:s1+s14], $0x40, s29, s14, $0xb8;
	[tilespmem:$0x16940] =	vst v63  }
0x23: {  	s29 =	simm.s32 $0x100  }
0x24: {  	[tilespmem:s19], [sflag:$0x3] =	stream.indirect.gather [hbm4b:s1+s14], $0x40, s29, s14, $0xb8;
	[tilespmem:$0x16940] =	vst v63  }
0x25: {  	s29 =	simm.s32 $0x180  }
0x26: {  	[tilespmem:s21], [sflag:$0x4] =	stream.indirect.gather [hbm4b:s1+s14], $0x40, s29, s14, $0xb8;
	[tilespmem:$0x16940] =	vst v63  }
0x27: {  	_ =	swait.ge [sflag:s22], $0x1F40  }
0x28: {  	[sflag:s22] =	ssyncset.done $0x0  }
0x29: {  	s29 =	simm.s32 $0x200;
	[sflag:s22] =	ssyncadd.s32 $0xFFFFE0C0  }
0x2a: {  	[tilespmem:s15], [sflag:$0x1] =	stream.indirect.gather [hbm4b:s1+s14], $0x40, s29, s14, $0xb8;
	[tilespmem:$0x16940] =	vst v63  }
0x2b: {  	s29 =	simm.s32 $0x2800  }
0x2c: {  	[spmem:s3] =	stream.indirect.scatter.add.f32 [tilespmem:s15], [sflag:$0x5], $0x40, s29, s14, $0xb8;
	[tilespmem:$0x16940] =	vst v63  }
0x2d: {  	_ =	swait.ge [sflag:s12], $0x1F40  }
0x2e: {  	[sflag:s12] =	ssyncset.done $0x0  }
0x2f: {  	[sflag:s12] =	ssyncadd.s32 $0xFFFFE0C0  }
0x30: {  	_ =	swait.ge [sflag:s23], $0x1F40  }
0x31: {  	[sflag:s23] =	ssyncset.done $0x0  }
0x32: {  	s29 =	simm.s32 $0x280;
	[sflag:s23] =	ssyncadd.s32 $0xFFFFE0C0  }
0x33: {  	[tilespmem:s17], [sflag:$0x2] =	stream.indirect.gather [hbm4b:s1+s14], $0x40, s29, s14, $0xb8;
	[tilespmem:$0x16940] =	vst v63  }
0x34: {  	s29 =	simm.s32 $0x2880  }
0x35: {  	[spmem:s3] =	stream.indirect.scatter.add.f32 [tilespmem:s17], [sflag:$0x5], $0x40, s29, s14, $0xb8;
	[tilespmem:$0x16940] =	vst v63  }
0x36: {  	_ =	swait.ge [sflag:s12], $0x1F40  }
0x37: {  	[sflag:s12] =	ssyncset.done $0x0  }
0x38: {  	[sflag:s12] =	ssyncadd.s32 $0xFFFFE0C0  }
0x39: {  	_ =	swait.ge [sflag:s24], $0x1F40  }
0x3a: {  	[sflag:s24] =	ssyncset.done $0x0  }
0x3b: {  	s29 =	simm.s32 $0x300;
	[sflag:s24] =	ssyncadd.s32 $0xFFFFE0C0  }
0x3c: {  	[tilespmem:s19], [sflag:$0x3] =	stream.indirect.gather [hbm4b:s1+s14], $0x40, s29, s14, $0xb8;
	[tilespmem:$0x16940] =	vst v63  }
0x3d: {  	s29 =	simm.s32 $0x2900  }
0x3e: {  	[spmem:s3] =	stream.indirect.scatter.add.f32 [tilespmem:s19], [sflag:$0x5], $0x40, s29, s14, $0xb8;
	[tilespmem:$0x16940] =	vst v63  }
0x3f: {  	_ =	swait.ge [sflag:s12], $0x1F40  }
0x40: {  	[sflag:s12] =	ssyncset.done $0x0  }
0x41: {  	[sflag:s12] =	ssyncadd.s32 $0xFFFFE0C0  }
0x42: {  	_ =	swait.ge [sflag:s25], $0x1F40  }
0x43: {  	[sflag:s25] =	ssyncset.done $0x0  }
0x44: {  	s29 =	simm.s32 $0x380;
	[sflag:s25] =	ssyncadd.s32 $0xFFFFE0C0  }
0x45: {  	[tilespmem:s21], [sflag:$0x4] =	stream.indirect.gather [hbm4b:s1+s14], $0x40, s29, s14, $0xb8;
	[tilespmem:$0x16940] =	vst v63  }
0x46: {  	s29 =	simm.s32 $0x2980  }
0x47: {  	[spmem:s3] =	stream.indirect.scatter.add.f32 [tilespmem:s21], [sflag:$0x5], $0x40, s29, s14, $0xb8;
	[tilespmem:$0x16940] =	vst v63  }
0x48: {  	_ =	swait.ge [sflag:s12], $0x1F40  }
0x49: {  	s29 =	simm.s32 $0x800;
	[sflag:s12] =	ssyncset.done $0x0  }
.LBB2_2:
0x4a: {  	p0 =	sne.s32 s29, $0x8800  }
0x4b: {  	[sflag:s12] =	ssyncadd.s32 $0xFFFFE0C0;
	s30 =	smov.u32 s29;
	s29 =	sadd.s32 $0x800, s29  }
0x4c: {  	_ = 	snop  }
0x4d: {  	_ =	swait.ge [sflag:s22], $0x1F40  }
0x4e: {  	s30 =	sshra.s32 s30, $0x2;
	[sflag:s22] =	ssyncset.done $0x0  }
0x4f: {  	s31 =	sadd.s32 $0x200, s30;
	[sflag:s22] =	ssyncadd.s32 $0xFFFFE0C0  }
0x50: {  	[tilespmem:s15], [sflag:$0x1] =	stream.indirect.gather [hbm4b:s1+s14], $0x40, s31, s14, $0xb8;
	[tilespmem:$0x16940] =	vst v63  }
0x51: {  	s31 =	sadd.s32 $0x2800, s30  }
0x52: {  	[spmem:s3] =	stream.indirect.scatter.add.f32 [tilespmem:s15], [sflag:$0x5], $0x40, s31, s14, $0xb8;
	[tilespmem:$0x16940] =	vst v63  }
0x53: {  	_ =	swait.ge [sflag:s12], $0x1F40  }
0x54: {  	[sflag:s12] =	ssyncset.done $0x0  }
0x55: {  	[sflag:s12] =	ssyncadd.s32 $0xFFFFE0C0  }
0x56: {  	_ =	swait.ge [sflag:s23], $0x1F40  }
0x57: {  	[sflag:s23] =	ssyncset.done $0x0  }
0x58: {  	s31 =	sadd.s32 $0x280, s30;
	[sflag:s23] =	ssyncadd.s32 $0xFFFFE0C0  }
0x59: {  	[tilespmem:s17], [sflag:$0x2] =	stream.indirect.gather [hbm4b:s1+s14], $0x40, s31, s14, $0xb8;
	[tilespmem:$0x16940] =	vst v63  }
0x5a: {  	s31 =	sadd.s32 $0x2880, s30  }
0x5b: {  	[spmem:s3] =	stream.indirect.scatter.add.f32 [tilespmem:s17], [sflag:$0x5], $0x40, s31, s14, $0xb8;
	[tilespmem:$0x16940] =	vst v63  }
0x5c: {  	_ =	swait.ge [sflag:s12], $0x1F40  }
0x5d: {  	[sflag:s12] =	ssyncset.done $0x0  }
0x5e: {  	[sflag:s12] =	ssyncadd.s32 $0xFFFFE0C0  }
0x5f: {  	_ =	swait.ge [sflag:s24], $0x1F40  }
0x60: {  	[sflag:s24] =	ssyncset.done $0x0  }
0x61: {  	s31 =	sadd.s32 $0x300, s30;
	[sflag:s24] =	ssyncadd.s32 $0xFFFFE0C0  }
0x62: {  	[tilespmem:s19], [sflag:$0x3] =	stream.indirect.gather [hbm4b:s1+s14], $0x40, s31, s14, $0xb8;
	[tilespmem:$0x16940] =	vst v63  }
0x63: {  	s31 =	sadd.s32 $0x2900, s30  }
0x64: {  	[spmem:s3] =	stream.indirect.scatter.add.f32 [tilespmem:s19], [sflag:$0x5], $0x40, s31, s14, $0xb8;
	[tilespmem:$0x16940] =	vst v63  }
0x65: {  	_ =	swait.ge [sflag:s12], $0x1F40  }
0x66: {  	[sflag:s12] =	ssyncset.done $0x0  }
0x67: {  	[sflag:s12] =	ssyncadd.s32 $0xFFFFE0C0  }
0x68: {  	_ =	swait.ge [sflag:s25], $0x1F40  }
0x69: {  	[sflag:s25] =	ssyncset.done $0x0  }
0x6a: {  	s31 =	sadd.s32 $0x380, s30;
	[sflag:s25] =	ssyncadd.s32 $0xFFFFE0C0  }
0x6b: {  	[tilespmem:s21], [sflag:$0x4] =	stream.indirect.gather [hbm4b:s1+s14], $0x40, s31, s14, $0xb8;
	[tilespmem:$0x16940] =	vst v63  }
.Ltmp0:
0x6c: {  	_ = 	snop;
	(pc) =	sbr.rel @p0 .LBB2_2-.Ltmp0, $4  }
0x6d: {  	s30 =	sadd.s32 $0x2980, s30  }
0x6e: {  	[spmem:s3] =	stream.indirect.scatter.add.f32 [tilespmem:s21], [sflag:$0x5], $0x40, s30, s14, $0xb8;
	[tilespmem:$0x16940] =	vst v63  }
0x6f: {  	_ =	swait.ge [sflag:s12], $0x1F40  }
0x70: {  	[sflag:s12] =	ssyncset.done $0x0  }
0x71: {  	[sflag:s12] =	ssyncadd.s32 $0xFFFFE0C0  }
0x72: {  	_ =	swait.ge [sflag:s22], $0x1F40  }
0x73: {  	[sflag:s22] =	ssyncset.done $0x0  }
0x74: {  	s29 =	simm.s32 $0x2600;
	[sflag:s22] =	ssyncadd.s32 $0xFFFFE0C0  }
0x75: {  	[tilespmem:s15], [sflag:$0x1] =	stream.indirect.gather [hbm4b:s1+s14], $0x40, s29, s14, $0xb8;
	[tilespmem:$0x16940] =	vst v63  }
0x76: {  	s30 =	simm.s32 $0x4C00  }
0x77: {  	[spmem:s3] =	stream.indirect.scatter.add.f32 [tilespmem:s15], [sflag:$0x5], $0x40, s30, s14, $0xb8;
	[tilespmem:$0x16940] =	vst v63  }
0x78: {  	_ =	swait.ge [sflag:s12], $0x1F40  }
0x79: {  	[sflag:s12] =	ssyncset.done $0x0  }
0x7a: {  	[sflag:s12] =	ssyncadd.s32 $0xFFFFE0C0  }
0x7b: {  	_ =	swait.ge [sflag:s23], $0x1F40  }
0x7c: {  	[sflag:s23] =	ssyncset.done $0x0  }
0x7d: {  	s31 =	simm.s32 $0x2680;
	[sflag:s23] =	ssyncadd.s32 $0xFFFFE0C0  }
0x7e: {  	[tilespmem:s17], [sflag:$0x2] =	stream.indirect.gather [hbm4b:s1+s14], $0x40, s31, s14, $0xb8;
	[tilespmem:$0x16940] =	vst v63  }
0x7f: {  	s30 =	simm.s32 $0x4C80  }
0x80: {  	[spmem:s3] =	stream.indirect.scatter.add.f32 [tilespmem:s17], [sflag:$0x5], $0x40, s30, s14, $0xb8;
	[tilespmem:$0x16940] =	vst v63  }
0x81: {  	_ =	swait.ge [sflag:s12], $0x1F40  }
0x82: {  	[sflag:s12] =	ssyncset.done $0x0  }
0x83: {  	[sflag:s12] =	ssyncadd.s32 $0xFFFFE0C0  }
0x84: {  	_ =	swait.ge [sflag:s24], $0x1F40  }
0x85: {  	[sflag:s24] =	ssyncset.done $0x0  }
0x86: {  	s31 =	simm.s32 $0x2700;
	[sflag:s24] =	ssyncadd.s32 $0xFFFFE0C0  }
0x87: {  	[tilespmem:s19], [sflag:$0x3] =	stream.indirect.gather [hbm4b:s1+s14], $0x40, s31, s14, $0xb8;
	[tilespmem:$0x16940] =	vst v63  }
0x88: {  	_ = 	snop  }
0x89: {  	[spmem:s3] =	stream.indirect.scatter.add.f32 [tilespmem:s19], [sflag:$0x5], $0x40, s2, s14, $0xb8;
	[tilespmem:$0x16940] =	vst v63  }
0x8a: {  	_ =	swait.ge [sflag:s12], $0x1F40  }
0x8b: {  	[sflag:s12] =	ssyncset.done $0x0  }
0x8c: {  	[sflag:s12] =	ssyncadd.s32 $0xFFFFE0C0  }
0x8d: {  	_ =	swait.ge [sflag:s25], $0x1F40  }
0x8e: {  	[sflag:s25] =	ssyncset.done $0x0  }
0x8f: {  	[sflag:s25] =	ssyncadd.s32 $0xFFFFE0C0  }
0x90: {  	[tilespmem:s21], [sflag:$0x4] =	stream.indirect.gather [hbm4b:s1+s14], $0x40, s0, s14, $0xb8;
	[tilespmem:$0x16940] =	vst v63  }
0x91: {  	_ = 	snop  }
0x92: {  	[spmem:s3] =	stream.indirect.scatter.add.f32 [tilespmem:s21], [sflag:$0x5], $0x40, s13, s14, $0xb8;
	[tilespmem:$0x16940] =	vst v63  }
0x93: {  	_ =	swait.ge [sflag:s12], $0x1F40  }
0x94: {  	[sflag:s12] =	ssyncset.done $0x0  }
0x95: {  	[sflag:s12] =	ssyncadd.s32 $0xFFFFE0C0  }
0x96: {  	_ =	swait.ge [sflag:s22], $0x1F40  }
0x97: {  	[sflag:s22] =	ssyncset.done $0x0  }
0x98: {  	[sflag:s22] =	ssyncadd.s32 $0xFFFFE0C0  }
0x99: {  	[tilespmem:s15], [sflag:$0x1] =	stream.indirect.gather [hbm4b:s1+s14], $0x40, s0, s14, $0xb8;
	[tilespmem:$0x16940] =	vst v63  }
0x9a: {  	_ = 	snop  }
0x9b: {  	[spmem:s3] =	stream.indirect.scatter.add.f32 [tilespmem:s15], [sflag:$0x5], $0x40, s16, s14, $0xb8;
	[tilespmem:$0x16940] =	vst v63  }
0x9c: {  	_ =	swait.ge [sflag:s12], $0x1F40  }
0x9d: {  	[sflag:s12] =	ssyncset.done $0x0  }
0x9e: {  	[sflag:s12] =	ssyncadd.s32 $0xFFFFE0C0  }
0x9f: {  	_ =	swait.ge [sflag:s23], $0x1F40  }
0xa0: {  	[sflag:s23] =	ssyncset.done $0x0  }
0xa1: {  	[sflag:s23] =	ssyncadd.s32 $0xFFFFE0C0  }
0xa2: {  	[tilespmem:s17], [sflag:$0x2] =	stream.indirect.gather [hbm4b:s1+s14], $0x40, s0, s14, $0xb8;
	[tilespmem:$0x16940] =	vst v63  }
0xa3: {  	_ = 	snop  }
0xa4: {  	[spmem:s3] =	stream.indirect.scatter.add.f32 [tilespmem:s17], [sflag:$0x5], $0x40, s18, s14, $0xb8;
	[tilespmem:$0x16940] =	vst v63  }
0xa5: {  	_ =	swait.ge [sflag:s12], $0x1F40  }
0xa6: {  	[sflag:s12] =	ssyncset.done $0x0  }
0xa7: {  	[sflag:s12] =	ssyncadd.s32 $0xFFFFE0C0  }
0xa8: {  	_ =	swait.ge [sflag:s24], $0x1F40  }
0xa9: {  	[sflag:s24] =	ssyncset.done $0x0  }
0xaa: {  	[sflag:s24] =	ssyncadd.s32 $0xFFFFE0C0  }
0xab: {  	[tilespmem:s19], [sflag:$0x3] =	stream.indirect.gather [hbm4b:s1+s14], $0x40, s0, s14, $0xb8;
	[tilespmem:$0x16940] =	vst v63  }
0xac: {  	_ = 	snop  }
0xad: {  	[spmem:s3] =	stream.indirect.scatter.add.f32 [tilespmem:s19], [sflag:$0x5], $0x40, s20, s14, $0xb8;
	[tilespmem:$0x16940] =	vst v63  }
0xae: {  	_ =	swait.ge [sflag:s12], $0x1F40  }
0xaf: {  	[sflag:s12] =	ssyncset.done $0x0  }
0xb0: {  	[sflag:s12] =	ssyncadd.s32 $0xFFFFE0C0  }
0xb1: {  	_ =	swait.ge [sflag:s25], $0x1F40  }
0xb2: {  	[sflag:s25] =	ssyncset.done $0x0  }
0xb3: {  	[sflag:s25] =	ssyncadd.s32 $0xFFFFE0C0  }
0xb4: {  	[tilespmem:s21], [sflag:$0x4] =	stream.indirect.gather [hbm4b:s1+s14], $0x40, s0, s14, $0xb8;
	[tilespmem:$0x16940] =	vst v63  }
0xb5: {  	_ = 	snop  }
0xb6: {  	[spmem:s3] =	stream.indirect.scatter.add.f32 [tilespmem:s21], [sflag:$0x5], $0x40, s26, s14, $0xb8;
	[tilespmem:$0x16940] =	vst v63  }
0xb7: {  	_ =	swait.ge [sflag:s12], $0x1F40  }
0xb8: {  	[sflag:s12] =	ssyncset.done $0x0  }
0xb9: {  	[sflag:s12] =	ssyncadd.s32 $0xFFFFE0C0  }
0xba: {  	_ =	swait.ge [sflag:s22], $0x1F40  }
0xbb: {  	[sflag:s22] =	ssyncset.done $0x0  }
0xbc: {  	[sflag:s22] =	ssyncadd.s32 $0xFFFFE0C0  }
0xbd: {  	_ =	swait.ge [sflag:s23], $0x1F40  }
0xbe: {  	[sflag:s23] =	ssyncset.done $0x0  }
0xbf: {  	[sflag:s23] =	ssyncadd.s32 $0xFFFFE0C0  }
0xc0: {  	_ =	swait.ge [sflag:s24], $0x1F40  }
0xc1: {  	[sflag:s24] =	ssyncset.done $0x0  }
0xc2: {  	[sflag:s24] =	ssyncadd.s32 $0xFFFFE0C0  }
0xc3: {  	_ =	swait.ge [sflag:s25], $0x1F40  }
0xc4: {  	s28 =	sadd.s32 $0x1, s28;
	[sflag:s25] =	ssyncset.done $0x0  }
0xc5: {  	p0 =	sne.s32 s28, s10;
	[sflag:s25] =	ssyncadd.s32 $0xFFFFE0C0  }
.Ltmp1:
0xc6: {  	[bflag:$0x0] =	sbarrier.arrive $0xFFFF;
	(pc) =	sbr.rel @p0 .LBB2_1-.Ltmp1, $4  }
0xc7: {  	[hbm:s9], [sflag:s6] =	dma.local [spmem:s11], $0x1388  }
0xc8: {  	_ =	swait.ge [sflag:s12], $0x1388  }
0xc9: {  	[sflag:s12] =	ssyncset.done $0x0  }
0xca: {  	[sflag:s12] =	ssyncadd.s32 $0xFFFFEC78  }
0xcb: {  	_ =	sfence.sel $0x180000  }
0xcc: {  	[bflag:$0x0] =	sbarrier.arrive $0xFFFF  }
0xcd: {  	_ =	strace $0x9000004D  }
0xce: {  	s0 =	stileid.u32;
	[bflag:$0x2] =	sbarrier.arrive $0xFFFF  }
0xcf: {  	p0 =	sne.s32 s0, $0x0;
	s0 =	rddreg [dreg:$0x3]  }
0xd0: {  	s0 =	sadd.s32 @!p0 $0x100000, s0  }
0xd1: {  	[sflag:s0] =	ssyncadd.tile.s32 @!p0 $0x1;
	_ =	shalt  }
.Lfunc_end2:
_tile_overlayer_lowered:
.L_overlay_start_2:
0xd2: {  	(tag) =	ssettag $0x2  }
0xd3: {  	s0 =	rddreg [dreg:$0x0];
	s2 =	stileid.u32  }
0xd4: {  	s1 =	rddreg [dreg:$0x1];
	p0 =	sne.s32 s2, $0x0  }
0xd5: {  	s3 =	rddreg [dreg:$0x2];
	[bflag:$0x3] =	sbarrier.arrive $0xFFFF;
	s2 =	simm.s32 @!p0 $0x1C05  }
0xd6: {  	[timem:s3], [sflag:s2] =	dma.local @!p0 [hbm:s0], s1  }
0xd7: {  	s0 =	simm.s32 @!p0 $0x5  }
0xd8: {  	_ =	swait.ge @!p0 [sflag:s0], s1  }
0xd9: {  	s1 =	ssub.s32 @!p0 $0x0, s1;
	[sflag:s0] =	ssyncset.done @!p0 $0x0  }
0xda: {  	[sflag:s0] =	ssyncadd.s32 @!p0 s1  }
0xdb: {  	[bflag:$0x3] =	sbarrier.arrive $0xFFFF  }
0xdc: {  	_ =	shalt  }

// kernel: kernel.15.cloned.1.call-start
scs
__scs_entry_jumppad:
0x0: {  	(pc) =	sbr.rel $0x88, $3  }
0x1: {  	(tag) =	ssettag $0x0;
	lr =	simm.s32 $0x1  }
0x2: {  	[smem:$0x3F9B] =	sst lr;
	_ =	strace $0xD0000000  }
0x3: {  	_ = 	snop  }
0x4: {  	_ = 	snop  }
0x5: {  	_ = 	snop  }
0x6: {  	_ = 	snop  }
0x7: {  	_ = 	snop  }
__scs_overlays_trampoline_lowered:
0x8: {  	[smem:$0x3FAA] =	sst s0  }
0x9: {  	[smem:$0x3FAB] =	sst s1  }
0xa: {  	[smem:$0x3FAC] =	sst s2  }
0xb: {  	[smem:$0x3FAD] =	sst s3  }
0xc: {  	[smem:$0x3FAE] =	sst s4  }
0xd: {  	[smem:$0x3FAF] =	sst s5  }
0xe: {  	[smem:$0x3FB0] =	sst s6  }
0xf: {  	[smem:$0x3FB1] =	sst s7  }
0x10: {  	[smem:$0x3FB2] =	sst s8  }
0x11: {  	[smem:$0x3FB3] =	sst s9;
	s0 =	simm.s32 @!p0 $0x0  }
0x12: {  	s1 =	sld [smem:$0x3F99];
	s0 =	simm.s32 @p0 $0x1  }
0x13: {  	[smem:$0x3FB4] =	sst s0;
	s0 =	simm.s32 @!p1 $0x0  }
0x14: {  	s2 =	sld [smem:$0x3F98];
	s0 =	simm.s32 @p1 $0x1  }
0x15: {  	[smem:$0x3FB5] =	sst s0;
	s0 =	simm.s32 @!p2 $0x0  }
0x16: {  	s3 =	sld [smem:$0x3FDB];
	s0 =	simm.s32 @p2 $0x1  }
0x17: {  	s4 =	simm.s32 $0x1BF5;
	[smem:$0x3FB7] =	sst s0  }
0x18: {  	s0 =	sld [smem:$0x3F9A];
	_ =	swait.ge [sflag:s4], $0x0  }
0x19: {  	s7 =	sld [smem:$0x3F9B]  }
0x1a: {  	s8 =	sadd.s32 $0xFFFFE003, lr  }
0x1b: {  	s9 =	sadd.s32 $0xFFFFFEF7, lr;
	s5 =	simm.s32 $0xFFFFFFFF;
	p2 =	slt.u32 s8, $0xFFFFF086  }
0x1c: {  	p1 =	slt.u32 s9, $0xF7A;
	s5 =	simm.s32 @!p2 $0x0  }
0x1d: {  	s5 =	simm.s32 @p1 $0x1;
	p0 =	seq.s32 s7, s2  }
0x1e: {  	s7 =	smul.u32 @!p0 $0xF7A, s2;
	p2 =	seq.s32 @!p0 s5, $0x0  }
0x1f: {  	s9 =	smul.u32 $0xF7A, s1;
	s8 =	simm.s32 @!p0 $0x1BF5;
	p2 =	por !p2, p0  }
0x20: {  	[sflag:s8] =	ssyncset.s32 @!p0 $0xFFFFF086;
	s6 =	sadd.s32 @!p0 s3, s7;
	s7 =	simm.s32 @!p0 $0x108  }
0x21: {  	s3 =	sadd.s32 s3, s9;
	s6 =	sadd.s32 @!p0 $0x88, s6;
	s7 =	simm.s32 @p2 $0x1082  }
0x22: {  	[simem:s7], [sflag:s8] =	dma.local @!p0 [hbm:s6], $0xF7A  }
0x23: {  	s9 =	sor.u32 $0xD0000000, s2;
	s6 =	simm.s32 $0x108;
	_ =	swait.ge @!p0 [sflag:s8], $0x0  }
0x24: {  	s3 =	sadd.s32 $0x88, s3;
	s6 =	simm.s32 @!p1 $0x1082;
	[sflag:s4] =	ssyncset.s32 $0xFFFFF086  }
0x25: {  	[simem:s6], [sflag:s4] =	dma.local [hbm:s3], $0xF7A  }
0x26: {  	[smem:$0x3F9B] =	sst s1;
	(tag) =	ssettag s2;
	_ =	strace s9  }
0x27: {  	s1 =	sld [smem:$0x3FAB]  }
0x28: {  	s2 =	sld [smem:$0x3FAC]  }
0x29: {  	s4 =	sld [smem:$0x3FAE]  }
0x2a: {  	p0 =	seq.s32 s5, $0x0;
	s5 =	sld [smem:$0x3FAF]  }
0x2b: {  	s6 =	sld [smem:$0x3FB0]  }
0x2c: {  	s7 =	sld [smem:$0x3FB1]  }
0x2d: {  	s3 =	simm.s32 $0x108;
	s8 =	sld [smem:$0x3FB2]  }
0x2e: {  	s3 =	simm.s32 @!p0 $0x1082;
	s9 =	sld [smem:$0x3FB3]  }
0x2f: {  	lr =	sadd.s32 s0, s3;
	s0 =	sld [smem:$0x3FAA]  }
0x30: {  	s3 =	sld [smem:$0x3FAD]  }
0x31: {  	[smem:$0x3FB6] =	sst s10  }
0x32: {  	s10 =	sld [smem:$0x3FB4];
	_ =	sdelay $0x3  }
0x33: {  	p0 =	seq.s32 s10, $0x1;
	s10 =	sld [smem:$0x3FB6];
	_ =	sdelay $0x3  }
0x34: {  	[smem:$0x3FB6] =	sst s10  }
0x35: {  	s10 =	sld [smem:$0x3FB5];
	_ =	sdelay $0x3  }
0x36: {  	p1 =	seq.s32 s10, $0x1;
	s10 =	sld [smem:$0x3FB6];
	_ =	sdelay $0x3  }
0x37: {  	[smem:$0x3FB6] =	sst s10  }
0x38: {  	s10 =	sld [smem:$0x3FB7]  }
0x39: {  	_ = 	snop;
	(pc) =	sbr.ind lr, $3  }
0x3a: {  	_ = 	snop  }
0x3b: {  	_ = 	snop  }
0x3c: {  	p2 =	seq.s32 s10, $0x1;
	s10 =	sld [smem:$0x3FB6]  }
0x3d: {  	_ =	shalt  }
0x3e: {  	_ =	shalt  }
0x3f: {  	_ =	shalt  }
0x40: {  	_ =	shalt  }
0x41: {  	_ =	shalt  }
0x42: {  	_ =	shalt  }
0x43: {  	_ =	shalt  }
0x44: {  	_ =	shalt  }
0x45: {  	_ =	shalt  }
0x46: {  	_ =	shalt  }
0x47: {  	_ =	shalt  }
0x48: {  	_ =	shalt  }
0x49: {  	_ =	shalt  }
0x4a: {  	_ =	shalt  }
0x4b: {  	_ =	shalt  }
0x4c: {  	_ =	shalt  }
0x4d: {  	_ =	shalt  }
0x4e: {  	_ =	shalt  }
0x4f: {  	_ =	shalt  }
0x50: {  	_ =	shalt  }
0x51: {  	_ =	shalt  }
0x52: {  	_ =	shalt  }
0x53: {  	_ =	shalt  }
0x54: {  	_ =	shalt  }
0x55: {  	_ =	shalt  }
0x56: {  	_ =	shalt  }
0x57: {  	_ =	shalt  }
0x58: {  	_ =	shalt  }
0x59: {  	_ =	shalt  }
0x5a: {  	_ =	shalt  }
0x5b: {  	_ =	shalt  }
0x5c: {  	_ =	shalt  }
0x5d: {  	_ =	shalt  }
0x5e: {  	_ =	shalt  }
0x5f: {  	_ =	shalt  }
0x60: {  	_ =	shalt  }
0x61: {  	_ =	shalt  }
0x62: {  	_ =	shalt  }
0x63: {  	_ =	shalt  }
0x64: {  	_ =	shalt  }
0x65: {  	_ =	shalt  }
0x66: {  	_ =	shalt  }
0x67: {  	_ =	shalt  }
0x68: {  	_ =	shalt  }
0x69: {  	_ =	shalt  }
0x6a: {  	_ =	shalt  }
0x6b: {  	_ =	shalt  }
0x6c: {  	_ =	shalt  }
0x6d: {  	_ =	shalt  }
0x6e: {  	_ =	shalt  }
0x6f: {  	_ =	shalt  }
0x70: {  	_ =	shalt  }
0x71: {  	_ =	shalt  }
0x72: {  	_ =	shalt  }
0x73: {  	_ =	shalt  }
0x74: {  	_ =	shalt  }
0x75: {  	_ =	shalt  }
0x76: {  	_ =	shalt  }
0x77: {  	_ =	shalt  }
0x78: {  	_ =	shalt  }
0x79: {  	_ =	shalt  }
0x7a: {  	_ =	shalt  }
0x7b: {  	_ =	shalt  }
0x7c: {  	_ =	shalt  }
0x7d: {  	_ =	shalt  }
0x7e: {  	_ =	shalt  }
0x7f: {  	_ =	shalt  }
0x80: {  	_ =	shalt  }
0x81: {  	_ =	shalt  }
0x82: {  	_ =	shalt  }
0x83: {  	_ =	shalt  }
0x84: {  	_ =	shalt  }
0x85: {  	_ =	shalt  }
0x86: {  	_ =	shalt  }
0x87: {  	_ =	shalt  }
.Lfunc_end0:
.L_simem_size_0:
called_computation.2_lowered:
.L_overlay_start_0:
0x88: {  	s2 =	sld [smem:$0x3FD9]  }
0x89: {  	s3 =	sld [smem:$0x3FFE];
	_ =	sdelay $0x1  }
0x8a: {  	s1 =	srdreg.scid  }
0x8b: {  	s0 =	sand.u32 $0x1, s1  }
0x8c: {  	s16 =	sshll.u32 s0, $0xA;
	s2 =	sadd.s32 s3, s2  }
0x8d: {  	s2 =	sadd.s32 s2, s16  }
0x8e: {  	[smem:$0x3FC2] =	sst s2  }
0x8f: {  	_ = 	snop  }
0x90: {  	(tm) =	ssettm $0x1  }
0x91: {  	s17 =	sld [smem:$0x3FFB];
	_ =	sdelay $0x3  }
0x92: {  	_ =	strace s17  }
0x93: {  	s2 =	sld [smem:$0x3FFC];
	_ =	sdelay $0x3  }
0x94: {  	_ =	strace s2  }
0x95: {  	s2 =	sld [smem:$0x3FFD];
	_ =	sdelay $0x3  }
0x96: {  	_ =	strace s2  }
0x97: {  	_ =	strace $0x8FFFFFFF  }
0x98: {  	s18 =	sld [smem:$0x3FDB];
	_ =	sdelay $0x1  }
0x99: {  	s19 =	simm.s32 $_scs_section_size  }
0x9a: {  	s4 =	simm.s32 $_size__tile_overlayer_lowered;
	s5 =	simm.s32 $_tile_overlayer_lowered  }
0x9b: {  	s22 =	simm.s32 $0x1BFF;
	s21 =	sshll.u32 s5, $0x1;
	s2 =	sadd.s32 s19, s18  }
0x9c: {  	s6 =	simm.s32 $0x0;
	s20 =	sshll.u32 s4, $0x1;
	s4 =	sadd.s32 s21, s2  }
0x9d: {  	[timem:s6], [sflag:s22] =	dma.local [hbm:s4], s20  }
0x9e: {  	_ =	swait.ge [sflag:s22], s20  }
0x9f: {  	s3 =	ssub.s32 $0x0, s20;
	[sflag:s22] =	ssyncset.done $0x0  }
0xa0: {  	[sflag:s22] =	ssyncadd.s32 s3;
	_ =	sdelay $0x1  }
0xa1: {  	s23 =	simm.s32 $0x1B8B  }
0xa2: {  	_ =	swait.ge [sflag:s23], $0x1  }
0xa3: {  	[sflag:s23] =	ssyncset.done $0x0  }
0xa4: {  	s25 =	simm.s32 $0x1B8E;
	s24 =	sld [smem:$0x3FFE];
	[sflag:s23] =	ssyncadd.s32 $0xFFFFFFFF  }
0xa5: {  	s26 =	simm.s32 $execute0_lowered;
	[smem:$0x3FD2] =	sst s25  }
0xa6: {  	s4 =	sshll.u32 s26, $0x1;
	_ =	strace $0x80000049;
	[dreg:$0x1] =	wrdreg $0xFFFFFFFF  }
0xa7: {  	s28 =	simm.s32 $_size_execute0_lowered;
	s2 =	sadd.s32 s2, s4;
	[dreg:$0x0] =	wrdreg $0x0  }
0xa8: {  	s4 =	sshll.u32 s28, $0x1;
	[dreg:$0x2] =	wrdreg s2  }
0xa9: {  	[dreg:$0x3] =	wrdreg s4  }
0xaa: {  	[dreg:$0x4] =	wrdreg $0xC0  }
0xab: {  	_ =	task [dreg:s6], $0x5FFFF  }
0xac: {  	[dreg:$0x1] =	wrdreg $0xFFFFFFFF  }
0xad: {  	[dreg:$0x0] =	wrdreg $0x60  }
0xae: {  	[dreg:$0x2] =	wrdreg s24  }
0xaf: {  	[dreg:$0x3] =	wrdreg $0xCD000  }
0xb0: {  	[dreg:$0x4] =	wrdreg $0xA  }
0xb1: {  	_ =	task.clear_ibuf [dreg:s6], $0x5FFFF;
	_ =	strace $0x90000049  }
0xb2: {  	s29 =	simm.s32 $0xA;
	_ =	strace $0x8000004B  }
0xb3: {  	_ =	swait.ge [sflag:s29], $0x1  }
0xb4: {  	[sflag:s29] =	ssyncadd.s32 $0xFFFFFFFF  }
0xb5: {  	_ =	strace $0x9000004B  }
0xb6: {  	_ =	sfence  }
0xb7: {  	s30 =	sld [smem:$0x0];
	_ =	sdelay $0x2  }
0xb8: {  	s31 =	sshll.u32 s1, $0xD;
	s1 =	sshrl.u32 s1, $0x2  }
0xb9: {  	s3 =	sand.u32 $0x4000, s31;
	s1 =	sadd.s32 s1, s30  }
0xba: {  	s0 =	sor.u32 s3, s0;
	s1 =	sshll.u32 s1, $0x11  }
0xbb: {  	s0 =	sor.u32 s1, s0  }
0xbc: {  	s0 =	sadd.s32 $0x8F2B, s0  }
0xbd: {  	[sflag:s0] =	ssyncadd.remote.s32 $0x1  }
0xbe: {  	_ =	sfence.sel $0xFFFF  }
0xbf: {  	[dreg:$0x0] =	wrdreg $0xFFFFFFFF;
	(pc) =	sbr.abs _section_cstart, $3  }
0xc0: {  	[dreg:$0x1] =	wrdreg $0xFFFFFFFF  }
0xc1: {  	_ =	task.clear_ibuf [dreg:s6], $0x2FFFF;
	_ =	strace $0x9FFFFFFF  }
0xc2: {  	(tm) =	ssettm $0x7FFFFFFF  }
0xc3: {  	_ =	shalt  }
tec
execute0_lowered:
.L_overlay_start_1:
0x0: {  	(tag) =	ssettag $0x1  }
0x1: {  	s0 =	srdreg.scid  }
0x2: {  	s12 =	stileid.u32;
	s5 =	rddreg [dreg:$0x0]  }
0x3: {  	s2 =	rddreg [dreg:$0x1];
	s3 =	simm.s32 $0x0;
	s14 =	simm.s32 $0x7D  }
0x4: {  	s15 =	simm.s32 $0x5000;
	s17 =	simm.s32 $0x6F40;
	s19 =	simm.s32 $0x8E80  }
0x5: {  	s21 =	simm.s32 $0xADC0;
	s22 =	simm.s32 $0x1;
	s23 =	simm.s32 $0x2  }
0x6: {  	s24 =	simm.s32 $0x3;
	s25 =	simm.s32 $0x4;
	s13 =	simm.s32 $0x4D80  }
0x7: {  	s16 =	simm.s32 $0x4E00;
	s18 =	simm.s32 $0x4E80;
	s20 =	simm.s32 $0x4F00  }
0x8: {  	s26 =	simm.s32 $0x4F80;
	s28 =	simm.s32 $0x0;
	s0 =	sand.u32 $0x1, s0  }
0x9: {  	s6 =	smul.u32 $0x9C40, s12;
	[smem:$0x7FF] =	sst s3;
	s4 =	sadd.s32 $0x65000, s5  }
0xa: {  	s31 =	sshll.u32 s12, $0x6;
	s1 =	sshll.u32 s0, $0x4;
	s7 =	smul.u32 $0x9C400, s0  }
0xb: {  	_ =	strace $0x8000004A;
	s0 =	ssub.s32 $0x2, s0;
	s1 =	sor.u32 s12, s1  }
0xc: {  	s8 =	sshrl.u32 s6, $0x3;
	s9 =	sshrl.u32 s0, $0x1;
	s11 =	sadd.s32 s6, s2  }
0xd: {  	s12 =	simm.s32 $0x5;
	s1 =	smul.u32 $0x2800, s1;
	s7 =	sadd.s32 s6, s7  }
0xe: {  	s8 =	sadd.s32 s8, s5;
	s0 =	ssub.s32 s0, s9;
	s6 =	sor.u32 $0x1C05, s31  }
0xf: {  	s11 =	sshrl.u32 s11, $0x3;
	s7 =	sshrl.u32 s7, $0x3;
	s1 =	sshrl.u32 s1, $0x3  }
0x10: {  	s10 =	sadd.s32 s7, s5;
	s1 =	sadd.s32 s1, s5;
	s5 =	sadd.s32 $0x78A00, s8  }
0x11: {  	s9 =	sadd.s32 $0x8C400, s10;
	s10 =	smax.u32 s0, $0x1;
	s0 =	simm.s32 $0x2780  }
0x12: {  	s7 =	sadd.s32 $0x2E00, s1;
	s8 =	sadd.s32 $0xCE00, s1;
	s1 =	simm.s32 $0x4D00  }
.LBB2_1:
0x13: {  	[spmem:s11], [sflag:s6] =	dma.local [hbm:s5], $0x1388  }
0x14: {  	_ =	swait.ge [sflag:s12], $0x1388  }
0x15: {  	[sflag:s12] =	ssyncset.done $0x0  }
0x16: {  	[sflag:s12] =	ssyncadd.s32 $0xFFFFEC78  }
0x17: {  	[tilespmem:s3], [sflag:$0x5] =	stream.linear.gather [hbm4b:s7+s3], $0x2800, $0x38;
	[tilespmem:$0x16940] =	vst v63  }
0x18: {  	_ =	swait.ge [sflag:s12], $0x2800  }
0x19: {  	[sflag:s12] =	ssyncset.done $0x0  }
0x1a: {  	s29 =	simm.s32 $0x2800;
	[sflag:s12] =	ssyncadd.s32 $0xFFFFD800  }
0x1b: {  	[tilespmem:s29], [sflag:$0x5] =	stream.linear.gather [hbm4b:s8+s3], $0x2800, $0x38;
	[tilespmem:$0x16940] =	vst v63  }
0x1c: {  	_ =	swait.ge [sflag:s12], $0x2800  }
0x1d: {  	[sflag:s12] =	ssyncset.done $0x0  }
0x1e: {  	[sflag:s12] =	ssyncadd.s32 $0xFFFFD800  }
0x1f: {  	[bflag:$0x0] =	sbarrier.arrive $0xFFFF  }
0x20: {  	[tilespmem:s15], [sflag:$0x1] =	stream.indirect.gather [hbm4b:s4+s14], $0x40, s3, s14, $0xb8;
	[tilespmem:$0x16940] =	vst v63  }
0x21: {  	s29 =	simm.s32 $0x80  }
0x22: {  	[tilespmem:s17], [sflag:$0x2] =	stream.indirect.gather [hbm4b:s4+s14], $0x40, s29, s14, $0xb8;
	[tilespmem:$0x16940] =	vst v63  }
0x23: {  	s29 =	simm.s32 $0x100  }
0x24: {  	[tilespmem:s19], [sflag:$0x3] =	stream.indirect.gather [hbm4b:s4+s14], $0x40, s29, s14, $0xb8;
	[tilespmem:$0x16940] =	vst v63  }
0x25: {  	s29 =	simm.s32 $0x180  }
0x26: {  	[tilespmem:s21], [sflag:$0x4] =	stream.indirect.gather [hbm4b:s4+s14], $0x40, s29, s14, $0xb8;
	[tilespmem:$0x16940] =	vst v63  }
0x27: {  	_ =	swait.ge [sflag:s22], $0x1F40  }
0x28: {  	[sflag:s22] =	ssyncset.done $0x0  }
0x29: {  	s29 =	simm.s32 $0x200;
	[sflag:s22] =	ssyncadd.s32 $0xFFFFE0C0  }
0x2a: {  	[tilespmem:s15], [sflag:$0x1] =	stream.indirect.gather [hbm4b:s4+s14], $0x40, s29, s14, $0xb8;
	[tilespmem:$0x16940] =	vst v63  }
0x2b: {  	s29 =	simm.s32 $0x2800  }
0x2c: {  	[spmem:s2] =	stream.indirect.scatter.add.f32 [tilespmem:s15], [sflag:$0x5], $0x40, s29, s14, $0xb8;
	[tilespmem:$0x16940] =	vst v63  }
0x2d: {  	_ =	swait.ge [sflag:s12], $0x1F40  }
0x2e: {  	[sflag:s12] =	ssyncset.done $0x0  }
0x2f: {  	[sflag:s12] =	ssyncadd.s32 $0xFFFFE0C0  }
0x30: {  	_ =	swait.ge [sflag:s23], $0x1F40  }
0x31: {  	[sflag:s23] =	ssyncset.done $0x0  }
0x32: {  	s29 =	simm.s32 $0x280;
	[sflag:s23] =	ssyncadd.s32 $0xFFFFE0C0  }
0x33: {  	[tilespmem:s17], [sflag:$0x2] =	stream.indirect.gather [hbm4b:s4+s14], $0x40, s29, s14, $0xb8;
	[tilespmem:$0x16940] =	vst v63  }
0x34: {  	s29 =	simm.s32 $0x2880  }
0x35: {  	[spmem:s2] =	stream.indirect.scatter.add.f32 [tilespmem:s17], [sflag:$0x5], $0x40, s29, s14, $0xb8;
	[tilespmem:$0x16940] =	vst v63  }
0x36: {  	_ =	swait.ge [sflag:s12], $0x1F40  }
0x37: {  	[sflag:s12] =	ssyncset.done $0x0  }
0x38: {  	[sflag:s12] =	ssyncadd.s32 $0xFFFFE0C0  }
0x39: {  	_ =	swait.ge [sflag:s24], $0x1F40  }
0x3a: {  	[sflag:s24] =	ssyncset.done $0x0  }
0x3b: {  	s29 =	simm.s32 $0x300;
	[sflag:s24] =	ssyncadd.s32 $0xFFFFE0C0  }
0x3c: {  	[tilespmem:s19], [sflag:$0x3] =	stream.indirect.gather [hbm4b:s4+s14], $0x40, s29, s14, $0xb8;
	[tilespmem:$0x16940] =	vst v63  }
0x3d: {  	s29 =	simm.s32 $0x2900  }
0x3e: {  	[spmem:s2] =	stream.indirect.scatter.add.f32 [tilespmem:s19], [sflag:$0x5], $0x40, s29, s14, $0xb8;
	[tilespmem:$0x16940] =	vst v63  }
0x3f: {  	_ =	swait.ge [sflag:s12], $0x1F40  }
0x40: {  	[sflag:s12] =	ssyncset.done $0x0  }
0x41: {  	[sflag:s12] =	ssyncadd.s32 $0xFFFFE0C0  }
0x42: {  	_ =	swait.ge [sflag:s25], $0x1F40  }
0x43: {  	[sflag:s25] =	ssyncset.done $0x0  }
0x44: {  	s29 =	simm.s32 $0x380;
	[sflag:s25] =	ssyncadd.s32 $0xFFFFE0C0  }
0x45: {  	[tilespmem:s21], [sflag:$0x4] =	stream.indirect.gather [hbm4b:s4+s14], $0x40, s29, s14, $0xb8;
	[tilespmem:$0x16940] =	vst v63  }
0x46: {  	s29 =	simm.s32 $0x2980  }
0x47: {  	[spmem:s2] =	stream.indirect.scatter.add.f32 [tilespmem:s21], [sflag:$0x5], $0x40, s29, s14, $0xb8;
	[tilespmem:$0x16940] =	vst v63  }
0x48: {  	_ =	swait.ge [sflag:s12], $0x1F40  }
0x49: {  	s29 =	simm.s32 $0x800;
	[sflag:s12] =	ssyncset.done $0x0  }
.LBB2_2:
0x4a: {  	p0 =	sne.s32 s29, $0x8800  }
0x4b: {  	[sflag:s12] =	ssyncadd.s32 $0xFFFFE0C0;
	s30 =	smov.u32 s29;
	s29 =	sadd.s32 $0x800, s29  }
0x4c: {  	_ = 	snop  }
0x4d: {  	_ =	swait.ge [sflag:s22], $0x1F40  }
0x4e: {  	s30 =	sshra.s32 s30, $0x2;
	[sflag:s22] =	ssyncset.done $0x0  }
0x4f: {  	s31 =	sadd.s32 $0x200, s30;
	[sflag:s22] =	ssyncadd.s32 $0xFFFFE0C0  }
0x50: {  	[tilespmem:s15], [sflag:$0x1] =	stream.indirect.gather [hbm4b:s4+s14], $0x40, s31, s14, $0xb8;
	[tilespmem:$0x16940] =	vst v63  }
0x51: {  	s31 =	sadd.s32 $0x2800, s30  }
0x52: {  	[spmem:s2] =	stream.indirect.scatter.add.f32 [tilespmem:s15], [sflag:$0x5], $0x40, s31, s14, $0xb8;
	[tilespmem:$0x16940] =	vst v63  }
0x53: {  	_ =	swait.ge [sflag:s12], $0x1F40  }
0x54: {  	[sflag:s12] =	ssyncset.done $0x0  }
0x55: {  	[sflag:s12] =	ssyncadd.s32 $0xFFFFE0C0  }
0x56: {  	_ =	swait.ge [sflag:s23], $0x1F40  }
0x57: {  	[sflag:s23] =	ssyncset.done $0x0  }
0x58: {  	s31 =	sadd.s32 $0x280, s30;
	[sflag:s23] =	ssyncadd.s32 $0xFFFFE0C0  }
0x59: {  	[tilespmem:s17], [sflag:$0x2] =	stream.indirect.gather [hbm4b:s4+s14], $0x40, s31, s14, $0xb8;
	[tilespmem:$0x16940] =	vst v63  }
0x5a: {  	s31 =	sadd.s32 $0x2880, s30  }
0x5b: {  	[spmem:s2] =	stream.indirect.scatter.add.f32 [tilespmem:s17], [sflag:$0x5], $0x40, s31, s14, $0xb8;
	[tilespmem:$0x16940] =	vst v63  }
0x5c: {  	_ =	swait.ge [sflag:s12], $0x1F40  }
0x5d: {  	[sflag:s12] =	ssyncset.done $0x0  }
0x5e: {  	[sflag:s12] =	ssyncadd.s32 $0xFFFFE0C0  }
0x5f: {  	_ =	swait.ge [sflag:s24], $0x1F40  }
0x60: {  	[sflag:s24] =	ssyncset.done $0x0  }
0x61: {  	s31 =	sadd.s32 $0x300, s30;
	[sflag:s24] =	ssyncadd.s32 $0xFFFFE0C0  }
0x62: {  	[tilespmem:s19], [sflag:$0x3] =	stream.indirect.gather [hbm4b:s4+s14], $0x40, s31, s14, $0xb8;
	[tilespmem:$0x16940] =	vst v63  }
0x63: {  	s31 =	sadd.s32 $0x2900, s30  }
0x64: {  	[spmem:s2] =	stream.indirect.scatter.add.f32 [tilespmem:s19], [sflag:$0x5], $0x40, s31, s14, $0xb8;
	[tilespmem:$0x16940] =	vst v63  }
0x65: {  	_ =	swait.ge [sflag:s12], $0x1F40  }
0x66: {  	[sflag:s12] =	ssyncset.done $0x0  }
0x67: {  	[sflag:s12] =	ssyncadd.s32 $0xFFFFE0C0  }
0x68: {  	_ =	swait.ge [sflag:s25], $0x1F40  }
0x69: {  	[sflag:s25] =	ssyncset.done $0x0  }
0x6a: {  	s31 =	sadd.s32 $0x380, s30;
	[sflag:s25] =	ssyncadd.s32 $0xFFFFE0C0  }
0x6b: {  	[tilespmem:s21], [sflag:$0x4] =	stream.indirect.gather [hbm4b:s4+s14], $0x40, s31, s14, $0xb8;
	[tilespmem:$0x16940] =	vst v63  }
.Ltmp0:
0x6c: {  	_ = 	snop;
	(pc) =	sbr.rel @p0 .LBB2_2-.Ltmp0, $4  }
0x6d: {  	s30 =	sadd.s32 $0x2980, s30  }
0x6e: {  	[spmem:s2] =	stream.indirect.scatter.add.f32 [tilespmem:s21], [sflag:$0x5], $0x40, s30, s14, $0xb8;
	[tilespmem:$0x16940] =	vst v63  }
0x6f: {  	_ =	swait.ge [sflag:s12], $0x1F40  }
0x70: {  	[sflag:s12] =	ssyncset.done $0x0  }
0x71: {  	[sflag:s12] =	ssyncadd.s32 $0xFFFFE0C0  }
0x72: {  	_ =	swait.ge [sflag:s22], $0x1F40  }
0x73: {  	[sflag:s22] =	ssyncset.done $0x0  }
0x74: {  	s29 =	simm.s32 $0x2600;
	[sflag:s22] =	ssyncadd.s32 $0xFFFFE0C0  }
0x75: {  	[tilespmem:s15], [sflag:$0x1] =	stream.indirect.gather [hbm4b:s4+s14], $0x40, s29, s14, $0xb8;
	[tilespmem:$0x16940] =	vst v63  }
0x76: {  	s30 =	simm.s32 $0x4C00  }
0x77: {  	[spmem:s2] =	stream.indirect.scatter.add.f32 [tilespmem:s15], [sflag:$0x5], $0x40, s30, s14, $0xb8;
	[tilespmem:$0x16940] =	vst v63  }
0x78: {  	_ =	swait.ge [sflag:s12], $0x1F40  }
0x79: {  	[sflag:s12] =	ssyncset.done $0x0  }
0x7a: {  	[sflag:s12] =	ssyncadd.s32 $0xFFFFE0C0  }
0x7b: {  	_ =	swait.ge [sflag:s23], $0x1F40  }
0x7c: {  	[sflag:s23] =	ssyncset.done $0x0  }
0x7d: {  	s31 =	simm.s32 $0x2680;
	[sflag:s23] =	ssyncadd.s32 $0xFFFFE0C0  }
0x7e: {  	[tilespmem:s17], [sflag:$0x2] =	stream.indirect.gather [hbm4b:s4+s14], $0x40, s31, s14, $0xb8;
	[tilespmem:$0x16940] =	vst v63  }
0x7f: {  	s30 =	simm.s32 $0x4C80  }
0x80: {  	[spmem:s2] =	stream.indirect.scatter.add.f32 [tilespmem:s17], [sflag:$0x5], $0x40, s30, s14, $0xb8;
	[tilespmem:$0x16940] =	vst v63  }
0x81: {  	_ =	swait.ge [sflag:s12], $0x1F40  }
0x82: {  	[sflag:s12] =	ssyncset.done $0x0  }
0x83: {  	[sflag:s12] =	ssyncadd.s32 $0xFFFFE0C0  }
0x84: {  	_ =	swait.ge [sflag:s24], $0x1F40  }
0x85: {  	[sflag:s24] =	ssyncset.done $0x0  }
0x86: {  	s31 =	simm.s32 $0x2700;
	[sflag:s24] =	ssyncadd.s32 $0xFFFFE0C0  }
0x87: {  	[tilespmem:s19], [sflag:$0x3] =	stream.indirect.gather [hbm4b:s4+s14], $0x40, s31, s14, $0xb8;
	[tilespmem:$0x16940] =	vst v63  }
0x88: {  	_ = 	snop  }
0x89: {  	[spmem:s2] =	stream.indirect.scatter.add.f32 [tilespmem:s19], [sflag:$0x5], $0x40, s1, s14, $0xb8;
	[tilespmem:$0x16940] =	vst v63  }
0x8a: {  	_ =	swait.ge [sflag:s12], $0x1F40  }
0x8b: {  	[sflag:s12] =	ssyncset.done $0x0  }
0x8c: {  	[sflag:s12] =	ssyncadd.s32 $0xFFFFE0C0  }
0x8d: {  	_ =	swait.ge [sflag:s25], $0x1F40  }
0x8e: {  	[sflag:s25] =	ssyncset.done $0x0  }
0x8f: {  	[sflag:s25] =	ssyncadd.s32 $0xFFFFE0C0  }
0x90: {  	[tilespmem:s21], [sflag:$0x4] =	stream.indirect.gather [hbm4b:s4+s14], $0x40, s0, s14, $0xb8;
	[tilespmem:$0x16940] =	vst v63  }
0x91: {  	_ = 	snop  }
0x92: {  	[spmem:s2] =	stream.indirect.scatter.add.f32 [tilespmem:s21], [sflag:$0x5], $0x40, s13, s14, $0xb8;
	[tilespmem:$0x16940] =	vst v63  }
0x93: {  	_ =	swait.ge [sflag:s12], $0x1F40  }
0x94: {  	[sflag:s12] =	ssyncset.done $0x0  }
0x95: {  	[sflag:s12] =	ssyncadd.s32 $0xFFFFE0C0  }
0x96: {  	_ =	swait.ge [sflag:s22], $0x1F40  }
0x97: {  	[sflag:s22] =	ssyncset.done $0x0  }
0x98: {  	[sflag:s22] =	ssyncadd.s32 $0xFFFFE0C0  }
0x99: {  	[tilespmem:s15], [sflag:$0x1] =	stream.indirect.gather [hbm4b:s4+s14], $0x40, s0, s14, $0xb8;
	[tilespmem:$0x16940] =	vst v63  }
0x9a: {  	_ = 	snop  }
0x9b: {  	[spmem:s2] =	stream.indirect.scatter.add.f32 [tilespmem:s15], [sflag:$0x5], $0x40, s16, s14, $0xb8;
	[tilespmem:$0x16940] =	vst v63  }
0x9c: {  	_ =	swait.ge [sflag:s12], $0x1F40  }
0x9d: {  	[sflag:s12] =	ssyncset.done $0x0  }
0x9e: {  	[sflag:s12] =	ssyncadd.s32 $0xFFFFE0C0  }
0x9f: {  	_ =	swait.ge [sflag:s23], $0x1F40  }
0xa0: {  	[sflag:s23] =	ssyncset.done $0x0  }
0xa1: {  	[sflag:s23] =	ssyncadd.s32 $0xFFFFE0C0  }
0xa2: {  	[tilespmem:s17], [sflag:$0x2] =	stream.indirect.gather [hbm4b:s4+s14], $0x40, s0, s14, $0xb8;
	[tilespmem:$0x16940] =	vst v63  }
0xa3: {  	_ = 	snop  }
0xa4: {  	[spmem:s2] =	stream.indirect.scatter.add.f32 [tilespmem:s17], [sflag:$0x5], $0x40, s18, s14, $0xb8;
	[tilespmem:$0x16940] =	vst v63  }
0xa5: {  	_ =	swait.ge [sflag:s12], $0x1F40  }
0xa6: {  	[sflag:s12] =	ssyncset.done $0x0  }
0xa7: {  	[sflag:s12] =	ssyncadd.s32 $0xFFFFE0C0  }
0xa8: {  	_ =	swait.ge [sflag:s24], $0x1F40  }
0xa9: {  	[sflag:s24] =	ssyncset.done $0x0  }
0xaa: {  	[sflag:s24] =	ssyncadd.s32 $0xFFFFE0C0  }
0xab: {  	[tilespmem:s19], [sflag:$0x3] =	stream.indirect.gather [hbm4b:s4+s14], $0x40, s0, s14, $0xb8;
	[tilespmem:$0x16940] =	vst v63  }
0xac: {  	_ = 	snop  }
0xad: {  	[spmem:s2] =	stream.indirect.scatter.add.f32 [tilespmem:s19], [sflag:$0x5], $0x40, s20, s14, $0xb8;
	[tilespmem:$0x16940] =	vst v63  }
0xae: {  	_ =	swait.ge [sflag:s12], $0x1F40  }
0xaf: {  	[sflag:s12] =	ssyncset.done $0x0  }
0xb0: {  	[sflag:s12] =	ssyncadd.s32 $0xFFFFE0C0  }
0xb1: {  	_ =	swait.ge [sflag:s25], $0x1F40  }
0xb2: {  	[sflag:s25] =	ssyncset.done $0x0  }
0xb3: {  	[sflag:s25] =	ssyncadd.s32 $0xFFFFE0C0  }
0xb4: {  	[tilespmem:s21], [sflag:$0x4] =	stream.indirect.gather [hbm4b:s4+s14], $0x40, s0, s14, $0xb8;
	[tilespmem:$0x16940] =	vst v63  }
0xb5: {  	_ = 	snop  }
0xb6: {  	[spmem:s2] =	stream.indirect.scatter.add.f32 [tilespmem:s21], [sflag:$0x5], $0x40, s26, s14, $0xb8;
	[tilespmem:$0x16940] =	vst v63  }
0xb7: {  	_ =	swait.ge [sflag:s12], $0x1F40  }
0xb8: {  	[sflag:s12] =	ssyncset.done $0x0  }
0xb9: {  	[sflag:s12] =	ssyncadd.s32 $0xFFFFE0C0  }
0xba: {  	_ =	swait.ge [sflag:s22], $0x1F40  }
0xbb: {  	[sflag:s22] =	ssyncset.done $0x0  }
0xbc: {  	[sflag:s22] =	ssyncadd.s32 $0xFFFFE0C0  }
0xbd: {  	_ =	swait.ge [sflag:s23], $0x1F40  }
0xbe: {  	[sflag:s23] =	ssyncset.done $0x0  }
0xbf: {  	[sflag:s23] =	ssyncadd.s32 $0xFFFFE0C0  }
0xc0: {  	_ =	swait.ge [sflag:s24], $0x1F40  }
0xc1: {  	[sflag:s24] =	ssyncset.done $0x0  }
0xc2: {  	[sflag:s24] =	ssyncadd.s32 $0xFFFFE0C0  }
0xc3: {  	_ =	swait.ge [sflag:s25], $0x1F40  }
0xc4: {  	s28 =	sadd.s32 $0x1, s28;
	[sflag:s25] =	ssyncset.done $0x0  }
0xc5: {  	p0 =	sne.s32 s28, s10;
	[sflag:s25] =	ssyncadd.s32 $0xFFFFE0C0  }
.Ltmp1:
0xc6: {  	[bflag:$0x0] =	sbarrier.arrive $0xFFFF;
	(pc) =	sbr.rel @p0 .LBB2_1-.Ltmp1, $4  }
0xc7: {  	[hbm:s9], [sflag:s6] =	dma.local [spmem:s11], $0x1388  }
0xc8: {  	_ =	swait.ge [sflag:s12], $0x1388  }
0xc9: {  	[sflag:s12] =	ssyncset.done $0x0  }
0xca: {  	[sflag:s12] =	ssyncadd.s32 $0xFFFFEC78  }
0xcb: {  	_ =	sfence.sel $0x180000  }
0xcc: {  	[bflag:$0x0] =	sbarrier.arrive $0xFFFF  }
0xcd: {  	_ =	strace $0x9000004A  }
0xce: {  	s0 =	stileid.u32;
	[bflag:$0x2] =	sbarrier.arrive $0xFFFF  }
0xcf: {  	p0 =	sne.s32 s0, $0x0;
	s0 =	rddreg [dreg:$0x2]  }
0xd0: {  	s0 =	sadd.s32 @!p0 $0x100000, s0  }
0xd1: {  	[sflag:s0] =	ssyncadd.tile.s32 @!p0 $0x1;
	_ =	shalt  }
.Lfunc_end2:
_tile_overlayer_lowered:
.L_overlay_start_2:
0xd2: {  	(tag) =	ssettag $0x2  }
0xd3: {  	s0 =	rddreg [dreg:$0x0];
	s2 =	stileid.u32  }
0xd4: {  	s1 =	rddreg [dreg:$0x1];
	p0 =	sne.s32 s2, $0x0  }
0xd5: {  	s3 =	rddreg [dreg:$0x2];
	[bflag:$0x3] =	sbarrier.arrive $0xFFFF;
	s2 =	simm.s32 @!p0 $0x1C05  }
0xd6: {  	[timem:s3], [sflag:s2] =	dma.local @!p0 [hbm:s0], s1  }
0xd7: {  	s0 =	simm.s32 @!p0 $0x5  }
0xd8: {  	_ =	swait.ge @!p0 [sflag:s0], s1  }
0xd9: {  	s1 =	ssub.s32 @!p0 $0x0, s1;
	[sflag:s0] =	ssyncset.done @!p0 $0x0  }
0xda: {  	[sflag:s0] =	ssyncadd.s32 @!p0 s1  }
0xdb: {  	[bflag:$0x3] =	sbarrier.arrive $0xFFFF  }
0xdc: {  	_ =	shalt  }

// kernel: kernel.18.cloned.1.call-start
scs
__scs_entry_jumppad:
0x0: {  	(pc) =	sbr.rel $0x88, $3  }
0x1: {  	(tag) =	ssettag $0x0;
	lr =	simm.s32 $0x1  }
0x2: {  	[smem:$0x3F9B] =	sst lr;
	_ =	strace $0xD0000000  }
0x3: {  	_ = 	snop  }
0x4: {  	_ = 	snop  }
0x5: {  	_ = 	snop  }
0x6: {  	_ = 	snop  }
0x7: {  	_ = 	snop  }
__scs_overlays_trampoline_lowered:
0x8: {  	[smem:$0x3FAA] =	sst s0  }
0x9: {  	[smem:$0x3FAB] =	sst s1  }
0xa: {  	[smem:$0x3FAC] =	sst s2  }
0xb: {  	[smem:$0x3FAD] =	sst s3  }
0xc: {  	[smem:$0x3FAE] =	sst s4  }
0xd: {  	[smem:$0x3FAF] =	sst s5  }
0xe: {  	[smem:$0x3FB0] =	sst s6  }
0xf: {  	[smem:$0x3FB1] =	sst s7  }
0x10: {  	[smem:$0x3FB2] =	sst s8  }
0x11: {  	[smem:$0x3FB3] =	sst s9;
	s0 =	simm.s32 @!p0 $0x0  }
0x12: {  	s1 =	sld [smem:$0x3F99];
	s0 =	simm.s32 @p0 $0x1  }
0x13: {  	[smem:$0x3FB4] =	sst s0;
	s0 =	simm.s32 @!p1 $0x0  }
0x14: {  	s2 =	sld [smem:$0x3F98];
	s0 =	simm.s32 @p1 $0x1  }
0x15: {  	[smem:$0x3FB5] =	sst s0;
	s0 =	simm.s32 @!p2 $0x0  }
0x16: {  	s3 =	sld [smem:$0x3FDB];
	s0 =	simm.s32 @p2 $0x1  }
0x17: {  	s4 =	simm.s32 $0x1BF5;
	[smem:$0x3FB7] =	sst s0  }
0x18: {  	s0 =	sld [smem:$0x3F9A];
	_ =	swait.ge [sflag:s4], $0x0  }
0x19: {  	s7 =	sld [smem:$0x3F9B]  }
0x1a: {  	s8 =	sadd.s32 $0xFFFFE003, lr  }
0x1b: {  	s9 =	sadd.s32 $0xFFFFFEF7, lr;
	s5 =	simm.s32 $0xFFFFFFFF;
	p2 =	slt.u32 s8, $0xFFFFF086  }
0x1c: {  	p1 =	slt.u32 s9, $0xF7A;
	s5 =	simm.s32 @!p2 $0x0  }
0x1d: {  	s5 =	simm.s32 @p1 $0x1;
	p0 =	seq.s32 s7, s2  }
0x1e: {  	s7 =	smul.u32 @!p0 $0xF7A, s2;
	p2 =	seq.s32 @!p0 s5, $0x0  }
0x1f: {  	s9 =	smul.u32 $0xF7A, s1;
	s8 =	simm.s32 @!p0 $0x1BF5;
	p2 =	por !p2, p0  }
0x20: {  	[sflag:s8] =	ssyncset.s32 @!p0 $0xFFFFF086;
	s6 =	sadd.s32 @!p0 s3, s7;
	s7 =	simm.s32 @!p0 $0x108  }
0x21: {  	s3 =	sadd.s32 s3, s9;
	s6 =	sadd.s32 @!p0 $0x88, s6;
	s7 =	simm.s32 @p2 $0x1082  }
0x22: {  	[simem:s7], [sflag:s8] =	dma.local @!p0 [hbm:s6], $0xF7A  }
0x23: {  	s9 =	sor.u32 $0xD0000000, s2;
	s6 =	simm.s32 $0x108;
	_ =	swait.ge @!p0 [sflag:s8], $0x0  }
0x24: {  	s3 =	sadd.s32 $0x88, s3;
	s6 =	simm.s32 @!p1 $0x1082;
	[sflag:s4] =	ssyncset.s32 $0xFFFFF086  }
0x25: {  	[simem:s6], [sflag:s4] =	dma.local [hbm:s3], $0xF7A  }
0x26: {  	[smem:$0x3F9B] =	sst s1;
	(tag) =	ssettag s2;
	_ =	strace s9  }
0x27: {  	s1 =	sld [smem:$0x3FAB]  }
0x28: {  	s2 =	sld [smem:$0x3FAC]  }
0x29: {  	s4 =	sld [smem:$0x3FAE]  }
0x2a: {  	p0 =	seq.s32 s5, $0x0;
	s5 =	sld [smem:$0x3FAF]  }
0x2b: {  	s6 =	sld [smem:$0x3FB0]  }
0x2c: {  	s7 =	sld [smem:$0x3FB1]  }
0x2d: {  	s3 =	simm.s32 $0x108;
	s8 =	sld [smem:$0x3FB2]  }
0x2e: {  	s3 =	simm.s32 @!p0 $0x1082;
	s9 =	sld [smem:$0x3FB3]  }
0x2f: {  	lr =	sadd.s32 s0, s3;
	s0 =	sld [smem:$0x3FAA]  }
0x30: {  	s3 =	sld [smem:$0x3FAD]  }
0x31: {  	[smem:$0x3FB6] =	sst s10  }
0x32: {  	s10 =	sld [smem:$0x3FB4];
	_ =	sdelay $0x3  }
0x33: {  	p0 =	seq.s32 s10, $0x1;
	s10 =	sld [smem:$0x3FB6];
	_ =	sdelay $0x3  }
0x34: {  	[smem:$0x3FB6] =	sst s10  }
0x35: {  	s10 =	sld [smem:$0x3FB5];
	_ =	sdelay $0x3  }
0x36: {  	p1 =	seq.s32 s10, $0x1;
	s10 =	sld [smem:$0x3FB6];
	_ =	sdelay $0x3  }
0x37: {  	[smem:$0x3FB6] =	sst s10  }
0x38: {  	s10 =	sld [smem:$0x3FB7]  }
0x39: {  	_ = 	snop;
	(pc) =	sbr.ind lr, $3  }
0x3a: {  	_ = 	snop  }
0x3b: {  	_ = 	snop  }
0x3c: {  	p2 =	seq.s32 s10, $0x1;
	s10 =	sld [smem:$0x3FB6]  }
0x3d: {  	_ =	shalt  }
0x3e: {  	_ =	shalt  }
0x3f: {  	_ =	shalt  }
0x40: {  	_ =	shalt  }
0x41: {  	_ =	shalt  }
0x42: {  	_ =	shalt  }
0x43: {  	_ =	shalt  }
0x44: {  	_ =	shalt  }
0x45: {  	_ =	shalt  }
0x46: {  	_ =	shalt  }
0x47: {  	_ =	shalt  }
0x48: {  	_ =	shalt  }
0x49: {  	_ =	shalt  }
0x4a: {  	_ =	shalt  }
0x4b: {  	_ =	shalt  }
0x4c: {  	_ =	shalt  }
0x4d: {  	_ =	shalt  }
0x4e: {  	_ =	shalt  }
0x4f: {  	_ =	shalt  }
0x50: {  	_ =	shalt  }
0x51: {  	_ =	shalt  }
0x52: {  	_ =	shalt  }
0x53: {  	_ =	shalt  }
0x54: {  	_ =	shalt  }
0x55: {  	_ =	shalt  }
0x56: {  	_ =	shalt  }
0x57: {  	_ =	shalt  }
0x58: {  	_ =	shalt  }
0x59: {  	_ =	shalt  }
0x5a: {  	_ =	shalt  }
0x5b: {  	_ =	shalt  }
0x5c: {  	_ =	shalt  }
0x5d: {  	_ =	shalt  }
0x5e: {  	_ =	shalt  }
0x5f: {  	_ =	shalt  }
0x60: {  	_ =	shalt  }
0x61: {  	_ =	shalt  }
0x62: {  	_ =	shalt  }
0x63: {  	_ =	shalt  }
0x64: {  	_ =	shalt  }
0x65: {  	_ =	shalt  }
0x66: {  	_ =	shalt  }
0x67: {  	_ =	shalt  }
0x68: {  	_ =	shalt  }
0x69: {  	_ =	shalt  }
0x6a: {  	_ =	shalt  }
0x6b: {  	_ =	shalt  }
0x6c: {  	_ =	shalt  }
0x6d: {  	_ =	shalt  }
0x6e: {  	_ =	shalt  }
0x6f: {  	_ =	shalt  }
0x70: {  	_ =	shalt  }
0x71: {  	_ =	shalt  }
0x72: {  	_ =	shalt  }
0x73: {  	_ =	shalt  }
0x74: {  	_ =	shalt  }
0x75: {  	_ =	shalt  }
0x76: {  	_ =	shalt  }
0x77: {  	_ =	shalt  }
0x78: {  	_ =	shalt  }
0x79: {  	_ =	shalt  }
0x7a: {  	_ =	shalt  }
0x7b: {  	_ =	shalt  }
0x7c: {  	_ =	shalt  }
0x7d: {  	_ =	shalt  }
0x7e: {  	_ =	shalt  }
0x7f: {  	_ =	shalt  }
0x80: {  	_ =	shalt  }
0x81: {  	_ =	shalt  }
0x82: {  	_ =	shalt  }
0x83: {  	_ =	shalt  }
0x84: {  	_ =	shalt  }
0x85: {  	_ =	shalt  }
0x86: {  	_ =	shalt  }
0x87: {  	_ =	shalt  }
.Lfunc_end0:
.L_simem_size_0:
called_computation.3_lowered:
.L_overlay_start_0:
0x88: {  	s2 =	sld [smem:$0x3FD9]  }
0x89: {  	s3 =	sld [smem:$0x3FFE];
	_ =	sdelay $0x1  }
0x8a: {  	s1 =	srdreg.scid  }
0x8b: {  	s0 =	sand.u32 $0x1, s1  }
0x8c: {  	s17 =	sshll.u32 s0, $0xA;
	s2 =	sadd.s32 s3, s2  }
0x8d: {  	s2 =	sadd.s32 s2, s17  }
0x8e: {  	[smem:$0x3FC2] =	sst s2  }
0x8f: {  	_ = 	snop  }
0x90: {  	s2 =	sld [smem:$0x3FD0];
	(tm) =	ssettm $0x1  }
0x91: {  	s18 =	sld [smem:$0x3FFB];
	_ =	sdelay $0x3  }
0x92: {  	_ =	strace s18  }
0x93: {  	s3 =	sld [smem:$0x3FFC];
	_ =	sdelay $0x3  }
0x94: {  	_ =	strace s3  }
0x95: {  	s3 =	sld [smem:$0x3FFD];
	_ =	sdelay $0x3  }
0x96: {  	_ =	strace s3  }
0x97: {  	_ =	strace $0x8FFFFFFF  }
0x98: {  	s19 =	sld [smem:$0x3FDB];
	_ =	sdelay $0x1  }
0x99: {  	s4 =	simm.s32 $_scs_section_size  }
0x9a: {  	s5 =	simm.s32 $_size__tile_overlayer_lowered;
	s6 =	simm.s32 $_tile_overlayer_lowered  }
0x9b: {  	s22 =	simm.s32 $0x1BFF;
	s21 =	sshll.u32 s6, $0x1;
	s3 =	sadd.s32 s4, s19  }
0x9c: {  	s7 =	simm.s32 $0x0;
	s20 =	sshll.u32 s5, $0x1;
	s5 =	sadd.s32 s21, s3  }
0x9d: {  	[timem:s7], [sflag:s22] =	dma.local [hbm:s5], s20  }
0x9e: {  	_ =	swait.ge [sflag:s22], s20  }
0x9f: {  	s4 =	ssub.s32 $0x0, s20;
	[sflag:s22] =	ssyncset.done $0x0  }
0xa0: {  	[sflag:s22] =	ssyncadd.s32 s4;
	_ =	sdelay $0x1  }
0xa1: {  	s23 =	simm.s32 $0x1B8B  }
0xa2: {  	_ =	swait.ge [sflag:s23], $0x1  }
0xa3: {  	[sflag:s23] =	ssyncset.done $0x0  }
0xa4: {  	s25 =	simm.s32 $0x1B8E;
	s24 =	sld [smem:$0x3FFE];
	[sflag:s23] =	ssyncadd.s32 $0xFFFFFFFF  }
0xa5: {  	s26 =	simm.s32 $execute0_lowered;
	[smem:$0x3FD2] =	sst s25  }
0xa6: {  	s5 =	sshll.u32 s26, $0x1;
	_ =	strace $0x8000004F;
	[dreg:$0x1] =	wrdreg $0xFFFFFFFF  }
0xa7: {  	s28 =	simm.s32 $_size_execute0_lowered;
	s3 =	sadd.s32 s3, s5;
	[dreg:$0x0] =	wrdreg $0x0  }
0xa8: {  	s5 =	sshll.u32 s28, $0x1;
	[dreg:$0x2] =	wrdreg s3  }
0xa9: {  	[dreg:$0x3] =	wrdreg s5  }
0xaa: {  	[dreg:$0x4] =	wrdreg $0xC0  }
0xab: {  	_ =	task [dreg:s7], $0x5FFFF  }
0xac: {  	[dreg:$0x1] =	wrdreg $0xFFFFFFFF  }
0xad: {  	[dreg:$0x0] =	wrdreg $0x60  }
0xae: {  	[dreg:$0x2] =	wrdreg s2  }
0xaf: {  	[dreg:$0x3] =	wrdreg s24  }
0xb0: {  	[dreg:$0x4] =	wrdreg $0xCD000  }
0xb1: {  	[dreg:$0x5] =	wrdreg $0x9  }
0xb2: {  	_ =	task.clear_ibuf [dreg:s7], $0x6FFFF;
	_ =	strace $0x9000004F  }
0xb3: {  	s29 =	simm.s32 $0x9;
	_ =	strace $0x80000051  }
0xb4: {  	_ =	swait.ge [sflag:s29], $0x1  }
0xb5: {  	[sflag:s29] =	ssyncadd.s32 $0xFFFFFFFF  }
0xb6: {  	_ =	strace $0x90000051  }
0xb7: {  	_ =	sfence  }
0xb8: {  	s30 =	sld [smem:$0x0];
	_ =	sdelay $0x2  }
0xb9: {  	s31 =	sshll.u32 s1, $0xD;
	s1 =	sshrl.u32 s1, $0x2  }
0xba: {  	s3 =	sand.u32 $0x4000, s31;
	s1 =	sadd.s32 s1, s30  }
0xbb: {  	s0 =	sor.u32 s3, s0;
	s1 =	sshll.u32 s1, $0x11  }
0xbc: {  	s0 =	sor.u32 s1, s0  }
0xbd: {  	s0 =	sadd.s32 $0x8F2B, s0  }
0xbe: {  	[sflag:s0] =	ssyncadd.remote.s32 $0x1  }
0xbf: {  	_ =	sfence.sel $0xFFFF  }
0xc0: {  	[dreg:$0x0] =	wrdreg $0xFFFFFFFF;
	(pc) =	sbr.abs _section_cstart, $3  }
0xc1: {  	[dreg:$0x1] =	wrdreg $0xFFFFFFFF  }
0xc2: {  	_ =	task.clear_ibuf [dreg:s7], $0x2FFFF;
	_ =	strace $0x9FFFFFFF  }
0xc3: {  	(tm) =	ssettm $0x7FFFFFFF  }
tec
execute0_lowered:
.L_overlay_start_1:
0x0: {  	(tag) =	ssettag $0x1  }
0x1: {  	s1 =	rddreg [dreg:$0x0]  }
0x2: {  	s0 =	srdreg.scid;
	s5 =	rddreg [dreg:$0x1]  }
0x3: {  	s12 =	stileid.u32;
	s3 =	rddreg [dreg:$0x2];
	s4 =	simm.s32 $0x0  }
0x4: {  	s14 =	simm.s32 $0x7D;
	s15 =	simm.s32 $0x5000;
	s17 =	simm.s32 $0x6F40  }
0x5: {  	s19 =	simm.s32 $0x8E80;
	s21 =	simm.s32 $0xADC0;
	s22 =	simm.s32 $0x1  }
0x6: {  	s23 =	simm.s32 $0x2;
	s24 =	simm.s32 $0x3;
	s25 =	simm.s32 $0x4  }
0x7: {  	s13 =	simm.s32 $0x4D80;
	s16 =	simm.s32 $0x4E00;
	s18 =	simm.s32 $0x4E80  }
0x8: {  	s20 =	simm.s32 $0x4F00;
	s26 =	simm.s32 $0x4F80;
	s28 =	simm.s32 $0x0  }
0x9: {  	s0 =	sand.u32 $0x1, s0;
	s6 =	smul.u32 $0x9C40, s12;
	[smem:$0x7FF] =	sst s4  }
0xa: {  	s31 =	sshll.u32 s12, $0x6;
	s2 =	sshll.u32 s0, $0x4;
	s7 =	smul.u32 $0x9C400, s0  }
0xb: {  	_ =	strace $0x80000050;
	s0 =	ssub.s32 $0x2, s0;
	s2 =	sor.u32 s12, s2  }
0xc: {  	s8 =	sshrl.u32 s6, $0x3;
	s9 =	sshrl.u32 s0, $0x1;
	s11 =	sadd.s32 s6, s3  }
0xd: {  	s12 =	simm.s32 $0x5;
	s2 =	smul.u32 $0x2800, s2;
	s7 =	sadd.s32 s6, s7  }
0xe: {  	s8 =	sadd.s32 s8, s5;
	s0 =	ssub.s32 s0, s9;
	s6 =	sor.u32 $0x1C05, s31  }
0xf: {  	s11 =	sshrl.u32 s11, $0x3;
	s7 =	sshrl.u32 s7, $0x3;
	s2 =	sshrl.u32 s2, $0x3  }
0x10: {  	s10 =	sadd.s32 s7, s5;
	s2 =	sadd.s32 s2, s5;
	s5 =	sadd.s32 $0x78A00, s8  }
0x11: {  	s9 =	sadd.s32 $0x8C400, s10;
	s10 =	smax.u32 s0, $0x1;
	s0 =	simm.s32 $0x2780  }
0x12: {  	s7 =	sadd.s32 $0x2E00, s2;
	s8 =	sadd.s32 $0xCE00, s2;
	s2 =	simm.s32 $0x4D00  }
.LBB2_1:
0x13: {  	[spmem:s11], [sflag:s6] =	dma.local [hbm:s5], $0x1388  }
0x14: {  	_ =	swait.ge [sflag:s12], $0x1388  }
0x15: {  	[sflag:s12] =	ssyncset.done $0x0  }
0x16: {  	[sflag:s12] =	ssyncadd.s32 $0xFFFFEC78  }
0x17: {  	[tilespmem:s4], [sflag:$0x5] =	stream.linear.gather [hbm4b:s7+s4], $0x2800, $0x38;
	[tilespmem:$0x16940] =	vst v63  }
0x18: {  	_ =	swait.ge [sflag:s12], $0x2800  }
0x19: {  	[sflag:s12] =	ssyncset.done $0x0  }
0x1a: {  	s29 =	simm.s32 $0x2800;
	[sflag:s12] =	ssyncadd.s32 $0xFFFFD800  }
0x1b: {  	[tilespmem:s29], [sflag:$0x5] =	stream.linear.gather [hbm4b:s8+s4], $0x2800, $0x38;
	[tilespmem:$0x16940] =	vst v63  }
0x1c: {  	_ =	swait.ge [sflag:s12], $0x2800  }
0x1d: {  	[sflag:s12] =	ssyncset.done $0x0  }
0x1e: {  	[sflag:s12] =	ssyncadd.s32 $0xFFFFD800  }
0x1f: {  	[bflag:$0x0] =	sbarrier.arrive $0xFFFF  }
0x20: {  	[tilespmem:s15], [sflag:$0x1] =	stream.indirect.gather [hbm4b:s1+s14], $0x40, s4, s14, $0xb8;
	[tilespmem:$0x16940] =	vst v63  }
0x21: {  	s29 =	simm.s32 $0x80  }
0x22: {  	[tilespmem:s17], [sflag:$0x2] =	stream.indirect.gather [hbm4b:s1+s14], $0x40, s29, s14, $0xb8;
	[tilespmem:$0x16940] =	vst v63  }
0x23: {  	s29 =	simm.s32 $0x100  }
0x24: {  	[tilespmem:s19], [sflag:$0x3] =	stream.indirect.gather [hbm4b:s1+s14], $0x40, s29, s14, $0xb8;
	[tilespmem:$0x16940] =	vst v63  }
0x25: {  	s29 =	simm.s32 $0x180  }
0x26: {  	[tilespmem:s21], [sflag:$0x4] =	stream.indirect.gather [hbm4b:s1+s14], $0x40, s29, s14, $0xb8;
	[tilespmem:$0x16940] =	vst v63  }
0x27: {  	_ =	swait.ge [sflag:s22], $0x1F40  }
0x28: {  	[sflag:s22] =	ssyncset.done $0x0  }
0x29: {  	s29 =	simm.s32 $0x200;
	[sflag:s22] =	ssyncadd.s32 $0xFFFFE0C0  }
0x2a: {  	[tilespmem:s15], [sflag:$0x1] =	stream.indirect.gather [hbm4b:s1+s14], $0x40, s29, s14, $0xb8;
	[tilespmem:$0x16940] =	vst v63  }
0x2b: {  	s29 =	simm.s32 $0x2800  }
0x2c: {  	[spmem:s3] =	stream.indirect.scatter.add.f32 [tilespmem:s15], [sflag:$0x5], $0x40, s29, s14, $0xb8;
	[tilespmem:$0x16940] =	vst v63  }
0x2d: {  	_ =	swait.ge [sflag:s12], $0x1F40  }
0x2e: {  	[sflag:s12] =	ssyncset.done $0x0  }
0x2f: {  	[sflag:s12] =	ssyncadd.s32 $0xFFFFE0C0  }
0x30: {  	_ =	swait.ge [sflag:s23], $0x1F40  }
0x31: {  	[sflag:s23] =	ssyncset.done $0x0  }
0x32: {  	s29 =	simm.s32 $0x280;
	[sflag:s23] =	ssyncadd.s32 $0xFFFFE0C0  }
0x33: {  	[tilespmem:s17], [sflag:$0x2] =	stream.indirect.gather [hbm4b:s1+s14], $0x40, s29, s14, $0xb8;
	[tilespmem:$0x16940] =	vst v63  }
0x34: {  	s29 =	simm.s32 $0x2880  }
0x35: {  	[spmem:s3] =	stream.indirect.scatter.add.f32 [tilespmem:s17], [sflag:$0x5], $0x40, s29, s14, $0xb8;
	[tilespmem:$0x16940] =	vst v63  }
0x36: {  	_ =	swait.ge [sflag:s12], $0x1F40  }
0x37: {  	[sflag:s12] =	ssyncset.done $0x0  }
0x38: {  	[sflag:s12] =	ssyncadd.s32 $0xFFFFE0C0  }
0x39: {  	_ =	swait.ge [sflag:s24], $0x1F40  }
0x3a: {  	[sflag:s24] =	ssyncset.done $0x0  }
0x3b: {  	s29 =	simm.s32 $0x300;
	[sflag:s24] =	ssyncadd.s32 $0xFFFFE0C0  }
0x3c: {  	[tilespmem:s19], [sflag:$0x3] =	stream.indirect.gather [hbm4b:s1+s14], $0x40, s29, s14, $0xb8;
	[tilespmem:$0x16940] =	vst v63  }
0x3d: {  	s29 =	simm.s32 $0x2900  }
0x3e: {  	[spmem:s3] =	stream.indirect.scatter.add.f32 [tilespmem:s19], [sflag:$0x5], $0x40, s29, s14, $0xb8;
	[tilespmem:$0x16940] =	vst v63  }
0x3f: {  	_ =	swait.ge [sflag:s12], $0x1F40  }
0x40: {  	[sflag:s12] =	ssyncset.done $0x0  }
0x41: {  	[sflag:s12] =	ssyncadd.s32 $0xFFFFE0C0  }
0x42: {  	_ =	swait.ge [sflag:s25], $0x1F40  }
0x43: {  	[sflag:s25] =	ssyncset.done $0x0  }
0x44: {  	s29 =	simm.s32 $0x380;
	[sflag:s25] =	ssyncadd.s32 $0xFFFFE0C0  }
0x45: {  	[tilespmem:s21], [sflag:$0x4] =	stream.indirect.gather [hbm4b:s1+s14], $0x40, s29, s14, $0xb8;
	[tilespmem:$0x16940] =	vst v63  }
0x46: {  	s29 =	simm.s32 $0x2980  }
0x47: {  	[spmem:s3] =	stream.indirect.scatter.add.f32 [tilespmem:s21], [sflag:$0x5], $0x40, s29, s14, $0xb8;
	[tilespmem:$0x16940] =	vst v63  }
0x48: {  	_ =	swait.ge [sflag:s12], $0x1F40  }
0x49: {  	s29 =	simm.s32 $0x800;
	[sflag:s12] =	ssyncset.done $0x0  }
.LBB2_2:
0x4a: {  	p0 =	sne.s32 s29, $0x8800  }
0x4b: {  	[sflag:s12] =	ssyncadd.s32 $0xFFFFE0C0;
	s30 =	smov.u32 s29;
	s29 =	sadd.s32 $0x800, s29  }
0x4c: {  	_ = 	snop  }
0x4d: {  	_ =	swait.ge [sflag:s22], $0x1F40  }
0x4e: {  	s30 =	sshra.s32 s30, $0x2;
	[sflag:s22] =	ssyncset.done $0x0  }
0x4f: {  	s31 =	sadd.s32 $0x200, s30;
	[sflag:s22] =	ssyncadd.s32 $0xFFFFE0C0  }
0x50: {  	[tilespmem:s15], [sflag:$0x1] =	stream.indirect.gather [hbm4b:s1+s14], $0x40, s31, s14, $0xb8;
	[tilespmem:$0x16940] =	vst v63  }
0x51: {  	s31 =	sadd.s32 $0x2800, s30  }
0x52: {  	[spmem:s3] =	stream.indirect.scatter.add.f32 [tilespmem:s15], [sflag:$0x5], $0x40, s31, s14, $0xb8;
	[tilespmem:$0x16940] =	vst v63  }
0x53: {  	_ =	swait.ge [sflag:s12], $0x1F40  }
0x54: {  	[sflag:s12] =	ssyncset.done $0x0  }
0x55: {  	[sflag:s12] =	ssyncadd.s32 $0xFFFFE0C0  }
0x56: {  	_ =	swait.ge [sflag:s23], $0x1F40  }
0x57: {  	[sflag:s23] =	ssyncset.done $0x0  }
0x58: {  	s31 =	sadd.s32 $0x280, s30;
	[sflag:s23] =	ssyncadd.s32 $0xFFFFE0C0  }
0x59: {  	[tilespmem:s17], [sflag:$0x2] =	stream.indirect.gather [hbm4b:s1+s14], $0x40, s31, s14, $0xb8;
	[tilespmem:$0x16940] =	vst v63  }
0x5a: {  	s31 =	sadd.s32 $0x2880, s30  }
0x5b: {  	[spmem:s3] =	stream.indirect.scatter.add.f32 [tilespmem:s17], [sflag:$0x5], $0x40, s31, s14, $0xb8;
	[tilespmem:$0x16940] =	vst v63  }
0x5c: {  	_ =	swait.ge [sflag:s12], $0x1F40  }
0x5d: {  	[sflag:s12] =	ssyncset.done $0x0  }
0x5e: {  	[sflag:s12] =	ssyncadd.s32 $0xFFFFE0C0  }
0x5f: {  	_ =	swait.ge [sflag:s24], $0x1F40  }
0x60: {  	[sflag:s24] =	ssyncset.done $0x0  }
0x61: {  	s31 =	sadd.s32 $0x300, s30;
	[sflag:s24] =	ssyncadd.s32 $0xFFFFE0C0  }
0x62: {  	[tilespmem:s19], [sflag:$0x3] =	stream.indirect.gather [hbm4b:s1+s14], $0x40, s31, s14, $0xb8;
	[tilespmem:$0x16940] =	vst v63  }
0x63: {  	s31 =	sadd.s32 $0x2900, s30  }
0x64: {  	[spmem:s3] =	stream.indirect.scatter.add.f32 [tilespmem:s19], [sflag:$0x5], $0x40, s31, s14, $0xb8;
	[tilespmem:$0x16940] =	vst v63  }
0x65: {  	_ =	swait.ge [sflag:s12], $0x1F40  }
0x66: {  	[sflag:s12] =	ssyncset.done $0x0  }
0x67: {  	[sflag:s12] =	ssyncadd.s32 $0xFFFFE0C0  }
0x68: {  	_ =	swait.ge [sflag:s25], $0x1F40  }
0x69: {  	[sflag:s25] =	ssyncset.done $0x0  }
0x6a: {  	s31 =	sadd.s32 $0x380, s30;
	[sflag:s25] =	ssyncadd.s32 $0xFFFFE0C0  }
0x6b: {  	[tilespmem:s21], [sflag:$0x4] =	stream.indirect.gather [hbm4b:s1+s14], $0x40, s31, s14, $0xb8;
	[tilespmem:$0x16940] =	vst v63  }
.Ltmp0:
0x6c: {  	_ = 	snop;
	(pc) =	sbr.rel @p0 .LBB2_2-.Ltmp0, $4  }
0x6d: {  	s30 =	sadd.s32 $0x2980, s30  }
0x6e: {  	[spmem:s3] =	stream.indirect.scatter.add.f32 [tilespmem:s21], [sflag:$0x5], $0x40, s30, s14, $0xb8;
	[tilespmem:$0x16940] =	vst v63  }
0x6f: {  	_ =	swait.ge [sflag:s12], $0x1F40  }
0x70: {  	[sflag:s12] =	ssyncset.done $0x0  }
0x71: {  	[sflag:s12] =	ssyncadd.s32 $0xFFFFE0C0  }
0x72: {  	_ =	swait.ge [sflag:s22], $0x1F40  }
0x73: {  	[sflag:s22] =	ssyncset.done $0x0  }
0x74: {  	s29 =	simm.s32 $0x2600;
	[sflag:s22] =	ssyncadd.s32 $0xFFFFE0C0  }
0x75: {  	[tilespmem:s15], [sflag:$0x1] =	stream.indirect.gather [hbm4b:s1+s14], $0x40, s29, s14, $0xb8;
	[tilespmem:$0x16940] =	vst v63  }
0x76: {  	s30 =	simm.s32 $0x4C00  }
0x77: {  	[spmem:s3] =	stream.indirect.scatter.add.f32 [tilespmem:s15], [sflag:$0x5], $0x40, s30, s14, $0xb8;
	[tilespmem:$0x16940] =	vst v63  }
0x78: {  	_ =	swait.ge [sflag:s12], $0x1F40  }
0x79: {  	[sflag:s12] =	ssyncset.done $0x0  }
0x7a: {  	[sflag:s12] =	ssyncadd.s32 $0xFFFFE0C0  }
0x7b: {  	_ =	swait.ge [sflag:s23], $0x1F40  }
0x7c: {  	[sflag:s23] =	ssyncset.done $0x0  }
0x7d: {  	s31 =	simm.s32 $0x2680;
	[sflag:s23] =	ssyncadd.s32 $0xFFFFE0C0  }
0x7e: {  	[tilespmem:s17], [sflag:$0x2] =	stream.indirect.gather [hbm4b:s1+s14], $0x40, s31, s14, $0xb8;
	[tilespmem:$0x16940] =	vst v63  }
0x7f: {  	s30 =	simm.s32 $0x4C80  }
0x80: {  	[spmem:s3] =	stream.indirect.scatter.add.f32 [tilespmem:s17], [sflag:$0x5], $0x40, s30, s14, $0xb8;
	[tilespmem:$0x16940] =	vst v63  }
0x81: {  	_ =	swait.ge [sflag:s12], $0x1F40  }
0x82: {  	[sflag:s12] =	ssyncset.done $0x0  }
0x83: {  	[sflag:s12] =	ssyncadd.s32 $0xFFFFE0C0  }
0x84: {  	_ =	swait.ge [sflag:s24], $0x1F40  }
0x85: {  	[sflag:s24] =	ssyncset.done $0x0  }
0x86: {  	s31 =	simm.s32 $0x2700;
	[sflag:s24] =	ssyncadd.s32 $0xFFFFE0C0  }
0x87: {  	[tilespmem:s19], [sflag:$0x3] =	stream.indirect.gather [hbm4b:s1+s14], $0x40, s31, s14, $0xb8;
	[tilespmem:$0x16940] =	vst v63  }
0x88: {  	_ = 	snop  }
0x89: {  	[spmem:s3] =	stream.indirect.scatter.add.f32 [tilespmem:s19], [sflag:$0x5], $0x40, s2, s14, $0xb8;
	[tilespmem:$0x16940] =	vst v63  }
0x8a: {  	_ =	swait.ge [sflag:s12], $0x1F40  }
0x8b: {  	[sflag:s12] =	ssyncset.done $0x0  }
0x8c: {  	[sflag:s12] =	ssyncadd.s32 $0xFFFFE0C0  }
0x8d: {  	_ =	swait.ge [sflag:s25], $0x1F40  }
0x8e: {  	[sflag:s25] =	ssyncset.done $0x0  }
0x8f: {  	[sflag:s25] =	ssyncadd.s32 $0xFFFFE0C0  }
0x90: {  	[tilespmem:s21], [sflag:$0x4] =	stream.indirect.gather [hbm4b:s1+s14], $0x40, s0, s14, $0xb8;
	[tilespmem:$0x16940] =	vst v63  }
0x91: {  	_ = 	snop  }
0x92: {  	[spmem:s3] =	stream.indirect.scatter.add.f32 [tilespmem:s21], [sflag:$0x5], $0x40, s13, s14, $0xb8;
	[tilespmem:$0x16940] =	vst v63  }
0x93: {  	_ =	swait.ge [sflag:s12], $0x1F40  }
0x94: {  	[sflag:s12] =	ssyncset.done $0x0  }
0x95: {  	[sflag:s12] =	ssyncadd.s32 $0xFFFFE0C0  }
0x96: {  	_ =	swait.ge [sflag:s22], $0x1F40  }
0x97: {  	[sflag:s22] =	ssyncset.done $0x0  }
0x98: {  	[sflag:s22] =	ssyncadd.s32 $0xFFFFE0C0  }
0x99: {  	[tilespmem:s15], [sflag:$0x1] =	stream.indirect.gather [hbm4b:s1+s14], $0x40, s0, s14, $0xb8;
	[tilespmem:$0x16940] =	vst v63  }
0x9a: {  	_ = 	snop  }
0x9b: {  	[spmem:s3] =	stream.indirect.scatter.add.f32 [tilespmem:s15], [sflag:$0x5], $0x40, s16, s14, $0xb8;
	[tilespmem:$0x16940] =	vst v63  }
0x9c: {  	_ =	swait.ge [sflag:s12], $0x1F40  }
0x9d: {  	[sflag:s12] =	ssyncset.done $0x0  }
0x9e: {  	[sflag:s12] =	ssyncadd.s32 $0xFFFFE0C0  }
0x9f: {  	_ =	swait.ge [sflag:s23], $0x1F40  }
0xa0: {  	[sflag:s23] =	ssyncset.done $0x0  }
0xa1: {  	[sflag:s23] =	ssyncadd.s32 $0xFFFFE0C0  }
0xa2: {  	[tilespmem:s17], [sflag:$0x2] =	stream.indirect.gather [hbm4b:s1+s14], $0x40, s0, s14, $0xb8;
	[tilespmem:$0x16940] =	vst v63  }
0xa3: {  	_ = 	snop  }
0xa4: {  	[spmem:s3] =	stream.indirect.scatter.add.f32 [tilespmem:s17], [sflag:$0x5], $0x40, s18, s14, $0xb8;
	[tilespmem:$0x16940] =	vst v63  }
0xa5: {  	_ =	swait.ge [sflag:s12], $0x1F40  }
0xa6: {  	[sflag:s12] =	ssyncset.done $0x0  }
0xa7: {  	[sflag:s12] =	ssyncadd.s32 $0xFFFFE0C0  }
0xa8: {  	_ =	swait.ge [sflag:s24], $0x1F40  }
0xa9: {  	[sflag:s24] =	ssyncset.done $0x0  }
0xaa: {  	[sflag:s24] =	ssyncadd.s32 $0xFFFFE0C0  }
0xab: {  	[tilespmem:s19], [sflag:$0x3] =	stream.indirect.gather [hbm4b:s1+s14], $0x40, s0, s14, $0xb8;
	[tilespmem:$0x16940] =	vst v63  }
0xac: {  	_ = 	snop  }
0xad: {  	[spmem:s3] =	stream.indirect.scatter.add.f32 [tilespmem:s19], [sflag:$0x5], $0x40, s20, s14, $0xb8;
	[tilespmem:$0x16940] =	vst v63  }
0xae: {  	_ =	swait.ge [sflag:s12], $0x1F40  }
0xaf: {  	[sflag:s12] =	ssyncset.done $0x0  }
0xb0: {  	[sflag:s12] =	ssyncadd.s32 $0xFFFFE0C0  }
0xb1: {  	_ =	swait.ge [sflag:s25], $0x1F40  }
0xb2: {  	[sflag:s25] =	ssyncset.done $0x0  }
0xb3: {  	[sflag:s25] =	ssyncadd.s32 $0xFFFFE0C0  }
0xb4: {  	[tilespmem:s21], [sflag:$0x4] =	stream.indirect.gather [hbm4b:s1+s14], $0x40, s0, s14, $0xb8;
	[tilespmem:$0x16940] =	vst v63  }
0xb5: {  	_ = 	snop  }
0xb6: {  	[spmem:s3] =	stream.indirect.scatter.add.f32 [tilespmem:s21], [sflag:$0x5], $0x40, s26, s14, $0xb8;
	[tilespmem:$0x16940] =	vst v63  }
0xb7: {  	_ =	swait.ge [sflag:s12], $0x1F40  }
0xb8: {  	[sflag:s12] =	ssyncset.done $0x0  }
0xb9: {  	[sflag:s12] =	ssyncadd.s32 $0xFFFFE0C0  }
0xba: {  	_ =	swait.ge [sflag:s22], $0x1F40  }
0xbb: {  	[sflag:s22] =	ssyncset.done $0x0  }
0xbc: {  	[sflag:s22] =	ssyncadd.s32 $0xFFFFE0C0  }
0xbd: {  	_ =	swait.ge [sflag:s23], $0x1F40  }
0xbe: {  	[sflag:s23] =	ssyncset.done $0x0  }
0xbf: {  	[sflag:s23] =	ssyncadd.s32 $0xFFFFE0C0  }
0xc0: {  	_ =	swait.ge [sflag:s24], $0x1F40  }
0xc1: {  	[sflag:s24] =	ssyncset.done $0x0  }
0xc2: {  	[sflag:s24] =	ssyncadd.s32 $0xFFFFE0C0  }
0xc3: {  	_ =	swait.ge [sflag:s25], $0x1F40  }
0xc4: {  	s28 =	sadd.s32 $0x1, s28;
	[sflag:s25] =	ssyncset.done $0x0  }
0xc5: {  	p0 =	sne.s32 s28, s10;
	[sflag:s25] =	ssyncadd.s32 $0xFFFFE0C0  }
.Ltmp1:
0xc6: {  	[bflag:$0x0] =	sbarrier.arrive $0xFFFF;
	(pc) =	sbr.rel @p0 .LBB2_1-.Ltmp1, $4  }
0xc7: {  	[hbm:s9], [sflag:s6] =	dma.local [spmem:s11], $0x1388  }
0xc8: {  	_ =	swait.ge [sflag:s12], $0x1388  }
0xc9: {  	[sflag:s12] =	ssyncset.done $0x0  }
0xca: {  	[sflag:s12] =	ssyncadd.s32 $0xFFFFEC78  }
0xcb: {  	_ =	sfence.sel $0x180000  }
0xcc: {  	[bflag:$0x0] =	sbarrier.arrive $0xFFFF  }
0xcd: {  	_ =	strace $0x90000050  }
0xce: {  	s0 =	stileid.u32;
	[bflag:$0x2] =	sbarrier.arrive $0xFFFF  }
0xcf: {  	p0 =	sne.s32 s0, $0x0;
	s0 =	rddreg [dreg:$0x3]  }
0xd0: {  	s0 =	sadd.s32 @!p0 $0x100000, s0  }
0xd1: {  	[sflag:s0] =	ssyncadd.tile.s32 @!p0 $0x1;
	_ =	shalt  }
.Lfunc_end2:
_tile_overlayer_lowered:
.L_overlay_start_2:
0xd2: {  	(tag) =	ssettag $0x2  }
0xd3: {  	s0 =	rddreg [dreg:$0x0];
	s2 =	stileid.u32  }
0xd4: {  	s1 =	rddreg [dreg:$0x1];
	p0 =	sne.s32 s2, $0x0  }
0xd5: {  	s3 =	rddreg [dreg:$0x2];
	[bflag:$0x3] =	sbarrier.arrive $0xFFFF;
	s2 =	simm.s32 @!p0 $0x1C05  }
0xd6: {  	[timem:s3], [sflag:s2] =	dma.local @!p0 [hbm:s0], s1  }
0xd7: {  	s0 =	simm.s32 @!p0 $0x5  }
0xd8: {  	_ =	swait.ge @!p0 [sflag:s0], s1  }
0xd9: {  	s1 =	ssub.s32 @!p0 $0x0, s1;
	[sflag:s0] =	ssyncset.done @!p0 $0x0  }
0xda: {  	[sflag:s0] =	ssyncadd.s32 @!p0 s1  }
0xdb: {  	[bflag:$0x3] =	sbarrier.arrive $0xFFFF  }
0xdc: {  	_ =	shalt  }

// kernel: kernel.9.cloned.1.call-start
scs
__scs_entry_jumppad:
0x0: {  	(pc) =	sbr.rel $0x88, $3  }
0x1: {  	(tag) =	ssettag $0x0;
	lr =	simm.s32 $0x1  }
0x2: {  	[smem:$0x3F9B] =	sst lr;
	_ =	strace $0xD0000000  }
0x3: {  	_ = 	snop  }
0x4: {  	_ = 	snop  }
0x5: {  	_ = 	snop  }
0x6: {  	_ = 	snop  }
0x7: {  	_ = 	snop  }
__scs_overlays_trampoline_lowered:
0x8: {  	[smem:$0x3FAA] =	sst s0  }
0x9: {  	[smem:$0x3FAB] =	sst s1  }
0xa: {  	[smem:$0x3FAC] =	sst s2  }
0xb: {  	[smem:$0x3FAD] =	sst s3  }
0xc: {  	[smem:$0x3FAE] =	sst s4  }
0xd: {  	[smem:$0x3FAF] =	sst s5  }
0xe: {  	[smem:$0x3FB0] =	sst s6  }
0xf: {  	[smem:$0x3FB1] =	sst s7  }
0x10: {  	[smem:$0x3FB2] =	sst s8  }
0x11: {  	[smem:$0x3FB3] =	sst s9;
	s0 =	simm.s32 @!p0 $0x0  }
0x12: {  	s1 =	sld [smem:$0x3F99];
	s0 =	simm.s32 @p0 $0x1  }
0x13: {  	[smem:$0x3FB4] =	sst s0;
	s0 =	simm.s32 @!p1 $0x0  }
0x14: {  	s2 =	sld [smem:$0x3F98];
	s0 =	simm.s32 @p1 $0x1  }
0x15: {  	[smem:$0x3FB5] =	sst s0;
	s0 =	simm.s32 @!p2 $0x0  }
0x16: {  	s3 =	sld [smem:$0x3FDB];
	s0 =	simm.s32 @p2 $0x1  }
0x17: {  	s4 =	simm.s32 $0x1BF5;
	[smem:$0x3FB7] =	sst s0  }
0x18: {  	s0 =	sld [smem:$0x3F9A];
	_ =	swait.ge [sflag:s4], $0x0  }
0x19: {  	s7 =	sld [smem:$0x3F9B]  }
0x1a: {  	s8 =	sadd.s32 $0xFFFFE003, lr  }
0x1b: {  	s9 =	sadd.s32 $0xFFFFFEF7, lr;
	s5 =	simm.s32 $0xFFFFFFFF;
	p2 =	slt.u32 s8, $0xFFFFF086  }
0x1c: {  	p1 =	slt.u32 s9, $0xF7A;
	s5 =	simm.s32 @!p2 $0x0  }
0x1d: {  	s5 =	simm.s32 @p1 $0x1;
	p0 =	seq.s32 s7, s2  }
0x1e: {  	s7 =	smul.u32 @!p0 $0xF7A, s2;
	p2 =	seq.s32 @!p0 s5, $0x0  }
0x1f: {  	s9 =	smul.u32 $0xF7A, s1;
	s8 =	simm.s32 @!p0 $0x1BF5;
	p2 =	por !p2, p0  }
0x20: {  	[sflag:s8] =	ssyncset.s32 @!p0 $0xFFFFF086;
	s6 =	sadd.s32 @!p0 s3, s7;
	s7 =	simm.s32 @!p0 $0x108  }
0x21: {  	s3 =	sadd.s32 s3, s9;
	s6 =	sadd.s32 @!p0 $0x88, s6;
	s7 =	simm.s32 @p2 $0x1082  }
0x22: {  	[simem:s7], [sflag:s8] =	dma.local @!p0 [hbm:s6], $0xF7A  }
0x23: {  	s9 =	sor.u32 $0xD0000000, s2;
	s6 =	simm.s32 $0x108;
	_ =	swait.ge @!p0 [sflag:s8], $0x0  }
0x24: {  	s3 =	sadd.s32 $0x88, s3;
	s6 =	simm.s32 @!p1 $0x1082;
	[sflag:s4] =	ssyncset.s32 $0xFFFFF086  }
0x25: {  	[simem:s6], [sflag:s4] =	dma.local [hbm:s3], $0xF7A  }
0x26: {  	[smem:$0x3F9B] =	sst s1;
	(tag) =	ssettag s2;
	_ =	strace s9  }
0x27: {  	s1 =	sld [smem:$0x3FAB]  }
0x28: {  	s2 =	sld [smem:$0x3FAC]  }
0x29: {  	s4 =	sld [smem:$0x3FAE]  }
0x2a: {  	p0 =	seq.s32 s5, $0x0;
	s5 =	sld [smem:$0x3FAF]  }
0x2b: {  	s6 =	sld [smem:$0x3FB0]  }
0x2c: {  	s7 =	sld [smem:$0x3FB1]  }
0x2d: {  	s3 =	simm.s32 $0x108;
	s8 =	sld [smem:$0x3FB2]  }
0x2e: {  	s3 =	simm.s32 @!p0 $0x1082;
	s9 =	sld [smem:$0x3FB3]  }
0x2f: {  	lr =	sadd.s32 s0, s3;
	s0 =	sld [smem:$0x3FAA]  }
0x30: {  	s3 =	sld [smem:$0x3FAD]  }
0x31: {  	[smem:$0x3FB6] =	sst s10  }
0x32: {  	s10 =	sld [smem:$0x3FB4];
	_ =	sdelay $0x3  }
0x33: {  	p0 =	seq.s32 s10, $0x1;
	s10 =	sld [smem:$0x3FB6];
	_ =	sdelay $0x3  }
0x34: {  	[smem:$0x3FB6] =	sst s10  }
0x35: {  	s10 =	sld [smem:$0x3FB5];
	_ =	sdelay $0x3  }
0x36: {  	p1 =	seq.s32 s10, $0x1;
	s10 =	sld [smem:$0x3FB6];
	_ =	sdelay $0x3  }
0x37: {  	[smem:$0x3FB6] =	sst s10  }
0x38: {  	s10 =	sld [smem:$0x3FB7]  }
0x39: {  	_ = 	snop;
	(pc) =	sbr.ind lr, $3  }
0x3a: {  	_ = 	snop  }
0x3b: {  	_ = 	snop  }
0x3c: {  	p2 =	seq.s32 s10, $0x1;
	s10 =	sld [smem:$0x3FB6]  }
0x3d: {  	_ =	shalt  }
0x3e: {  	_ =	shalt  }
0x3f: {  	_ =	shalt  }
0x40: {  	_ =	shalt  }
0x41: {  	_ =	shalt  }
0x42: {  	_ =	shalt  }
0x43: {  	_ =	shalt  }
0x44: {  	_ =	shalt  }
0x45: {  	_ =	shalt  }
0x46: {  	_ =	shalt  }
0x47: {  	_ =	shalt  }
0x48: {  	_ =	shalt  }
0x49: {  	_ =	shalt  }
0x4a: {  	_ =	shalt  }
0x4b: {  	_ =	shalt  }
0x4c: {  	_ =	shalt  }
0x4d: {  	_ =	shalt  }
0x4e: {  	_ =	shalt  }
0x4f: {  	_ =	shalt  }
0x50: {  	_ =	shalt  }
0x51: {  	_ =	shalt  }
0x52: {  	_ =	shalt  }
0x53: {  	_ =	shalt  }
0x54: {  	_ =	shalt  }
0x55: {  	_ =	shalt  }
0x56: {  	_ =	shalt  }
0x57: {  	_ =	shalt  }
0x58: {  	_ =	shalt  }
0x59: {  	_ =	shalt  }
0x5a: {  	_ =	shalt  }
0x5b: {  	_ =	shalt  }
0x5c: {  	_ =	shalt  }
0x5d: {  	_ =	shalt  }
0x5e: {  	_ =	shalt  }
0x5f: {  	_ =	shalt  }
0x60: {  	_ =	shalt  }
0x61: {  	_ =	shalt  }
0x62: {  	_ =	shalt  }
0x63: {  	_ =	shalt  }
0x64: {  	_ =	shalt  }
0x65: {  	_ =	shalt  }
0x66: {  	_ =	shalt  }
0x67: {  	_ =	shalt  }
0x68: {  	_ =	shalt  }
0x69: {  	_ =	shalt  }
0x6a: {  	_ =	shalt  }
0x6b: {  	_ =	shalt  }
0x6c: {  	_ =	shalt  }
0x6d: {  	_ =	shalt  }
0x6e: {  	_ =	shalt  }
0x6f: {  	_ =	shalt  }
0x70: {  	_ =	shalt  }
0x71: {  	_ =	shalt  }
0x72: {  	_ =	shalt  }
0x73: {  	_ =	shalt  }
0x74: {  	_ =	shalt  }
0x75: {  	_ =	shalt  }
0x76: {  	_ =	shalt  }
0x77: {  	_ =	shalt  }
0x78: {  	_ =	shalt  }
0x79: {  	_ =	shalt  }
0x7a: {  	_ =	shalt  }
0x7b: {  	_ =	shalt  }
0x7c: {  	_ =	shalt  }
0x7d: {  	_ =	shalt  }
0x7e: {  	_ =	shalt  }
0x7f: {  	_ =	shalt  }
0x80: {  	_ =	shalt  }
0x81: {  	_ =	shalt  }
0x82: {  	_ =	shalt  }
0x83: {  	_ =	shalt  }
0x84: {  	_ =	shalt  }
0x85: {  	_ =	shalt  }
0x86: {  	_ =	shalt  }
0x87: {  	_ =	shalt  }
.Lfunc_end0:
.L_simem_size_0:
called_computation_lowered:
.L_overlay_start_0:
0x88: {  	s2 =	sld [smem:$0x3FD9]  }
0x89: {  	s3 =	sld [smem:$0x3FFE];
	_ =	sdelay $0x1  }
0x8a: {  	s1 =	srdreg.scid  }
0x8b: {  	s0 =	sand.u32 $0x1, s1  }
0x8c: {  	s17 =	sshll.u32 s0, $0xA;
	s2 =	sadd.s32 s3, s2  }
0x8d: {  	s2 =	sadd.s32 s2, s17  }
0x8e: {  	[smem:$0x3FC2] =	sst s2  }
0x8f: {  	_ = 	snop  }
0x90: {  	s2 =	sld [smem:$0x3FD0];
	(tm) =	ssettm $0x1  }
0x91: {  	s18 =	sld [smem:$0x3FFB];
	_ =	sdelay $0x3  }
0x92: {  	_ =	strace s18  }
0x93: {  	s3 =	sld [smem:$0x3FFC];
	_ =	sdelay $0x3  }
0x94: {  	_ =	strace s3  }
0x95: {  	s3 =	sld [smem:$0x3FFD];
	_ =	sdelay $0x3  }
0x96: {  	_ =	strace s3  }
0x97: {  	_ =	strace $0x8FFFFFFF  }
0x98: {  	s19 =	sld [smem:$0x3FDB];
	_ =	sdelay $0x1  }
0x99: {  	s4 =	simm.s32 $_scs_section_size  }
0x9a: {  	s5 =	simm.s32 $_size__tile_overlayer_lowered;
	s6 =	simm.s32 $_tile_overlayer_lowered  }
0x9b: {  	s22 =	simm.s32 $0x1BFF;
	s21 =	sshll.u32 s6, $0x1;
	s3 =	sadd.s32 s4, s19  }
0x9c: {  	s7 =	simm.s32 $0x0;
	s20 =	sshll.u32 s5, $0x1;
	s5 =	sadd.s32 s21, s3  }
0x9d: {  	[timem:s7], [sflag:s22] =	dma.local [hbm:s5], s20  }
0x9e: {  	_ =	swait.ge [sflag:s22], s20  }
0x9f: {  	s4 =	ssub.s32 $0x0, s20;
	[sflag:s22] =	ssyncset.done $0x0  }
0xa0: {  	[sflag:s22] =	ssyncadd.s32 s4;
	_ =	sdelay $0x1  }
0xa1: {  	s23 =	simm.s32 $0x1B8B  }
0xa2: {  	_ =	swait.ge [sflag:s23], $0x1  }
0xa3: {  	[sflag:s23] =	ssyncset.done $0x0  }
0xa4: {  	s25 =	simm.s32 $0x1B8E;
	s24 =	sld [smem:$0x3FFE];
	[sflag:s23] =	ssyncadd.s32 $0xFFFFFFFF  }
0xa5: {  	s26 =	simm.s32 $execute0_lowered;
	[smem:$0x3FD2] =	sst s25  }
0xa6: {  	s5 =	sshll.u32 s26, $0x1;
	_ =	strace $0x80000046;
	[dreg:$0x1] =	wrdreg $0xFFFFFFFF  }
0xa7: {  	s28 =	simm.s32 $_size_execute0_lowered;
	s3 =	sadd.s32 s3, s5;
	[dreg:$0x0] =	wrdreg $0x0  }
0xa8: {  	s5 =	sshll.u32 s28, $0x1;
	[dreg:$0x2] =	wrdreg s3  }
0xa9: {  	[dreg:$0x3] =	wrdreg s5  }
0xaa: {  	[dreg:$0x4] =	wrdreg $0xC0  }
0xab: {  	_ =	task [dreg:s7], $0x5FFFF  }
0xac: {  	[dreg:$0x1] =	wrdreg $0xFFFFFFFF  }
0xad: {  	[dreg:$0x0] =	wrdreg $0x60  }
0xae: {  	[dreg:$0x2] =	wrdreg s24  }
0xaf: {  	[dreg:$0x3] =	wrdreg s2  }
0xb0: {  	[dreg:$0x4] =	wrdreg $0x2BE80  }
0xb1: {  	[dreg:$0x5] =	wrdreg $0x9  }
0xb2: {  	_ =	task.clear_ibuf [dreg:s7], $0x6FFFF;
	_ =	strace $0x90000046  }
0xb3: {  	s29 =	simm.s32 $0x9;
	_ =	strace $0x80000048  }
0xb4: {  	_ =	swait.ge [sflag:s29], $0x1  }
0xb5: {  	[sflag:s29] =	ssyncadd.s32 $0xFFFFFFFF  }
0xb6: {  	_ =	strace $0x90000048  }
0xb7: {  	_ =	sfence  }
0xb8: {  	s30 =	sld [smem:$0x0];
	_ =	sdelay $0x2  }
0xb9: {  	s31 =	sshll.u32 s1, $0xD;
	s1 =	sshrl.u32 s1, $0x2  }
0xba: {  	s3 =	sand.u32 $0x4000, s31;
	s1 =	sadd.s32 s1, s30  }
0xbb: {  	s0 =	sor.u32 s3, s0;
	s1 =	sshll.u32 s1, $0x11  }
0xbc: {  	s0 =	sor.u32 s1, s0  }
0xbd: {  	s0 =	sadd.s32 $0x8F2B, s0  }
0xbe: {  	[sflag:s0] =	ssyncadd.remote.s32 $0x1  }
0xbf: {  	_ =	sfence.sel $0xFFFF  }
0xc0: {  	[dreg:$0x0] =	wrdreg $0xFFFFFFFF;
	(pc) =	sbr.abs _section_cstart, $3  }
0xc1: {  	[dreg:$0x1] =	wrdreg $0xFFFFFFFF  }
0xc2: {  	_ =	task.clear_ibuf [dreg:s7], $0x2FFFF;
	_ =	strace $0x9FFFFFFF  }
0xc3: {  	(tm) =	ssettm $0x7FFFFFFF  }
tec
execute0_lowered:
.L_overlay_start_1:
0x0: {  	(tag) =	ssettag $0x1  }
0x1: {  	s6 =	rddreg [dreg:$0x0]  }
0x2: {  	s8 =	rddreg [dreg:$0x1]  }
0x3: {  	s1 =	rddreg [dreg:$0x2];
	s2 =	srdreg.scid  }
0x4: {  	s0 =	rddreg [dreg:$0x3];
	s3 =	simm.s32 $0x0;
	s14 =	simm.s32 $0x0  }
0x5: {  	s5 =	sand.u32 $0x1, s2;
	[smem:$0x7FF] =	sst s3;
	s2 =	stileid.u32  }
0x6: {  	s4 =	sshll.u32 s5, $0x4;
	_ =	strace $0x80000047;
	s7 =	smul.u32 $0x1388, s2  }
0x7: {  	s10 =	ssub.s32 $0x2, s5;
	s13 =	smul.u32 $0x13880, s5;
	s31 =	sshll.u32 s2, $0x6  }
0x8: {  	s9 =	sor.u32 s2, s4;
	s4 =	sadd.s32 $0x19600, s6;
	s12 =	sshrl.u32 s10, $0x1  }
0x9: {  	s9 =	smul.u32 $0x2800, s9;
	s11 =	sshrl.u32 s7, $0x3;
	s10 =	ssub.s32 s10, s12  }
0xa: {  	s30 =	sadd.s32 s7, s1;
	s7 =	sadd.s32 s7, s13;
	s12 =	simm.s32 $0x2800  }
0xb: {  	s29 =	sadd.s32 s11, s6;
	s13 =	sshrl.u32 s7, $0x3;
	s11 =	simm.s32 $0x1  }
0xc: {  	s5 =	sadd.s32 $0x16E00, s29;
	s9 =	sshrl.u32 s9, $0x3;
	s8 =	sadd.s32 s8, s13  }
0xd: {  	s13 =	simm.s32 $0x7D;
	s9 =	sadd.s32 s6, s9;
	s6 =	sor.u32 $0x1C01, s31  }
0xe: {  	s7 =	sadd.s32 $0xCE00, s9;
	s9 =	smax.u32 s10, $0x1;
	s10 =	sshrl.u32 s30, $0x3  }
.LBB2_1:
0xf: {  	[spmem:s10], [sflag:s6] =	dma.local [hbm:s5], $0x271  }
0x10: {  	_ =	swait.ge [sflag:s11], $0x271  }
0x11: {  	[sflag:s11] =	ssyncset.done $0x0  }
0x12: {  	[sflag:s11] =	ssyncadd.s32 $0xFFFFFD8F  }
0x13: {  	[tilespmem:s12], [sflag:$0x1] =	stream.linear.gather [hbm4b:s4+s3], $0x3E8, $0x38;
	[tilespmem:$0x3F70] =	vst v63  }
0x14: {  	_ =	swait.ge [sflag:s11], $0x3E8  }
0x15: {  	[sflag:s11] =	ssyncset.done $0x0  }
0x16: {  	[sflag:s11] =	ssyncadd.s32 $0xFFFFFC18  }
0x17: {  	[tilespmem:s3], [sflag:$0x1] =	stream.linear.gather [hbm4b:s7+s3], $0x2800, $0x38;
	[tilespmem:$0x3F70] =	vst v63  }
0x18: {  	_ =	swait.ge [sflag:s11], $0x2800  }
0x19: {  	[sflag:s11] =	ssyncset.done $0x0  }
0x1a: {  	[sflag:s11] =	ssyncadd.s32 $0xFFFFD800  }
0x1b: {  	s15 =	simm.s32 $0x0;
	[bflag:$0x0] =	sbarrier.arrive $0xFFFF  }
0x1c: {  	[spmem:s1] =	stream.indirect.scatter.add.f32 [tilespmem:s12], [sflag:$0x1], $0x8, s15, s13, $0xb8;
	[tilespmem:$0x3F70] =	vst v63  }
0x1d: {  	_ =	swait.ge [sflag:s11], $0x3E8  }
0x1e: {  	s15 =	simm.s32 $0x200;
	[sflag:s11] =	ssyncset.done $0x0  }
.LBB2_2:
0x1f: {  	s16 =	sshra.s32 s15, $0x2;
	[sflag:s11] =	ssyncadd.s32 $0xFFFFFC18;
	p0 =	sne.s32 s15, $0x9E00  }
0x20: {  	[spmem:s1] =	stream.indirect.scatter.add.f32 [tilespmem:s12], [sflag:$0x1], $0x8, s16, s13, $0xb8;
	[tilespmem:$0x3F70] =	vst v63  }
.Ltmp0:
0x21: {  	_ = 	snop;
	(pc) =	sbr.rel @p0 .LBB2_2-.Ltmp0, $4  }
0x22: {  	_ = 	snop  }
0x23: {  	s15 =	sadd.s32 $0x200, s15  }
0x24: {  	_ =	swait.ge [sflag:s11], $0x3E8  }
0x25: {  	[sflag:s11] =	ssyncset.done $0x0  }
0x26: {  	s14 =	sadd.s32 $0x1, s14  }
0x27: {  	[sflag:s11] =	ssyncadd.s32 $0xFFFFFC18;
	p0 =	sne.s32 s14, s9  }
.Ltmp1:
0x28: {  	[bflag:$0x0] =	sbarrier.arrive $0xFFFF;
	(pc) =	sbr.rel @p0 .LBB2_1-.Ltmp1, $4  }
0x29: {  	[hbm:s8], [sflag:s6] =	dma.local [spmem:s10], $0x271  }
0x2a: {  	_ =	swait.ge [sflag:s11], $0x271  }
0x2b: {  	[sflag:s11] =	ssyncset.done $0x0  }
0x2c: {  	[sflag:s11] =	ssyncadd.s32 $0xFFFFFD8F  }
0x2d: {  	_ =	sfence.sel $0x180000  }
0x2e: {  	[bflag:$0x0] =	sbarrier.arrive $0xFFFF  }
0x2f: {  	p0 =	sne.s32 s2, $0x0;
	_ =	strace $0x90000047  }
0x30: {  	s0 =	sadd.s32 @!p0 $0x100000, s0;
	[bflag:$0x2] =	sbarrier.arrive $0xFFFF  }
0x31: {  	[sflag:s0] =	ssyncadd.tile.s32 @!p0 $0x1;
	_ =	shalt  }
.Lfunc_end2:
_tile_overlayer_lowered:
.L_overlay_start_2:
0x32: {  	(tag) =	ssettag $0x2  }
0x33: {  	s0 =	rddreg [dreg:$0x0];
	s2 =	stileid.u32  }
0x34: {  	s1 =	rddreg [dreg:$0x1];
	p0 =	sne.s32 s2, $0x0  }
0x35: {  	s3 =	rddreg [dreg:$0x2];
	[bflag:$0x3] =	sbarrier.arrive $0xFFFF;
	s2 =	simm.s32 @!p0 $0x1C01  }
0x36: {  	[timem:s3], [sflag:s2] =	dma.local @!p0 [hbm:s0], s1  }
0x37: {  	s0 =	simm.s32 @!p0 $0x1  }
0x38: {  	_ =	swait.ge @!p0 [sflag:s0], s1  }
0x39: {  	s1 =	ssub.s32 @!p0 $0x0, s1;
	[sflag:s0] =	ssyncset.done @!p0 $0x0  }
0x3a: {  	[sflag:s0] =	ssyncadd.s32 @!p0 s1  }
0x3b: {  	[bflag:$0x3] =	sbarrier.arrive $0xFFFF  }
0x3c: {  	_ =	shalt  }

</sc_bundles>
